<compile_context>
chip_gen: v7x
topology: tpu7x:2x2x1
jax: 0.10.2.dev20260603
libtpu: 0.0.44.dev20260713+nightly
codegen_flags: <defaults>
</compile_context>

<pallas_src>
import functools

import jax
import jax.numpy as jnp
from jax import lax
from jax.experimental import pallas as pl
from jax.experimental.pallas import tpu as pltpu
from jax.experimental.pallas import tpu_sc as plsc

_N = 1000
_B = 16384
_EPS = 0.1

_L = 16
_NC = 2
_NS = 16
_NW = _NC * _NS
_BPW = _B // _NW
_R = 32
_NCHUNK = _BPW // _R
_NSLICE = _N // _L


def _sc_body(x_hbm, tgt_hbm, out_hbm, tgt_v, slab0_v, slab1_v, part_v, sem0, sem1):
    wid = lax.axis_index("s") * _NC + lax.axis_index("c")
    base = wid * _BPW
    pltpu.sync_copy(tgt_hbm.at[pl.ds(base, _BPW)], tgt_v)
    lanes = lax.iota(jnp.int32, _L)
    tailmask = lanes >= 8
    zero = jnp.zeros((_L,), jnp.float32)

    pltpu.async_copy(x_hbm.at[pl.ds(base, _R)], slab0_v.at[pl.ds(0, _R)], sem0)
    pltpu.async_copy(
        x_hbm.at[pl.ds(base + _R, _R)], slab1_v.at[pl.ds(0, _R)], sem1
    )
    sems = (sem0, sem1)
    slabs = (slab0_v, slab1_v)

    def process(j, b, carry):
        a0, a1, a2, a3, gsc = carry
        slab = slabs[b]
        pltpu.make_async_copy(
            x_hbm.at[pl.ds(0, _R)], slab.at[pl.ds(0, _R)], sems[b]
        ).wait()

        def row_body(r, rc):
            accs = list(rc)
            for c in range(_NSLICE):
                v = slab[r, pl.ds(c * _L, _L)]
                accs[c % 4] = accs[c % 4] + v
            vt = slab[r, pl.ds(_N - _L, _L)]
            accs[3] = accs[3] + jnp.where(tailmask, vt, zero)
            return tuple(accs)

        a0, a1, a2, a3 = lax.fori_loop(0, _R, row_body, (a0, a1, a2, a3))

        for h in range(_R // _L):
            toff = pl.multiple_of(j * _R + h * _L, _L)
            tv = tgt_v[pl.ds(toff, _L)]
            for k in range(_L):
                t = tv[k]
                c0 = pl.multiple_of((t >> 4) << 4, _L)
                v = slab[h * _L + k, pl.ds(c0, _L)]
                gsc = gsc + jnp.where(lanes == t - c0, v, zero)

        @pl.when(j + 2 < _NCHUNK)
        def _fire_next():
            pltpu.async_copy(
                x_hbm.at[pl.ds(base + (j + 2) * _R, _R)],
                slab.at[pl.ds(0, _R)],
                sems[b],
            )

        return (a0, a1, a2, a3, gsc)

    def outer(p, carry):
        carry = process(2 * p, 0, carry)
        carry = process(2 * p + 1, 1, carry)
        return carry

    init = (zero, zero, zero, zero, zero)
    a0, a1, a2, a3, gsc = lax.fori_loop(0, _NCHUNK // 2, outer, init)
    dsum = (a0 + a1) + (a2 + a3)
    part_v[...] = dsum * (_EPS / _N) + gsc * (1.0 - _EPS)
    pltpu.sync_copy(part_v, out_hbm.at[wid])


_sc_loss = functools.partial(
    pl.kernel,
    out_type=jax.ShapeDtypeStruct((_NW, _L), jnp.float32),
    mesh=plsc.VectorSubcoreMesh(core_axis_name="c", subcore_axis_name="s"),
    scratch_types=[
        pltpu.VMEM((_BPW,), jnp.int32),
        pltpu.VMEM((_R + 1, _N), jnp.float32),
        pltpu.VMEM((_R + 1, _N), jnp.float32),
        pltpu.VMEM((_L,), jnp.float32),
        pltpu.SemaphoreType.DMA,
        pltpu.SemaphoreType.DMA,
    ],
)(_sc_body)


def kernel(inputs, targets):
    targets = targets.astype(jnp.int32)
    partials = _sc_loss(inputs, targets)
    return -jnp.sum(partials) / _B

# --- scband reference (transcript-rebuilt; emitter-appended) ---
"""Pipeline reference for scband-cross-entropy-label-smooth-18382460027244 (READ-ONLY COPY).

The authoritative reference and input builder live on the scoring server;
editing this copy changes nothing except your own understanding.
"""

import jax, jax.numpy as jnp
import numpy as np

NUM_CLASSES = 1000
EPSILON = 0.1
BATCH = 16384


def setup_inputs(seed: int = 0) -> dict:
    key = jax.random.key(seed)
    k1, k2 = jax.random.split(key)
    inputs = jax.random.normal(k1, (BATCH, NUM_CLASSES), dtype=jnp.float32)
    targets = jax.random.randint(k2, (BATCH,), 0, NUM_CLASSES, dtype=jnp.int64 if jax.config.jax_enable_x64 else jnp.int32)
    return {"inputs": inputs, "targets": targets}


def reference(inputs, targets):
    # one-hot via scatter-overwrite, matching torch.zeros(...).scatter_(1, targets.unsqueeze(1), 1)
    one_hot = jnp.zeros(inputs.shape, dtype=inputs.dtype).at[jnp.arange(inputs.shape[0]), targets].set(1.0)
    smoothed = (1.0 - EPSILON) * one_hot + EPSILON / NUM_CLASSES
    loss = (-smoothed * inputs).mean(0).sum()
    return loss

if __name__ == "__main__":
    import jax
    _d = setup_inputs()
    print(jax.jit(kernel)(*tuple(_d.values())))

</pallas_src>

<mosaic_0001>
#map = affine_map<(d0, d1) -> (0, 0)>
#map1 = affine_map<(d0, d1) -> (0)>
module attributes {stable_mosaic.version = 14 : i64} {
  func.func @_sc_body(%arg0: i32, %arg1: i32, %arg2: memref<16384x1000xf32, #tpu.memory_space<hbm>>, %arg3: memref<16384xi32, #tpu.memory_space<hbm>>, %arg4: memref<32x16xf32, #tpu.memory_space<hbm>>, %arg5: memref<512xi32, #tpu.memory_space<vmem>>, %arg6: memref<33x1000xf32, #tpu.memory_space<vmem>>, %arg7: memref<33x1000xf32, #tpu.memory_space<vmem>>, %arg8: memref<16xf32, #tpu.memory_space<vmem>>, %arg9: memref<!tpu.dma_semaphore, #tpu.memory_space<semaphore_mem>>, %arg10: memref<!tpu.dma_semaphore, #tpu.memory_space<semaphore_mem>>) attributes {dimension_semantics = [#tpu.dimension_semantics<core_parallel>, #tpu.dimension_semantics<subcore_parallel>], iteration_bounds = array<i64: 2, 16>, scalar_prefetch = 0 : i64, scratch_operands = 6 : i64, tpu.core_type = #tpu.core_type<sc_vector_subcore>, window_params = [{transform_indices = #map}, {transform_indices = #map1}, {transform_indices = #map}]} {
    %mul3A = arith.constant 2 : i32
    %mul3A_0 = arith.muli %arg1, %mul3A : i32
    %add3A = arith.addi %mul3A_0, %arg0 : i32
    %mul3A_1 = arith.constant 512 : i32
    %mul3A_2 = arith.muli %add3A, %mul3A_1 : i32
    "tpu.region"() ({
      %run_scoped3A = tpu.sem_alloc : memref<!tpu.dma_semaphore, #tpu.memory_space<semaphore_mem>>
      %dma_start3A_45 = tpu.memref_slice %arg3[%mul3A_2] : memref<16384xi32, #tpu.memory_space<hbm>> -> memref<512xi32, #tpu.memory_space<hbm>>
      %dma_start3A_46 = tpu.memref_slice %arg3[%mul3A_2] : memref<16384xi32, #tpu.memory_space<hbm>> -> memref<512xi32, #tpu.memory_space<hbm>>
      tpu.enqueue_dma source(%dma_start3A_46 : memref<512xi32, #tpu.memory_space<hbm>>) target(%arg5 : memref<512xi32, #tpu.memory_space<vmem>>) target_semaphore(%run_scoped3A : memref<!tpu.dma_semaphore, #tpu.memory_space<semaphore_mem>>)
      %dma_wait3A = tpu.memref_slice %arg3[%mul3A_2] : memref<16384xi32, #tpu.memory_space<hbm>> -> memref<512xi32, #tpu.memory_space<hbm>>
      %dma_wait3A_47 = tpu.memref_slice %arg3[%mul3A_2] : memref<16384xi32, #tpu.memory_space<hbm>> -> memref<512xi32, #tpu.memory_space<hbm>>
      tpu.wait_dma2 semaphore(%run_scoped3A : memref<!tpu.dma_semaphore, #tpu.memory_space<semaphore_mem>>) src(%dma_wait3A_47 : memref<512xi32, #tpu.memory_space<hbm>>) dst(%arg5 : memref<512xi32, #tpu.memory_space<vmem>>)
      tpu.yield
    }) : () -> ()
    %iota3A = tpu.iota {dimensions = array<i32: 0>} : vector<16xi32>
    %ge3A = arith.constant 8 : i32
    %ge3A_3 = vector.broadcast %ge3A : i32 to vector<16xi32>
    %ge3A_4 = arith.cmpi sge, %iota3A, %ge3A_3 : vector<16xi32>
    %broadcast_in_dim3A = arith.constant 0.000000e+00 : f32
    %broadcast_in_dim3A_5 = vector.broadcast %broadcast_in_dim3A : f32 to vector<16xf32>
    %dma_start3A = arith.constant 0 : i32
    %dma_start3A_6 = arith.constant 0 : i32
    %dma_start3A_7 = tpu.memref_slice %arg6[%dma_start3A, %dma_start3A_6] : memref<33x1000xf32, #tpu.memory_space<vmem>> -> memref<32x1000xf32, #tpu.memory_space<vmem>>
    %dma_start3A_8 = arith.constant 0 : i32
    %dma_start3A_9 = tpu.memref_slice %arg2[%mul3A_2, %dma_start3A_8] : memref<16384x1000xf32, #tpu.memory_space<hbm>> -> memref<32x1000xf32, #tpu.memory_space<hbm>>
    %dma_start3A_10 = arith.constant 0 : i32
    %dma_start3A_11 = arith.constant 0 : i32
    %dma_start3A_12 = tpu.memref_slice %arg6[%dma_start3A_10, %dma_start3A_11] : memref<33x1000xf32, #tpu.memory_space<vmem>> -> memref<32x1000xf32, #tpu.memory_space<vmem>>
    %dma_start3A_13 = arith.constant 0 : i32
    %dma_start3A_14 = tpu.memref_slice %arg2[%mul3A_2, %dma_start3A_13] : memref<16384x1000xf32, #tpu.memory_space<hbm>> -> memref<32x1000xf32, #tpu.memory_space<hbm>>
    tpu.enqueue_dma source(%dma_start3A_14 : memref<32x1000xf32, #tpu.memory_space<hbm>>) target(%dma_start3A_12 : memref<32x1000xf32, #tpu.memory_space<vmem>>) target_semaphore(%arg9 : memref<!tpu.dma_semaphore, #tpu.memory_space<semaphore_mem>>)
    %add3A_15 = arith.constant 32 : i32
    %add3A_16 = arith.addi %mul3A_2, %add3A_15 : i32
    %dma_start3A_17 = arith.constant 0 : i32
    %dma_start3A_18 = arith.constant 0 : i32
    %dma_start3A_19 = tpu.memref_slice %arg7[%dma_start3A_17, %dma_start3A_18] : memref<33x1000xf32, #tpu.memory_space<vmem>> -> memref<32x1000xf32, #tpu.memory_space<vmem>>
    %dma_start3A_20 = arith.constant 0 : i32
    %dma_start3A_21 = tpu.memref_slice %arg2[%add3A_16, %dma_start3A_20] : memref<16384x1000xf32, #tpu.memory_space<hbm>> -> memref<32x1000xf32, #tpu.memory_space<hbm>>
    %dma_start3A_22 = arith.constant 0 : i32
    %dma_start3A_23 = arith.constant 0 : i32
    %dma_start3A_24 = tpu.memref_slice %arg7[%dma_start3A_22, %dma_start3A_23] : memref<33x1000xf32, #tpu.memory_space<vmem>> -> memref<32x1000xf32, #tpu.memory_space<vmem>>
    %dma_start3A_25 = arith.constant 0 : i32
    %dma_start3A_26 = tpu.memref_slice %arg2[%add3A_16, %dma_start3A_25] : memref<16384x1000xf32, #tpu.memory_space<hbm>> -> memref<32x1000xf32, #tpu.memory_space<hbm>>
    tpu.enqueue_dma source(%dma_start3A_26 : memref<32x1000xf32, #tpu.memory_space<hbm>>) target(%dma_start3A_24 : memref<32x1000xf32, #tpu.memory_space<vmem>>) target_semaphore(%arg10 : memref<!tpu.dma_semaphore, #tpu.memory_space<semaphore_mem>>)
    %scan3A = arith.constant 0 : i32
    %scan3A_27 = arith.constant 8 : i32
    %scan3A_28 = arith.addi %scan3A, %scan3A_27 : i32
    %scan3A_29 = arith.constant 1 : i32
    %scan3A_30:5 = scf.for %scan3A_45 = %scan3A to %scan3A_28 step %scan3A_29 iter_args(%scan3A_46 = %broadcast_in_dim3A_5, %scan3A_47 = %broadcast_in_dim3A_5, %scan3A_48 = %broadcast_in_dim3A_5, %scan3A_49 = %broadcast_in_dim3A_5, %scan3A_50 = %broadcast_in_dim3A_5) -> (vector<16xf32>, vector<16xf32>, vector<16xf32>, vector<16xf32>, vector<16xf32>)  : i32 {
      %mul3A_51 = arith.constant 2 : i32
      %mul3A_52 = arith.muli %mul3A_51, %scan3A_45 : i32
      %dma_wait3A = arith.constant 0 : i32
      %dma_wait3A_53 = arith.constant 0 : i32
      %dma_wait3A_54 = tpu.memref_slice %arg6[%dma_wait3A, %dma_wait3A_53] : memref<33x1000xf32, #tpu.memory_space<vmem>> -> memref<32x1000xf32, #tpu.memory_space<vmem>>
      %dma_wait3A_55 = arith.constant 0 : i32
      %dma_wait3A_56 = arith.constant 0 : i32
      %dma_wait3A_57 = tpu.memref_slice %arg2[%dma_wait3A_55, %dma_wait3A_56] : memref<16384x1000xf32, #tpu.memory_space<hbm>> -> memref<32x1000xf32, #tpu.memory_space<hbm>>
      %dma_wait3A_58 = arith.constant 0 : i32
      %dma_wait3A_59 = arith.constant 0 : i32
      %dma_wait3A_60 = tpu.memref_slice %arg6[%dma_wait3A_58, %dma_wait3A_59] : memref<33x1000xf32, #tpu.memory_space<vmem>> -> memref<32x1000xf32, #tpu.memory_space<vmem>>
      %dma_wait3A_61 = arith.constant 0 : i32
      %dma_wait3A_62 = arith.constant 0 : i32
      %dma_wait3A_63 = tpu.memref_slice %arg2[%dma_wait3A_61, %dma_wait3A_62] : memref<16384x1000xf32, #tpu.memory_space<hbm>> -> memref<32x1000xf32, #tpu.memory_space<hbm>>
      tpu.wait_dma2 semaphore(%arg9 : memref<!tpu.dma_semaphore, #tpu.memory_space<semaphore_mem>>) src(%dma_wait3A_63 : memref<32x1000xf32, #tpu.memory_space<hbm>>) dst(%dma_wait3A_60 : memref<32x1000xf32, #tpu.memory_space<vmem>>)
      %scan3A_64 = arith.constant 0 : i32
      %scan3A_65 = arith.constant 32 : i32
      %scan3A_66 = arith.addi %scan3A_64, %scan3A_65 : i32
      %scan3A_67 = arith.constant 1 : i32
      %scan3A_68:4 = scf.for %scan3A_1214 = %scan3A_64 to %scan3A_66 step %scan3A_67 iter_args(%scan3A_1215 = %scan3A_46, %scan3A_1216 = %scan3A_47, %scan3A_1217 = %scan3A_48, %scan3A_1218 = %scan3A_49) -> (vector<16xf32>, vector<16xf32>, vector<16xf32>, vector<16xf32>)  : i32 {
        %get3A_1219 = arith.index_cast %scan3A_1214 : i32 to index
        %get3A_1220 = arith.constant 0 : index
        %get3A_1221 = tpu.vector_load %arg6[%get3A_1219, %get3A_1220] {strides = array<i32>} : memref<33x1000xf32, #tpu.memory_space<vmem>>, vector<1x16xf32>,
        %get3A_1222 = vector.shape_cast %get3A_1221 : vector<1x16xf32> to vector<16xf32>
        %add3A_1223 = arith.addf %scan3A_1215, %get3A_1222 : vector<16xf32>
        %get3A_1224 = arith.index_cast %scan3A_1214 : i32 to index
        %get3A_1225 = arith.constant 16 : index
        %get3A_1226 = tpu.vector_load %arg6[%get3A_1224, %get3A_1225] {strides = array<i32>} : memref<33x1000xf32, #tpu.memory_space<vmem>>, vector<1x16xf32>,
        %get3A_1227 = vector.shape_cast %get3A_1226 : vector<1x16xf32> to vector<16xf32>
        %add3A_1228 = arith.addf %scan3A_1216, %get3A_1227 : vector<16xf32>
        %get3A_1229 = arith.index_cast %scan3A_1214 : i32 to index
        %get3A_1230 = arith.constant 32 : index
        %get3A_1231 = tpu.vector_load %arg6[%get3A_1229, %get3A_1230] {strides = array<i32>} : memref<33x1000xf32, #tpu.memory_space<vmem>>, vector<1x16xf32>,
        %get3A_1232 = vector.shape_cast %get3A_1231 : vector<1x16xf32> to vector<16xf32>
        %add3A_1233 = arith.addf %scan3A_1217, %get3A_1232 : vector<16xf32>
        %get3A_1234 = arith.index_cast %scan3A_1214 : i32 to index
        %get3A_1235 = arith.constant 48 : index
        %get3A_1236 = tpu.vector_load %arg6[%get3A_1234, %get3A_1235] {strides = array<i32>} : memref<33x1000xf32, #tpu.memory_space<vmem>>, vector<1x16xf32>,
        %get3A_1237 = vector.shape_cast %get3A_1236 : vector<1x16xf32> to vector<16xf32>
        %add3A_1238 = arith.addf %scan3A_1218, %get3A_1237 : vector<16xf32>
        %get3A_1239 = arith.index_cast %scan3A_1214 : i32 to index
        %get3A_1240 = arith.constant 64 : index
        %get3A_1241 = tpu.vector_load %arg6[%get3A_1239, %get3A_1240] {strides = array<i32>} : memref<33x1000xf32, #tpu.memory_space<vmem>>, vector<1x16xf32>,
        %get3A_1242 = vector.shape_cast %get3A_1241 : vector<1x16xf32> to vector<16xf32>
        %add3A_1243 = arith.addf %add3A_1223, %get3A_1242 : vector<16xf32>
        %get3A_1244 = arith.index_cast %scan3A_1214 : i32 to index
        %get3A_1245 = arith.constant 80 : index
        %get3A_1246 = tpu.vector_load %arg6[%get3A_1244, %get3A_1245] {strides = array<i32>} : memref<33x1000xf32, #tpu.memory_space<vmem>>, vector<1x16xf32>,
        %get3A_1247 = vector.shape_cast %get3A_1246 : vector<1x16xf32> to vector<16xf32>
        %add3A_1248 = arith.addf %add3A_1228, %get3A_1247 : vector<16xf32>
        %get3A_1249 = arith.index_cast %scan3A_1214 : i32 to index
        %get3A_1250 = arith.constant 96 : index
        %get3A_1251 = tpu.vector_load %arg6[%get3A_1249, %get3A_1250] {strides = array<i32>} : memref<33x1000xf32, #tpu.memory_space<vmem>>, vector<1x16xf32>,
        %get3A_1252 = vector.shape_cast %get3A_1251 : vector<1x16xf32> to vector<16xf32>
        %add3A_1253 = arith.addf %add3A_1233, %get3A_1252 : vector<16xf32>
        %get3A_1254 = arith.index_cast %scan3A_1214 : i32 to index
        %get3A_1255 = arith.constant 112 : index
        %get3A_1256 = tpu.vector_load %arg6[%get3A_1254, %get3A_1255] {strides = array<i32>} : memref<33x1000xf32, #tpu.memory_space<vmem>>, vector<1x16xf32>,
        %get3A_1257 = vector.shape_cast %get3A_1256 : vector<1x16xf32> to vector<16xf32>
        %add3A_1258 = arith.addf %add3A_1238, %get3A_1257 : vector<16xf32>
        %get3A_1259 = arith.index_cast %scan3A_1214 : i32 to index
        %get3A_1260 = arith.constant 128 : index
        %get3A_1261 = tpu.vector_load %arg6[%get3A_1259, %get3A_1260] {strides = array<i32>} : memref<33x1000xf32, #tpu.memory_space<vmem>>, vector<1x16xf32>,
        %get3A_1262 = vector.shape_cast %get3A_1261 : vector<1x16xf32> to vector<16xf32>
        %add3A_1263 = arith.addf %add3A_1243, %get3A_1262 : vector<16xf32>
        %get3A_1264 = arith.index_cast %scan3A_1214 : i32 to index
        %get3A_1265 = arith.constant 144 : index
        %get3A_1266 = tpu.vector_load %arg6[%get3A_1264, %get3A_1265] {strides = array<i32>} : memref<33x1000xf32, #tpu.memory_space<vmem>>, vector<1x16xf32>,
        %get3A_1267 = vector.shape_cast %get3A_1266 : vector<1x16xf32> to vector<16xf32>
        %add3A_1268 = arith.addf %add3A_1248, %get3A_1267 : vector<16xf32>
        %get3A_1269 = arith.index_cast %scan3A_1214 : i32 to index
        %get3A_1270 = arith.constant 160 : index
        %get3A_1271 = tpu.vector_load %arg6[%get3A_1269, %get3A_1270] {strides = array<i32>} : memref<33x1000xf32, #tpu.memory_space<vmem>>, vector<1x16xf32>,
        %get3A_1272 = vector.shape_cast %get3A_1271 : vector<1x16xf32> to vector<16xf32>
        %add3A_1273 = arith.addf %add3A_1253, %get3A_1272 : vector<16xf32>
        %get3A_1274 = arith.index_cast %scan3A_1214 : i32 to index
        %get3A_1275 = arith.constant 176 : index
        %get3A_1276 = tpu.vector_load %arg6[%get3A_1274, %get3A_1275] {strides = array<i32>} : memref<33x1000xf32, #tpu.memory_space<vmem>>, vector<1x16xf32>,
        %get3A_1277 = vector.shape_cast %get3A_1276 : vector<1x16xf32> to vector<16xf32>
        %add3A_1278 = arith.addf %add3A_1258, %get3A_1277 : vector<16xf32>
        %get3A_1279 = arith.index_cast %scan3A_1214 : i32 to index
        %get3A_1280 = arith.constant 192 : index
        %get3A_1281 = tpu.vector_load %arg6[%get3A_1279, %get3A_1280] {strides = array<i32>} : memref<33x1000xf32, #tpu.memory_space<vmem>>, vector<1x16xf32>,
        %get3A_1282 = vector.shape_cast %get3A_1281 : vector<1x16xf32> to vector<16xf32>
        %add3A_1283 = arith.addf %add3A_1263, %get3A_1282 : vector<16xf32>
        %get3A_1284 = arith.index_cast %scan3A_1214 : i32 to index
        %get3A_1285 = arith.constant 208 : index
        %get3A_1286 = tpu.vector_load %arg6[%get3A_1284, %get3A_1285] {strides = array<i32>} : memref<33x1000xf32, #tpu.memory_space<vmem>>, vector<1x16xf32>,
        %get3A_1287 = vector.shape_cast %get3A_1286 : vector<1x16xf32> to vector<16xf32>
        %add3A_1288 = arith.addf %add3A_1268, %get3A_1287 : vector<16xf32>
        %get3A_1289 = arith.index_cast %scan3A_1214 : i32 to index
        %get3A_1290 = arith.constant 224 : index
        %get3A_1291 = tpu.vector_load %arg6[%get3A_1289, %get3A_1290] {strides = array<i32>} : memref<33x1000xf32, #tpu.memory_space<vmem>>, vector<1x16xf32>,
        %get3A_1292 = vector.shape_cast %get3A_1291 : vector<1x16xf32> to vector<16xf32>
        %add3A_1293 = arith.addf %add3A_1273, %get3A_1292 : vector<16xf32>
        %get3A_1294 = arith.index_cast %scan3A_1214 : i32 to index
        %get3A_1295 = arith.constant 240 : index
        %get3A_1296 = tpu.vector_load %arg6[%get3A_1294, %get3A_1295] {strides = array<i32>} : memref<33x1000xf32, #tpu.memory_space<vmem>>, vector<1x16xf32>,
        %get3A_1297 = vector.shape_cast %get3A_1296 : vector<1x16xf32> to vector<16xf32>
        %add3A_1298 = arith.addf %add3A_1278, %get3A_1297 : vector<16xf32>
        %get3A_1299 = arith.index_cast %scan3A_1214 : i32 to index
        %get3A_1300 = arith.constant 256 : index
        %get3A_1301 = tpu.vector_load %arg6[%get3A_1299, %get3A_1300] {strides = array<i32>} : memref<33x1000xf32, #tpu.memory_space<vmem>>, vector<1x16xf32>,
        %get3A_1302 = vector.shape_cast %get3A_1301 : vector<1x16xf32> to vector<16xf32>
        %add3A_1303 = arith.addf %add3A_1283, %get3A_1302 : vector<16xf32>
        %get3A_1304 = arith.index_cast %scan3A_1214 : i32 to index
        %get3A_1305 = arith.constant 272 : index
        %get3A_1306 = tpu.vector_load %arg6[%get3A_1304, %get3A_1305] {strides = array<i32>} : memref<33x1000xf32, #tpu.memory_space<vmem>>, vector<1x16xf32>,
        %get3A_1307 = vector.shape_cast %get3A_1306 : vector<1x16xf32> to vector<16xf32>
        %add3A_1308 = arith.addf %add3A_1288, %get3A_1307 : vector<16xf32>
        %get3A_1309 = arith.index_cast %scan3A_1214 : i32 to index
        %get3A_1310 = arith.constant 288 : index
        %get3A_1311 = tpu.vector_load %arg6[%get3A_1309, %get3A_1310] {strides = array<i32>} : memref<33x1000xf32, #tpu.memory_space<vmem>>, vector<1x16xf32>,
        %get3A_1312 = vector.shape_cast %get3A_1311 : vector<1x16xf32> to vector<16xf32>
        %add3A_1313 = arith.addf %add3A_1293, %get3A_1312 : vector<16xf32>
        %get3A_1314 = arith.index_cast %scan3A_1214 : i32 to index
        %get3A_1315 = arith.constant 304 : index
        %get3A_1316 = tpu.vector_load %arg6[%get3A_1314, %get3A_1315] {strides = array<i32>} : memref<33x1000xf32, #tpu.memory_space<vmem>>, vector<1x16xf32>,
        %get3A_1317 = vector.shape_cast %get3A_1316 : vector<1x16xf32> to vector<16xf32>
        %add3A_1318 = arith.addf %add3A_1298, %get3A_1317 : vector<16xf32>
        %get3A_1319 = arith.index_cast %scan3A_1214 : i32 to index
        %get3A_1320 = arith.constant 320 : index
        %get3A_1321 = tpu.vector_load %arg6[%get3A_1319, %get3A_1320] {strides = array<i32>} : memref<33x1000xf32, #tpu.memory_space<vmem>>, vector<1x16xf32>,
        %get3A_1322 = vector.shape_cast %get3A_1321 : vector<1x16xf32> to vector<16xf32>
        %add3A_1323 = arith.addf %add3A_1303, %get3A_1322 : vector<16xf32>
        %get3A_1324 = arith.index_cast %scan3A_1214 : i32 to index
        %get3A_1325 = arith.constant 336 : index
        %get3A_1326 = tpu.vector_load %arg6[%get3A_1324, %get3A_1325] {strides = array<i32>} : memref<33x1000xf32, #tpu.memory_space<vmem>>, vector<1x16xf32>,
        %get3A_1327 = vector.shape_cast %get3A_1326 : vector<1x16xf32> to vector<16xf32>
        %add3A_1328 = arith.addf %add3A_1308, %get3A_1327 : vector<16xf32>
        %get3A_1329 = arith.index_cast %scan3A_1214 : i32 to index
        %get3A_1330 = arith.constant 352 : index
        %get3A_1331 = tpu.vector_load %arg6[%get3A_1329, %get3A_1330] {strides = array<i32>} : memref<33x1000xf32, #tpu.memory_space<vmem>>, vector<1x16xf32>,
        %get3A_1332 = vector.shape_cast %get3A_1331 : vector<1x16xf32> to vector<16xf32>
        %add3A_1333 = arith.addf %add3A_1313, %get3A_1332 : vector<16xf32>
        %get3A_1334 = arith.index_cast %scan3A_1214 : i32 to index
        %get3A_1335 = arith.constant 368 : index
        %get3A_1336 = tpu.vector_load %arg6[%get3A_1334, %get3A_1335] {strides = array<i32>} : memref<33x1000xf32, #tpu.memory_space<vmem>>, vector<1x16xf32>,
        %get3A_1337 = vector.shape_cast %get3A_1336 : vector<1x16xf32> to vector<16xf32>
        %add3A_1338 = arith.addf %add3A_1318, %get3A_1337 : vector<16xf32>
        %get3A_1339 = arith.index_cast %scan3A_1214 : i32 to index
        %get3A_1340 = arith.constant 384 : index
        %get3A_1341 = tpu.vector_load %arg6[%get3A_1339, %get3A_1340] {strides = array<i32>} : memref<33x1000xf32, #tpu.memory_space<vmem>>, vector<1x16xf32>,
        %get3A_1342 = vector.shape_cast %get3A_1341 : vector<1x16xf32> to vector<16xf32>
        %add3A_1343 = arith.addf %add3A_1323, %get3A_1342 : vector<16xf32>
        %get3A_1344 = arith.index_cast %scan3A_1214 : i32 to index
        %get3A_1345 = arith.constant 400 : index
        %get3A_1346 = tpu.vector_load %arg6[%get3A_1344, %get3A_1345] {strides = array<i32>} : memref<33x1000xf32, #tpu.memory_space<vmem>>, vector<1x16xf32>,
        %get3A_1347 = vector.shape_cast %get3A_1346 : vector<1x16xf32> to vector<16xf32>
        %add3A_1348 = arith.addf %add3A_1328, %get3A_1347 : vector<16xf32>
        %get3A_1349 = arith.index_cast %scan3A_1214 : i32 to index
        %get3A_1350 = arith.constant 416 : index
        %get3A_1351 = tpu.vector_load %arg6[%get3A_1349, %get3A_1350] {strides = array<i32>} : memref<33x1000xf32, #tpu.memory_space<vmem>>, vector<1x16xf32>,
        %get3A_1352 = vector.shape_cast %get3A_1351 : vector<1x16xf32> to vector<16xf32>
        %add3A_1353 = arith.addf %add3A_1333, %get3A_1352 : vector<16xf32>
        %get3A_1354 = arith.index_cast %scan3A_1214 : i32 to index
        %get3A_1355 = arith.constant 432 : index
        %get3A_1356 = tpu.vector_load %arg6[%get3A_1354, %get3A_1355] {strides = array<i32>} : memref<33x1000xf32, #tpu.memory_space<vmem>>, vector<1x16xf32>,
        %get3A_1357 = vector.shape_cast %get3A_1356 : vector<1x16xf32> to vector<16xf32>
        %add3A_1358 = arith.addf %add3A_1338, %get3A_1357 : vector<16xf32>
        %get3A_1359 = arith.index_cast %scan3A_1214 : i32 to index
        %get3A_1360 = arith.constant 448 : index
        %get3A_1361 = tpu.vector_load %arg6[%get3A_1359, %get3A_1360] {strides = array<i32>} : memref<33x1000xf32, #tpu.memory_space<vmem>>, vector<1x16xf32>,
        %get3A_1362 = vector.shape_cast %get3A_1361 : vector<1x16xf32> to vector<16xf32>
        %add3A_1363 = arith.addf %add3A_1343, %get3A_1362 : vector<16xf32>
        %get3A_1364 = arith.index_cast %scan3A_1214 : i32 to index
        %get3A_1365 = arith.constant 464 : index
        %get3A_1366 = tpu.vector_load %arg6[%get3A_1364, %get3A_1365] {strides = array<i32>} : memref<33x1000xf32, #tpu.memory_space<vmem>>, vector<1x16xf32>,
        %get3A_1367 = vector.shape_cast %get3A_1366 : vector<1x16xf32> to vector<16xf32>
        %add3A_1368 = arith.addf %add3A_1348, %get3A_1367 : vector<16xf32>
        %get3A_1369 = arith.index_cast %scan3A_1214 : i32 to index
        %get3A_1370 = arith.constant 480 : index
        %get3A_1371 = tpu.vector_load %arg6[%get3A_1369, %get3A_1370] {strides = array<i32>} : memref<33x1000xf32, #tpu.memory_space<vmem>>, vector<1x16xf32>,
        %get3A_1372 = vector.shape_cast %get3A_1371 : vector<1x16xf32> to vector<16xf32>
        %add3A_1373 = arith.addf %add3A_1353, %get3A_1372 : vector<16xf32>
        %get3A_1374 = arith.index_cast %scan3A_1214 : i32 to index
        %get3A_1375 = arith.constant 496 : index
        %get3A_1376 = tpu.vector_load %arg6[%get3A_1374, %get3A_1375] {strides = array<i32>} : memref<33x1000xf32, #tpu.memory_space<vmem>>, vector<1x16xf32>,
        %get3A_1377 = vector.shape_cast %get3A_1376 : vector<1x16xf32> to vector<16xf32>
        %add3A_1378 = arith.addf %add3A_1358, %get3A_1377 : vector<16xf32>
        %get3A_1379 = arith.index_cast %scan3A_1214 : i32 to index
        %get3A_1380 = arith.constant 512 : index
        %get3A_1381 = tpu.vector_load %arg6[%get3A_1379, %get3A_1380] {strides = array<i32>} : memref<33x1000xf32, #tpu.memory_space<vmem>>, vector<1x16xf32>,
        %get3A_1382 = vector.shape_cast %get3A_1381 : vector<1x16xf32> to vector<16xf32>
        %add3A_1383 = arith.addf %add3A_1363, %get3A_1382 : vector<16xf32>
        %get3A_1384 = arith.index_cast %scan3A_1214 : i32 to index
        %get3A_1385 = arith.constant 528 : index
        %get3A_1386 = tpu.vector_load %arg6[%get3A_1384, %get3A_1385] {strides = array<i32>} : memref<33x1000xf32, #tpu.memory_space<vmem>>, vector<1x16xf32>,
        %get3A_1387 = vector.shape_cast %get3A_1386 : vector<1x16xf32> to vector<16xf32>
        %add3A_1388 = arith.addf %add3A_1368, %get3A_1387 : vector<16xf32>
        %get3A_1389 = arith.index_cast %scan3A_1214 : i32 to index
        %get3A_1390 = arith.constant 544 : index
        %get3A_1391 = tpu.vector_load %arg6[%get3A_1389, %get3A_1390] {strides = array<i32>} : memref<33x1000xf32, #tpu.memory_space<vmem>>, vector<1x16xf32>,
        %get3A_1392 = vector.shape_cast %get3A_1391 : vector<1x16xf32> to vector<16xf32>
        %add3A_1393 = arith.addf %add3A_1373, %get3A_1392 : vector<16xf32>
        %get3A_1394 = arith.index_cast %scan3A_1214 : i32 to index
        %get3A_1395 = arith.constant 560 : index
        %get3A_1396 = tpu.vector_load %arg6[%get3A_1394, %get3A_1395] {strides = array<i32>} : memref<33x1000xf32, #tpu.memory_space<vmem>>, vector<1x16xf32>,
        %get3A_1397 = vector.shape_cast %get3A_1396 : vector<1x16xf32> to vector<16xf32>
        %add3A_1398 = arith.addf %add3A_1378, %get3A_1397 : vector<16xf32>
        %get3A_1399 = arith.index_cast %scan3A_1214 : i32 to index
        %get3A_1400 = arith.constant 576 : index
        %get3A_1401 = tpu.vector_load %arg6[%get3A_1399, %get3A_1400] {strides = array<i32>} : memref<33x1000xf32, #tpu.memory_space<vmem>>, vector<1x16xf32>,
        %get3A_1402 = vector.shape_cast %get3A_1401 : vector<1x16xf32> to vector<16xf32>
        %add3A_1403 = arith.addf %add3A_1383, %get3A_1402 : vector<16xf32>
        %get3A_1404 = arith.index_cast %scan3A_1214 : i32 to index
        %get3A_1405 = arith.constant 592 : index
        %get3A_1406 = tpu.vector_load %arg6[%get3A_1404, %get3A_1405] {strides = array<i32>} : memref<33x1000xf32, #tpu.memory_space<vmem>>, vector<1x16xf32>,
        %get3A_1407 = vector.shape_cast %get3A_1406 : vector<1x16xf32> to vector<16xf32>
        %add3A_1408 = arith.addf %add3A_1388, %get3A_1407 : vector<16xf32>
        %get3A_1409 = arith.index_cast %scan3A_1214 : i32 to index
        %get3A_1410 = arith.constant 608 : index
        %get3A_1411 = tpu.vector_load %arg6[%get3A_1409, %get3A_1410] {strides = array<i32>} : memref<33x1000xf32, #tpu.memory_space<vmem>>, vector<1x16xf32>,
        %get3A_1412 = vector.shape_cast %get3A_1411 : vector<1x16xf32> to vector<16xf32>
        %add3A_1413 = arith.addf %add3A_1393, %get3A_1412 : vector<16xf32>
        %get3A_1414 = arith.index_cast %scan3A_1214 : i32 to index
        %get3A_1415 = arith.constant 624 : index
        %get3A_1416 = tpu.vector_load %arg6[%get3A_1414, %get3A_1415] {strides = array<i32>} : memref<33x1000xf32, #tpu.memory_space<vmem>>, vector<1x16xf32>,
        %get3A_1417 = vector.shape_cast %get3A_1416 : vector<1x16xf32> to vector<16xf32>
        %add3A_1418 = arith.addf %add3A_1398, %get3A_1417 : vector<16xf32>
        %get3A_1419 = arith.index_cast %scan3A_1214 : i32 to index
        %get3A_1420 = arith.constant 640 : index
        %get3A_1421 = tpu.vector_load %arg6[%get3A_1419, %get3A_1420] {strides = array<i32>} : memref<33x1000xf32, #tpu.memory_space<vmem>>, vector<1x16xf32>,
        %get3A_1422 = vector.shape_cast %get3A_1421 : vector<1x16xf32> to vector<16xf32>
        %add3A_1423 = arith.addf %add3A_1403, %get3A_1422 : vector<16xf32>
        %get3A_1424 = arith.index_cast %scan3A_1214 : i32 to index
        %get3A_1425 = arith.constant 656 : index
        %get3A_1426 = tpu.vector_load %arg6[%get3A_1424, %get3A_1425] {strides = array<i32>} : memref<33x1000xf32, #tpu.memory_space<vmem>>, vector<1x16xf32>,
        %get3A_1427 = vector.shape_cast %get3A_1426 : vector<1x16xf32> to vector<16xf32>
        %add3A_1428 = arith.addf %add3A_1408, %get3A_1427 : vector<16xf32>
        %get3A_1429 = arith.index_cast %scan3A_1214 : i32 to index
        %get3A_1430 = arith.constant 672 : index
        %get3A_1431 = tpu.vector_load %arg6[%get3A_1429, %get3A_1430] {strides = array<i32>} : memref<33x1000xf32, #tpu.memory_space<vmem>>, vector<1x16xf32>,
        %get3A_1432 = vector.shape_cast %get3A_1431 : vector<1x16xf32> to vector<16xf32>
        %add3A_1433 = arith.addf %add3A_1413, %get3A_1432 : vector<16xf32>
        %get3A_1434 = arith.index_cast %scan3A_1214 : i32 to index
        %get3A_1435 = arith.constant 688 : index
        %get3A_1436 = tpu.vector_load %arg6[%get3A_1434, %get3A_1435] {strides = array<i32>} : memref<33x1000xf32, #tpu.memory_space<vmem>>, vector<1x16xf32>,
        %get3A_1437 = vector.shape_cast %get3A_1436 : vector<1x16xf32> to vector<16xf32>
        %add3A_1438 = arith.addf %add3A_1418, %get3A_1437 : vector<16xf32>
        %get3A_1439 = arith.index_cast %scan3A_1214 : i32 to index
        %get3A_1440 = arith.constant 704 : index
        %get3A_1441 = tpu.vector_load %arg6[%get3A_1439, %get3A_1440] {strides = array<i32>} : memref<33x1000xf32, #tpu.memory_space<vmem>>, vector<1x16xf32>,
        %get3A_1442 = vector.shape_cast %get3A_1441 : vector<1x16xf32> to vector<16xf32>
        %add3A_1443 = arith.addf %add3A_1423, %get3A_1442 : vector<16xf32>
        %get3A_1444 = arith.index_cast %scan3A_1214 : i32 to index
        %get3A_1445 = arith.constant 720 : index
        %get3A_1446 = tpu.vector_load %arg6[%get3A_1444, %get3A_1445] {strides = array<i32>} : memref<33x1000xf32, #tpu.memory_space<vmem>>, vector<1x16xf32>,
        %get3A_1447 = vector.shape_cast %get3A_1446 : vector<1x16xf32> to vector<16xf32>
        %add3A_1448 = arith.addf %add3A_1428, %get3A_1447 : vector<16xf32>
        %get3A_1449 = arith.index_cast %scan3A_1214 : i32 to index
        %get3A_1450 = arith.constant 736 : index
        %get3A_1451 = tpu.vector_load %arg6[%get3A_1449, %get3A_1450] {strides = array<i32>} : memref<33x1000xf32, #tpu.memory_space<vmem>>, vector<1x16xf32>,
        %get3A_1452 = vector.shape_cast %get3A_1451 : vector<1x16xf32> to vector<16xf32>
        %add3A_1453 = arith.addf %add3A_1433, %get3A_1452 : vector<16xf32>
        %get3A_1454 = arith.index_cast %scan3A_1214 : i32 to index
        %get3A_1455 = arith.constant 752 : index
        %get3A_1456 = tpu.vector_load %arg6[%get3A_1454, %get3A_1455] {strides = array<i32>} : memref<33x1000xf32, #tpu.memory_space<vmem>>, vector<1x16xf32>,
        %get3A_1457 = vector.shape_cast %get3A_1456 : vector<1x16xf32> to vector<16xf32>
        %add3A_1458 = arith.addf %add3A_1438, %get3A_1457 : vector<16xf32>
        %get3A_1459 = arith.index_cast %scan3A_1214 : i32 to index
        %get3A_1460 = arith.constant 768 : index
        %get3A_1461 = tpu.vector_load %arg6[%get3A_1459, %get3A_1460] {strides = array<i32>} : memref<33x1000xf32, #tpu.memory_space<vmem>>, vector<1x16xf32>,
        %get3A_1462 = vector.shape_cast %get3A_1461 : vector<1x16xf32> to vector<16xf32>
        %add3A_1463 = arith.addf %add3A_1443, %get3A_1462 : vector<16xf32>
        %get3A_1464 = arith.index_cast %scan3A_1214 : i32 to index
        %get3A_1465 = arith.constant 784 : index
        %get3A_1466 = tpu.vector_load %arg6[%get3A_1464, %get3A_1465] {strides = array<i32>} : memref<33x1000xf32, #tpu.memory_space<vmem>>, vector<1x16xf32>,
        %get3A_1467 = vector.shape_cast %get3A_1466 : vector<1x16xf32> to vector<16xf32>
        %add3A_1468 = arith.addf %add3A_1448, %get3A_1467 : vector<16xf32>
        %get3A_1469 = arith.index_cast %scan3A_1214 : i32 to index
        %get3A_1470 = arith.constant 800 : index
        %get3A_1471 = tpu.vector_load %arg6[%get3A_1469, %get3A_1470] {strides = array<i32>} : memref<33x1000xf32, #tpu.memory_space<vmem>>, vector<1x16xf32>,
        %get3A_1472 = vector.shape_cast %get3A_1471 : vector<1x16xf32> to vector<16xf32>
        %add3A_1473 = arith.addf %add3A_1453, %get3A_1472 : vector<16xf32>
        %get3A_1474 = arith.index_cast %scan3A_1214 : i32 to index
        %get3A_1475 = arith.constant 816 : index
        %get3A_1476 = tpu.vector_load %arg6[%get3A_1474, %get3A_1475] {strides = array<i32>} : memref<33x1000xf32, #tpu.memory_space<vmem>>, vector<1x16xf32>,
        %get3A_1477 = vector.shape_cast %get3A_1476 : vector<1x16xf32> to vector<16xf32>
        %add3A_1478 = arith.addf %add3A_1458, %get3A_1477 : vector<16xf32>
        %get3A_1479 = arith.index_cast %scan3A_1214 : i32 to index
        %get3A_1480 = arith.constant 832 : index
        %get3A_1481 = tpu.vector_load %arg6[%get3A_1479, %get3A_1480] {strides = array<i32>} : memref<33x1000xf32, #tpu.memory_space<vmem>>, vector<1x16xf32>,
        %get3A_1482 = vector.shape_cast %get3A_1481 : vector<1x16xf32> to vector<16xf32>
        %add3A_1483 = arith.addf %add3A_1463, %get3A_1482 : vector<16xf32>
        %get3A_1484 = arith.index_cast %scan3A_1214 : i32 to index
        %get3A_1485 = arith.constant 848 : index
        %get3A_1486 = tpu.vector_load %arg6[%get3A_1484, %get3A_1485] {strides = array<i32>} : memref<33x1000xf32, #tpu.memory_space<vmem>>, vector<1x16xf32>,
        %get3A_1487 = vector.shape_cast %get3A_1486 : vector<1x16xf32> to vector<16xf32>
        %add3A_1488 = arith.addf %add3A_1468, %get3A_1487 : vector<16xf32>
        %get3A_1489 = arith.index_cast %scan3A_1214 : i32 to index
        %get3A_1490 = arith.constant 864 : index
        %get3A_1491 = tpu.vector_load %arg6[%get3A_1489, %get3A_1490] {strides = array<i32>} : memref<33x1000xf32, #tpu.memory_space<vmem>>, vector<1x16xf32>,
        %get3A_1492 = vector.shape_cast %get3A_1491 : vector<1x16xf32> to vector<16xf32>
        %add3A_1493 = arith.addf %add3A_1473, %get3A_1492 : vector<16xf32>
        %get3A_1494 = arith.index_cast %scan3A_1214 : i32 to index
        %get3A_1495 = arith.constant 880 : index
        %get3A_1496 = tpu.vector_load %arg6[%get3A_1494, %get3A_1495] {strides = array<i32>} : memref<33x1000xf32, #tpu.memory_space<vmem>>, vector<1x16xf32>,
        %get3A_1497 = vector.shape_cast %get3A_1496 : vector<1x16xf32> to vector<16xf32>
        %add3A_1498 = arith.addf %add3A_1478, %get3A_1497 : vector<16xf32>
        %get3A_1499 = arith.index_cast %scan3A_1214 : i32 to index
        %get3A_1500 = arith.constant 896 : index
        %get3A_1501 = tpu.vector_load %arg6[%get3A_1499, %get3A_1500] {strides = array<i32>} : memref<33x1000xf32, #tpu.memory_space<vmem>>, vector<1x16xf32>,
        %get3A_1502 = vector.shape_cast %get3A_1501 : vector<1x16xf32> to vector<16xf32>
        %add3A_1503 = arith.addf %add3A_1483, %get3A_1502 : vector<16xf32>
        %get3A_1504 = arith.index_cast %scan3A_1214 : i32 to index
        %get3A_1505 = arith.constant 912 : index
        %get3A_1506 = tpu.vector_load %arg6[%get3A_1504, %get3A_1505] {strides = array<i32>} : memref<33x1000xf32, #tpu.memory_space<vmem>>, vector<1x16xf32>,
        %get3A_1507 = vector.shape_cast %get3A_1506 : vector<1x16xf32> to vector<16xf32>
        %add3A_1508 = arith.addf %add3A_1488, %get3A_1507 : vector<16xf32>
        %get3A_1509 = arith.index_cast %scan3A_1214 : i32 to index
        %get3A_1510 = arith.constant 928 : index
        %get3A_1511 = tpu.vector_load %arg6[%get3A_1509, %get3A_1510] {strides = array<i32>} : memref<33x1000xf32, #tpu.memory_space<vmem>>, vector<1x16xf32>,
        %get3A_1512 = vector.shape_cast %get3A_1511 : vector<1x16xf32> to vector<16xf32>
        %add3A_1513 = arith.addf %add3A_1493, %get3A_1512 : vector<16xf32>
        %get3A_1514 = arith.index_cast %scan3A_1214 : i32 to index
        %get3A_1515 = arith.constant 944 : index
        %get3A_1516 = tpu.vector_load %arg6[%get3A_1514, %get3A_1515] {strides = array<i32>} : memref<33x1000xf32, #tpu.memory_space<vmem>>, vector<1x16xf32>,
        %get3A_1517 = vector.shape_cast %get3A_1516 : vector<1x16xf32> to vector<16xf32>
        %add3A_1518 = arith.addf %add3A_1498, %get3A_1517 : vector<16xf32>
        %get3A_1519 = arith.index_cast %scan3A_1214 : i32 to index
        %get3A_1520 = arith.constant 960 : index
        %get3A_1521 = tpu.vector_load %arg6[%get3A_1519, %get3A_1520] {strides = array<i32>} : memref<33x1000xf32, #tpu.memory_space<vmem>>, vector<1x16xf32>,
        %get3A_1522 = vector.shape_cast %get3A_1521 : vector<1x16xf32> to vector<16xf32>
        %add3A_1523 = arith.addf %add3A_1503, %get3A_1522 : vector<16xf32>
        %get3A_1524 = arith.index_cast %scan3A_1214 : i32 to index
        %get3A_1525 = arith.constant 976 : index
        %get3A_1526 = tpu.vector_load %arg6[%get3A_1524, %get3A_1525] {strides = array<i32>} : memref<33x1000xf32, #tpu.memory_space<vmem>>, vector<1x16xf32>,
        %get3A_1527 = vector.shape_cast %get3A_1526 : vector<1x16xf32> to vector<16xf32>
        %add3A_1528 = arith.addf %add3A_1508, %get3A_1527 : vector<16xf32>
        %get3A_1529 = arith.index_cast %scan3A_1214 : i32 to index
        %get3A_1530 = arith.constant 984 : index
        %get3A_1531 = tpu.vector_load %arg6[%get3A_1529, %get3A_1530] {strides = array<i32>} : memref<33x1000xf32, #tpu.memory_space<vmem>>, vector<1x16xf32>,
        %get3A_1532 = vector.shape_cast %get3A_1531 : vector<1x16xf32> to vector<16xf32>
        %select_n3A_1533 = arith.select %ge3A_4, %get3A_1532, %broadcast_in_dim3A_5 : vector<16xi1>, vector<16xf32>
        %add3A_1534 = arith.addf %add3A_1518, %select_n3A_1533 : vector<16xf32>
        scf.yield %add3A_1523, %add3A_1528, %add3A_1513, %add3A_1534 : vector<16xf32>, vector<16xf32>, vector<16xf32>, vector<16xf32>
      }
      %scan3A_69 = arith.constant 32 : i32
      %mul3A_70 = arith.constant 32 : i32
      %mul3A_71 = arith.muli %mul3A_52, %mul3A_70 : i32
      %add3A_72 = arith.constant 0 : i32
      %add3A_73 = arith.addi %mul3A_71, %add3A_72 : i32
      %multiple_of3A = tpu.assume_multiple %add3A_73, 16 : i32
      %get3A = arith.index_cast %multiple_of3A : i32 to index
      %get3A_74 = tpu.vector_load %arg5[%get3A] {strides = array<i32>} : memref<512xi32, #tpu.memory_space<vmem>>, vector<16xi32>,
      %get3A_75 = vector.shape_cast %get3A_74 : vector<16xi32> to vector<16xi32>
      %slice3A = vector.extract_strided_slice %get3A_75 {offsets = [0], sizes = [1], strides = [1]} : vector<16xi32> to vector<1xi32>
      %squeeze3A = vector.extract %slice3A[0] : i32 from vector<1xi32>
      %shift_right_arithmetic3A = arith.constant 4 : i32
      %shift_right_arithmetic3A_76 = arith.shrsi %squeeze3A, %shift_right_arithmetic3A : i32
      %shift_left3A = arith.constant 4 : i32
      %shift_left3A_77 = arith.shli %shift_right_arithmetic3A_76, %shift_left3A : i32
      %multiple_of3A_78 = tpu.assume_multiple %shift_left3A_77, 16 : i32
      %get3A_79 = arith.constant 0 : i32
      %get3A_80 = arith.index_cast %get3A_79 : i32 to index
      %get3A_81 = arith.index_cast %multiple_of3A_78 : i32 to index
      %get3A_82 = tpu.vector_load %arg6[%get3A_80, %get3A_81] {strides = array<i32>} : memref<33x1000xf32, #tpu.memory_space<vmem>>, vector<1x16xf32>,
      %get3A_83 = vector.shape_cast %get3A_82 : vector<1x16xf32> to vector<16xf32>
      %sub3A = arith.subi %squeeze3A, %multiple_of3A_78 : i32
      %eq3A = vector.broadcast %sub3A : i32 to vector<16xi32>
      %eq3A_84 = arith.cmpi eq, %iota3A, %eq3A : vector<16xi32>
      %select_n3A = arith.select %eq3A_84, %get3A_83, %broadcast_in_dim3A_5 : vector<16xi1>, vector<16xf32>
      %add3A_85 = arith.addf %scan3A_50, %select_n3A : vector<16xf32>
      %slice3A_86 = vector.extract_strided_slice %get3A_75 {offsets = [1], sizes = [1], strides = [1]} : vector<16xi32> to vector<1xi32>
      %squeeze3A_87 = vector.extract %slice3A_86[0] : i32 from vector<1xi32>
      %shift_right_arithmetic3A_88 = arith.constant 4 : i32
      %shift_right_arithmetic3A_89 = arith.shrsi %squeeze3A_87, %shift_right_arithmetic3A_88 : i32
      %shift_left3A_90 = arith.constant 4 : i32
      %shift_left3A_91 = arith.shli %shift_right_arithmetic3A_89, %shift_left3A_90 : i32
      %multiple_of3A_92 = tpu.assume_multiple %shift_left3A_91, 16 : i32
      %get3A_93 = arith.constant 1 : i32
      %get3A_94 = arith.index_cast %get3A_93 : i32 to index
      %get3A_95 = arith.index_cast %multiple_of3A_92 : i32 to index
      %get3A_96 = tpu.vector_load %arg6[%get3A_94, %get3A_95] {strides = array<i32>} : memref<33x1000xf32, #tpu.memory_space<vmem>>, vector<1x16xf32>,
      %get3A_97 = vector.shape_cast %get3A_96 : vector<1x16xf32> to vector<16xf32>
      %sub3A_98 = arith.subi %squeeze3A_87, %multiple_of3A_92 : i32
      %eq3A_99 = vector.broadcast %sub3A_98 : i32 to vector<16xi32>
      %eq3A_100 = arith.cmpi eq, %iota3A, %eq3A_99 : vector<16xi32>
      %select_n3A_101 = arith.select %eq3A_100, %get3A_97, %broadcast_in_dim3A_5 : vector<16xi1>, vector<16xf32>
      %add3A_102 = arith.addf %add3A_85, %select_n3A_101 : vector<16xf32>
      %slice3A_103 = vector.extract_strided_slice %get3A_75 {offsets = [2], sizes = [1], strides = [1]} : vector<16xi32> to vector<1xi32>
      %squeeze3A_104 = vector.extract %slice3A_103[0] : i32 from vector<1xi32>
      %shift_right_arithmetic3A_105 = arith.constant 4 : i32
      %shift_right_arithmetic3A_106 = arith.shrsi %squeeze3A_104, %shift_right_arithmetic3A_105 : i32
      %shift_left3A_107 = arith.constant 4 : i32
      %shift_left3A_108 = arith.shli %shift_right_arithmetic3A_106, %shift_left3A_107 : i32
      %multiple_of3A_109 = tpu.assume_multiple %shift_left3A_108, 16 : i32
      %get3A_110 = arith.constant 2 : i32
      %get3A_111 = arith.index_cast %get3A_110 : i32 to index
      %get3A_112 = arith.index_cast %multiple_of3A_109 : i32 to index
      %get3A_113 = tpu.vector_load %arg6[%get3A_111, %get3A_112] {strides = array<i32>} : memref<33x1000xf32, #tpu.memory_space<vmem>>, vector<1x16xf32>,
      %get3A_114 = vector.shape_cast %get3A_113 : vector<1x16xf32> to vector<16xf32>
      %sub3A_115 = arith.subi %squeeze3A_104, %multiple_of3A_109 : i32
      %eq3A_116 = vector.broadcast %sub3A_115 : i32 to vector<16xi32>
      %eq3A_117 = arith.cmpi eq, %iota3A, %eq3A_116 : vector<16xi32>
      %select_n3A_118 = arith.select %eq3A_117, %get3A_114, %broadcast_in_dim3A_5 : vector<16xi1>, vector<16xf32>
      %add3A_119 = arith.addf %add3A_102, %select_n3A_118 : vector<16xf32>
      %slice3A_120 = vector.extract_strided_slice %get3A_75 {offsets = [3], sizes = [1], strides = [1]} : vector<16xi32> to vector<1xi32>
      %squeeze3A_121 = vector.extract %slice3A_120[0] : i32 from vector<1xi32>
      %shift_right_arithmetic3A_122 = arith.constant 4 : i32
      %shift_right_arithmetic3A_123 = arith.shrsi %squeeze3A_121, %shift_right_arithmetic3A_122 : i32
      %shift_left3A_124 = arith.constant 4 : i32
      %shift_left3A_125 = arith.shli %shift_right_arithmetic3A_123, %shift_left3A_124 : i32
      %multiple_of3A_126 = tpu.assume_multiple %shift_left3A_125, 16 : i32
      %get3A_127 = arith.constant 3 : i32
      %get3A_128 = arith.index_cast %get3A_127 : i32 to index
      %get3A_129 = arith.index_cast %multiple_of3A_126 : i32 to index
      %get3A_130 = tpu.vector_load %arg6[%get3A_128, %get3A_129] {strides = array<i32>} : memref<33x1000xf32, #tpu.memory_space<vmem>>, vector<1x16xf32>,
      %get3A_131 = vector.shape_cast %get3A_130 : vector<1x16xf32> to vector<16xf32>
      %sub3A_132 = arith.subi %squeeze3A_121, %multiple_of3A_126 : i32
      %eq3A_133 = vector.broadcast %sub3A_132 : i32 to vector<16xi32>
      %eq3A_134 = arith.cmpi eq, %iota3A, %eq3A_133 : vector<16xi32>
      %select_n3A_135 = arith.select %eq3A_134, %get3A_131, %broadcast_in_dim3A_5 : vector<16xi1>, vector<16xf32>
      %add3A_136 = arith.addf %add3A_119, %select_n3A_135 : vector<16xf32>
      %slice3A_137 = vector.extract_strided_slice %get3A_75 {offsets = [4], sizes = [1], strides = [1]} : vector<16xi32> to vector<1xi32>
      %squeeze3A_138 = vector.extract %slice3A_137[0] : i32 from vector<1xi32>
      %shift_right_arithmetic3A_139 = arith.constant 4 : i32
      %shift_right_arithmetic3A_140 = arith.shrsi %squeeze3A_138, %shift_right_arithmetic3A_139 : i32
      %shift_left3A_141 = arith.constant 4 : i32
      %shift_left3A_142 = arith.shli %shift_right_arithmetic3A_140, %shift_left3A_141 : i32
      %multiple_of3A_143 = tpu.assume_multiple %shift_left3A_142, 16 : i32
      %get3A_144 = arith.constant 4 : i32
      %get3A_145 = arith.index_cast %get3A_144 : i32 to index
      %get3A_146 = arith.index_cast %multiple_of3A_143 : i32 to index
      %get3A_147 = tpu.vector_load %arg6[%get3A_145, %get3A_146] {strides = array<i32>} : memref<33x1000xf32, #tpu.memory_space<vmem>>, vector<1x16xf32>,
      %get3A_148 = vector.shape_cast %get3A_147 : vector<1x16xf32> to vector<16xf32>
      %sub3A_149 = arith.subi %squeeze3A_138, %multiple_of3A_143 : i32
      %eq3A_150 = vector.broadcast %sub3A_149 : i32 to vector<16xi32>
      %eq3A_151 = arith.cmpi eq, %iota3A, %eq3A_150 : vector<16xi32>
      %select_n3A_152 = arith.select %eq3A_151, %get3A_148, %broadcast_in_dim3A_5 : vector<16xi1>, vector<16xf32>
      %add3A_153 = arith.addf %add3A_136, %select_n3A_152 : vector<16xf32>
      %slice3A_154 = vector.extract_strided_slice %get3A_75 {offsets = [5], sizes = [1], strides = [1]} : vector<16xi32> to vector<1xi32>
      %squeeze3A_155 = vector.extract %slice3A_154[0] : i32 from vector<1xi32>
      %shift_right_arithmetic3A_156 = arith.constant 4 : i32
      %shift_right_arithmetic3A_157 = arith.shrsi %squeeze3A_155, %shift_right_arithmetic3A_156 : i32
      %shift_left3A_158 = arith.constant 4 : i32
      %shift_left3A_159 = arith.shli %shift_right_arithmetic3A_157, %shift_left3A_158 : i32
      %multiple_of3A_160 = tpu.assume_multiple %shift_left3A_159, 16 : i32
      %get3A_161 = arith.constant 5 : i32
      %get3A_162 = arith.index_cast %get3A_161 : i32 to index
      %get3A_163 = arith.index_cast %multiple_of3A_160 : i32 to index
      %get3A_164 = tpu.vector_load %arg6[%get3A_162, %get3A_163] {strides = array<i32>} : memref<33x1000xf32, #tpu.memory_space<vmem>>, vector<1x16xf32>,
      %get3A_165 = vector.shape_cast %get3A_164 : vector<1x16xf32> to vector<16xf32>
      %sub3A_166 = arith.subi %squeeze3A_155, %multiple_of3A_160 : i32
      %eq3A_167 = vector.broadcast %sub3A_166 : i32 to vector<16xi32>
      %eq3A_168 = arith.cmpi eq, %iota3A, %eq3A_167 : vector<16xi32>
      %select_n3A_169 = arith.select %eq3A_168, %get3A_165, %broadcast_in_dim3A_5 : vector<16xi1>, vector<16xf32>
      %add3A_170 = arith.addf %add3A_153, %select_n3A_169 : vector<16xf32>
      %slice3A_171 = vector.extract_strided_slice %get3A_75 {offsets = [6], sizes = [1], strides = [1]} : vector<16xi32> to vector<1xi32>
      %squeeze3A_172 = vector.extract %slice3A_171[0] : i32 from vector<1xi32>
      %shift_right_arithmetic3A_173 = arith.constant 4 : i32
      %shift_right_arithmetic3A_174 = arith.shrsi %squeeze3A_172, %shift_right_arithmetic3A_173 : i32
      %shift_left3A_175 = arith.constant 4 : i32
      %shift_left3A_176 = arith.shli %shift_right_arithmetic3A_174, %shift_left3A_175 : i32
      %multiple_of3A_177 = tpu.assume_multiple %shift_left3A_176, 16 : i32
      %get3A_178 = arith.constant 6 : i32
      %get3A_179 = arith.index_cast %get3A_178 : i32 to index
      %get3A_180 = arith.index_cast %multiple_of3A_177 : i32 to index
      %get3A_181 = tpu.vector_load %arg6[%get3A_179, %get3A_180] {strides = array<i32>} : memref<33x1000xf32, #tpu.memory_space<vmem>>, vector<1x16xf32>,
      %get3A_182 = vector.shape_cast %get3A_181 : vector<1x16xf32> to vector<16xf32>
      %sub3A_183 = arith.subi %squeeze3A_172, %multiple_of3A_177 : i32
      %eq3A_184 = vector.broadcast %sub3A_183 : i32 to vector<16xi32>
      %eq3A_185 = arith.cmpi eq, %iota3A, %eq3A_184 : vector<16xi32>
      %select_n3A_186 = arith.select %eq3A_185, %get3A_182, %broadcast_in_dim3A_5 : vector<16xi1>, vector<16xf32>
      %add3A_187 = arith.addf %add3A_170, %select_n3A_186 : vector<16xf32>
      %slice3A_188 = vector.extract_strided_slice %get3A_75 {offsets = [7], sizes = [1], strides = [1]} : vector<16xi32> to vector<1xi32>
      %squeeze3A_189 = vector.extract %slice3A_188[0] : i32 from vector<1xi32>
      %shift_right_arithmetic3A_190 = arith.constant 4 : i32
      %shift_right_arithmetic3A_191 = arith.shrsi %squeeze3A_189, %shift_right_arithmetic3A_190 : i32
      %shift_left3A_192 = arith.constant 4 : i32
      %shift_left3A_193 = arith.shli %shift_right_arithmetic3A_191, %shift_left3A_192 : i32
      %multiple_of3A_194 = tpu.assume_multiple %shift_left3A_193, 16 : i32
      %get3A_195 = arith.constant 7 : i32
      %get3A_196 = arith.index_cast %get3A_195 : i32 to index
      %get3A_197 = arith.index_cast %multiple_of3A_194 : i32 to index
      %get3A_198 = tpu.vector_load %arg6[%get3A_196, %get3A_197] {strides = array<i32>} : memref<33x1000xf32, #tpu.memory_space<vmem>>, vector<1x16xf32>,
      %get3A_199 = vector.shape_cast %get3A_198 : vector<1x16xf32> to vector<16xf32>
      %sub3A_200 = arith.subi %squeeze3A_189, %multiple_of3A_194 : i32
      %eq3A_201 = vector.broadcast %sub3A_200 : i32 to vector<16xi32>
      %eq3A_202 = arith.cmpi eq, %iota3A, %eq3A_201 : vector<16xi32>
      %select_n3A_203 = arith.select %eq3A_202, %get3A_199, %broadcast_in_dim3A_5 : vector<16xi1>, vector<16xf32>
      %add3A_204 = arith.addf %add3A_187, %select_n3A_203 : vector<16xf32>
      %slice3A_205 = vector.extract_strided_slice %get3A_75 {offsets = [8], sizes = [1], strides = [1]} : vector<16xi32> to vector<1xi32>
      %squeeze3A_206 = vector.extract %slice3A_205[0] : i32 from vector<1xi32>
      %shift_right_arithmetic3A_207 = arith.constant 4 : i32
      %shift_right_arithmetic3A_208 = arith.shrsi %squeeze3A_206, %shift_right_arithmetic3A_207 : i32
      %shift_left3A_209 = arith.constant 4 : i32
      %shift_left3A_210 = arith.shli %shift_right_arithmetic3A_208, %shift_left3A_209 : i32
      %multiple_of3A_211 = tpu.assume_multiple %shift_left3A_210, 16 : i32
      %get3A_212 = arith.constant 8 : i32
      %get3A_213 = arith.index_cast %get3A_212 : i32 to index
      %get3A_214 = arith.index_cast %multiple_of3A_211 : i32 to index
      %get3A_215 = tpu.vector_load %arg6[%get3A_213, %get3A_214] {strides = array<i32>} : memref<33x1000xf32, #tpu.memory_space<vmem>>, vector<1x16xf32>,
      %get3A_216 = vector.shape_cast %get3A_215 : vector<1x16xf32> to vector<16xf32>
      %sub3A_217 = arith.subi %squeeze3A_206, %multiple_of3A_211 : i32
      %eq3A_218 = vector.broadcast %sub3A_217 : i32 to vector<16xi32>
      %eq3A_219 = arith.cmpi eq, %iota3A, %eq3A_218 : vector<16xi32>
      %select_n3A_220 = arith.select %eq3A_219, %get3A_216, %broadcast_in_dim3A_5 : vector<16xi1>, vector<16xf32>
      %add3A_221 = arith.addf %add3A_204, %select_n3A_220 : vector<16xf32>
      %slice3A_222 = vector.extract_strided_slice %get3A_75 {offsets = [9], sizes = [1], strides = [1]} : vector<16xi32> to vector<1xi32>
      %squeeze3A_223 = vector.extract %slice3A_222[0] : i32 from vector<1xi32>
      %shift_right_arithmetic3A_224 = arith.constant 4 : i32
      %shift_right_arithmetic3A_225 = arith.shrsi %squeeze3A_223, %shift_right_arithmetic3A_224 : i32
      %shift_left3A_226 = arith.constant 4 : i32
      %shift_left3A_227 = arith.shli %shift_right_arithmetic3A_225, %shift_left3A_226 : i32
      %multiple_of3A_228 = tpu.assume_multiple %shift_left3A_227, 16 : i32
      %get3A_229 = arith.constant 9 : i32
      %get3A_230 = arith.index_cast %get3A_229 : i32 to index
      %get3A_231 = arith.index_cast %multiple_of3A_228 : i32 to index
      %get3A_232 = tpu.vector_load %arg6[%get3A_230, %get3A_231] {strides = array<i32>} : memref<33x1000xf32, #tpu.memory_space<vmem>>, vector<1x16xf32>,
      %get3A_233 = vector.shape_cast %get3A_232 : vector<1x16xf32> to vector<16xf32>
      %sub3A_234 = arith.subi %squeeze3A_223, %multiple_of3A_228 : i32
      %eq3A_235 = vector.broadcast %sub3A_234 : i32 to vector<16xi32>
      %eq3A_236 = arith.cmpi eq, %iota3A, %eq3A_235 : vector<16xi32>
      %select_n3A_237 = arith.select %eq3A_236, %get3A_233, %broadcast_in_dim3A_5 : vector<16xi1>, vector<16xf32>
      %add3A_238 = arith.addf %add3A_221, %select_n3A_237 : vector<16xf32>
      %slice3A_239 = vector.extract_strided_slice %get3A_75 {offsets = [10], sizes = [1], strides = [1]} : vector<16xi32> to vector<1xi32>
      %squeeze3A_240 = vector.extract %slice3A_239[0] : i32 from vector<1xi32>
      %shift_right_arithmetic3A_241 = arith.constant 4 : i32
      %shift_right_arithmetic3A_242 = arith.shrsi %squeeze3A_240, %shift_right_arithmetic3A_241 : i32
      %shift_left3A_243 = arith.constant 4 : i32
      %shift_left3A_244 = arith.shli %shift_right_arithmetic3A_242, %shift_left3A_243 : i32
      %multiple_of3A_245 = tpu.assume_multiple %shift_left3A_244, 16 : i32
      %get3A_246 = arith.constant 10 : i32
      %get3A_247 = arith.index_cast %get3A_246 : i32 to index
      %get3A_248 = arith.index_cast %multiple_of3A_245 : i32 to index
      %get3A_249 = tpu.vector_load %arg6[%get3A_247, %get3A_248] {strides = array<i32>} : memref<33x1000xf32, #tpu.memory_space<vmem>>, vector<1x16xf32>,
      %get3A_250 = vector.shape_cast %get3A_249 : vector<1x16xf32> to vector<16xf32>
      %sub3A_251 = arith.subi %squeeze3A_240, %multiple_of3A_245 : i32
      %eq3A_252 = vector.broadcast %sub3A_251 : i32 to vector<16xi32>
      %eq3A_253 = arith.cmpi eq, %iota3A, %eq3A_252 : vector<16xi32>
      %select_n3A_254 = arith.select %eq3A_253, %get3A_250, %broadcast_in_dim3A_5 : vector<16xi1>, vector<16xf32>
      %add3A_255 = arith.addf %add3A_238, %select_n3A_254 : vector<16xf32>
      %slice3A_256 = vector.extract_strided_slice %get3A_75 {offsets = [11], sizes = [1], strides = [1]} : vector<16xi32> to vector<1xi32>
      %squeeze3A_257 = vector.extract %slice3A_256[0] : i32 from vector<1xi32>
      %shift_right_arithmetic3A_258 = arith.constant 4 : i32
      %shift_right_arithmetic3A_259 = arith.shrsi %squeeze3A_257, %shift_right_arithmetic3A_258 : i32
      %shift_left3A_260 = arith.constant 4 : i32
      %shift_left3A_261 = arith.shli %shift_right_arithmetic3A_259, %shift_left3A_260 : i32
      %multiple_of3A_262 = tpu.assume_multiple %shift_left3A_261, 16 : i32
      %get3A_263 = arith.constant 11 : i32
      %get3A_264 = arith.index_cast %get3A_263 : i32 to index
      %get3A_265 = arith.index_cast %multiple_of3A_262 : i32 to index
      %get3A_266 = tpu.vector_load %arg6[%get3A_264, %get3A_265] {strides = array<i32>} : memref<33x1000xf32, #tpu.memory_space<vmem>>, vector<1x16xf32>,
      %get3A_267 = vector.shape_cast %get3A_266 : vector<1x16xf32> to vector<16xf32>
      %sub3A_268 = arith.subi %squeeze3A_257, %multiple_of3A_262 : i32
      %eq3A_269 = vector.broadcast %sub3A_268 : i32 to vector<16xi32>
      %eq3A_270 = arith.cmpi eq, %iota3A, %eq3A_269 : vector<16xi32>
      %select_n3A_271 = arith.select %eq3A_270, %get3A_267, %broadcast_in_dim3A_5 : vector<16xi1>, vector<16xf32>
      %add3A_272 = arith.addf %add3A_255, %select_n3A_271 : vector<16xf32>
      %slice3A_273 = vector.extract_strided_slice %get3A_75 {offsets = [12], sizes = [1], strides = [1]} : vector<16xi32> to vector<1xi32>
      %squeeze3A_274 = vector.extract %slice3A_273[0] : i32 from vector<1xi32>
      %shift_right_arithmetic3A_275 = arith.constant 4 : i32
      %shift_right_arithmetic3A_276 = arith.shrsi %squeeze3A_274, %shift_right_arithmetic3A_275 : i32
      %shift_left3A_277 = arith.constant 4 : i32
      %shift_left3A_278 = arith.shli %shift_right_arithmetic3A_276, %shift_left3A_277 : i32
      %multiple_of3A_279 = tpu.assume_multiple %shift_left3A_278, 16 : i32
      %get3A_280 = arith.constant 12 : i32
      %get3A_281 = arith.index_cast %get3A_280 : i32 to index
      %get3A_282 = arith.index_cast %multiple_of3A_279 : i32 to index
      %get3A_283 = tpu.vector_load %arg6[%get3A_281, %get3A_282] {strides = array<i32>} : memref<33x1000xf32, #tpu.memory_space<vmem>>, vector<1x16xf32>,
      %get3A_284 = vector.shape_cast %get3A_283 : vector<1x16xf32> to vector<16xf32>
      %sub3A_285 = arith.subi %squeeze3A_274, %multiple_of3A_279 : i32
      %eq3A_286 = vector.broadcast %sub3A_285 : i32 to vector<16xi32>
      %eq3A_287 = arith.cmpi eq, %iota3A, %eq3A_286 : vector<16xi32>
      %select_n3A_288 = arith.select %eq3A_287, %get3A_284, %broadcast_in_dim3A_5 : vector<16xi1>, vector<16xf32>
      %add3A_289 = arith.addf %add3A_272, %select_n3A_288 : vector<16xf32>
      %slice3A_290 = vector.extract_strided_slice %get3A_75 {offsets = [13], sizes = [1], strides = [1]} : vector<16xi32> to vector<1xi32>
      %squeeze3A_291 = vector.extract %slice3A_290[0] : i32 from vector<1xi32>
      %shift_right_arithmetic3A_292 = arith.constant 4 : i32
      %shift_right_arithmetic3A_293 = arith.shrsi %squeeze3A_291, %shift_right_arithmetic3A_292 : i32
      %shift_left3A_294 = arith.constant 4 : i32
      %shift_left3A_295 = arith.shli %shift_right_arithmetic3A_293, %shift_left3A_294 : i32
      %multiple_of3A_296 = tpu.assume_multiple %shift_left3A_295, 16 : i32
      %get3A_297 = arith.constant 13 : i32
      %get3A_298 = arith.index_cast %get3A_297 : i32 to index
      %get3A_299 = arith.index_cast %multiple_of3A_296 : i32 to index
      %get3A_300 = tpu.vector_load %arg6[%get3A_298, %get3A_299] {strides = array<i32>} : memref<33x1000xf32, #tpu.memory_space<vmem>>, vector<1x16xf32>,
      %get3A_301 = vector.shape_cast %get3A_300 : vector<1x16xf32> to vector<16xf32>
      %sub3A_302 = arith.subi %squeeze3A_291, %multiple_of3A_296 : i32
      %eq3A_303 = vector.broadcast %sub3A_302 : i32 to vector<16xi32>
      %eq3A_304 = arith.cmpi eq, %iota3A, %eq3A_303 : vector<16xi32>
      %select_n3A_305 = arith.select %eq3A_304, %get3A_301, %broadcast_in_dim3A_5 : vector<16xi1>, vector<16xf32>
      %add3A_306 = arith.addf %add3A_289, %select_n3A_305 : vector<16xf32>
      %slice3A_307 = vector.extract_strided_slice %get3A_75 {offsets = [14], sizes = [1], strides = [1]} : vector<16xi32> to vector<1xi32>
      %squeeze3A_308 = vector.extract %slice3A_307[0] : i32 from vector<1xi32>
      %shift_right_arithmetic3A_309 = arith.constant 4 : i32
      %shift_right_arithmetic3A_310 = arith.shrsi %squeeze3A_308, %shift_right_arithmetic3A_309 : i32
      %shift_left3A_311 = arith.constant 4 : i32
      %shift_left3A_312 = arith.shli %shift_right_arithmetic3A_310, %shift_left3A_311 : i32
      %multiple_of3A_313 = tpu.assume_multiple %shift_left3A_312, 16 : i32
      %get3A_314 = arith.constant 14 : i32
      %get3A_315 = arith.index_cast %get3A_314 : i32 to index
      %get3A_316 = arith.index_cast %multiple_of3A_313 : i32 to index
      %get3A_317 = tpu.vector_load %arg6[%get3A_315, %get3A_316] {strides = array<i32>} : memref<33x1000xf32, #tpu.memory_space<vmem>>, vector<1x16xf32>,
      %get3A_318 = vector.shape_cast %get3A_317 : vector<1x16xf32> to vector<16xf32>
      %sub3A_319 = arith.subi %squeeze3A_308, %multiple_of3A_313 : i32
      %eq3A_320 = vector.broadcast %sub3A_319 : i32 to vector<16xi32>
      %eq3A_321 = arith.cmpi eq, %iota3A, %eq3A_320 : vector<16xi32>
      %select_n3A_322 = arith.select %eq3A_321, %get3A_318, %broadcast_in_dim3A_5 : vector<16xi1>, vector<16xf32>
      %add3A_323 = arith.addf %add3A_306, %select_n3A_322 : vector<16xf32>
      %slice3A_324 = vector.extract_strided_slice %get3A_75 {offsets = [15], sizes = [1], strides = [1]} : vector<16xi32> to vector<1xi32>
      %squeeze3A_325 = vector.extract %slice3A_324[0] : i32 from vector<1xi32>
      %shift_right_arithmetic3A_326 = arith.constant 4 : i32
      %shift_right_arithmetic3A_327 = arith.shrsi %squeeze3A_325, %shift_right_arithmetic3A_326 : i32
      %shift_left3A_328 = arith.constant 4 : i32
      %shift_left3A_329 = arith.shli %shift_right_arithmetic3A_327, %shift_left3A_328 : i32
      %multiple_of3A_330 = tpu.assume_multiple %shift_left3A_329, 16 : i32
      %get3A_331 = arith.constant 15 : i32
      %get3A_332 = arith.index_cast %get3A_331 : i32 to index
      %get3A_333 = arith.index_cast %multiple_of3A_330 : i32 to index
      %get3A_334 = tpu.vector_load %arg6[%get3A_332, %get3A_333] {strides = array<i32>} : memref<33x1000xf32, #tpu.memory_space<vmem>>, vector<1x16xf32>,
      %get3A_335 = vector.shape_cast %get3A_334 : vector<1x16xf32> to vector<16xf32>
      %sub3A_336 = arith.subi %squeeze3A_325, %multiple_of3A_330 : i32
      %eq3A_337 = vector.broadcast %sub3A_336 : i32 to vector<16xi32>
      %eq3A_338 = arith.cmpi eq, %iota3A, %eq3A_337 : vector<16xi32>
      %select_n3A_339 = arith.select %eq3A_338, %get3A_335, %broadcast_in_dim3A_5 : vector<16xi1>, vector<16xf32>
      %add3A_340 = arith.addf %add3A_323, %select_n3A_339 : vector<16xf32>
      %mul3A_341 = arith.constant 32 : i32
      %mul3A_342 = arith.muli %mul3A_52, %mul3A_341 : i32
      %add3A_343 = arith.constant 16 : i32
      %add3A_344 = arith.addi %mul3A_342, %add3A_343 : i32
      %multiple_of3A_345 = tpu.assume_multiple %add3A_344, 16 : i32
      %get3A_346 = arith.index_cast %multiple_of3A_345 : i32 to index
      %get3A_347 = tpu.vector_load %arg5[%get3A_346] {strides = array<i32>} : memref<512xi32, #tpu.memory_space<vmem>>, vector<16xi32>,
      %get3A_348 = vector.shape_cast %get3A_347 : vector<16xi32> to vector<16xi32>
      %slice3A_349 = vector.extract_strided_slice %get3A_348 {offsets = [0], sizes = [1], strides = [1]} : vector<16xi32> to vector<1xi32>
      %squeeze3A_350 = vector.extract %slice3A_349[0] : i32 from vector<1xi32>
      %shift_right_arithmetic3A_351 = arith.constant 4 : i32
      %shift_right_arithmetic3A_352 = arith.shrsi %squeeze3A_350, %shift_right_arithmetic3A_351 : i32
      %shift_left3A_353 = arith.constant 4 : i32
      %shift_left3A_354 = arith.shli %shift_right_arithmetic3A_352, %shift_left3A_353 : i32
      %multiple_of3A_355 = tpu.assume_multiple %shift_left3A_354, 16 : i32
      %get3A_356 = arith.constant 16 : i32
      %get3A_357 = arith.index_cast %get3A_356 : i32 to index
      %get3A_358 = arith.index_cast %multiple_of3A_355 : i32 to index
      %get3A_359 = tpu.vector_load %arg6[%get3A_357, %get3A_358] {strides = array<i32>} : memref<33x1000xf32, #tpu.memory_space<vmem>>, vector<1x16xf32>,
      %get3A_360 = vector.shape_cast %get3A_359 : vector<1x16xf32> to vector<16xf32>
      %sub3A_361 = arith.subi %squeeze3A_350, %multiple_of3A_355 : i32
      %eq3A_362 = vector.broadcast %sub3A_361 : i32 to vector<16xi32>
      %eq3A_363 = arith.cmpi eq, %iota3A, %eq3A_362 : vector<16xi32>
      %select_n3A_364 = arith.select %eq3A_363, %get3A_360, %broadcast_in_dim3A_5 : vector<16xi1>, vector<16xf32>
      %add3A_365 = arith.addf %add3A_340, %select_n3A_364 : vector<16xf32>
      %slice3A_366 = vector.extract_strided_slice %get3A_348 {offsets = [1], sizes = [1], strides = [1]} : vector<16xi32> to vector<1xi32>
      %squeeze3A_367 = vector.extract %slice3A_366[0] : i32 from vector<1xi32>
      %shift_right_arithmetic3A_368 = arith.constant 4 : i32
      %shift_right_arithmetic3A_369 = arith.shrsi %squeeze3A_367, %shift_right_arithmetic3A_368 : i32
      %shift_left3A_370 = arith.constant 4 : i32
      %shift_left3A_371 = arith.shli %shift_right_arithmetic3A_369, %shift_left3A_370 : i32
      %multiple_of3A_372 = tpu.assume_multiple %shift_left3A_371, 16 : i32
      %get3A_373 = arith.constant 17 : i32
      %get3A_374 = arith.index_cast %get3A_373 : i32 to index
      %get3A_375 = arith.index_cast %multiple_of3A_372 : i32 to index
      %get3A_376 = tpu.vector_load %arg6[%get3A_374, %get3A_375] {strides = array<i32>} : memref<33x1000xf32, #tpu.memory_space<vmem>>, vector<1x16xf32>,
      %get3A_377 = vector.shape_cast %get3A_376 : vector<1x16xf32> to vector<16xf32>
      %sub3A_378 = arith.subi %squeeze3A_367, %multiple_of3A_372 : i32
      %eq3A_379 = vector.broadcast %sub3A_378 : i32 to vector<16xi32>
      %eq3A_380 = arith.cmpi eq, %iota3A, %eq3A_379 : vector<16xi32>
      %select_n3A_381 = arith.select %eq3A_380, %get3A_377, %broadcast_in_dim3A_5 : vector<16xi1>, vector<16xf32>
      %add3A_382 = arith.addf %add3A_365, %select_n3A_381 : vector<16xf32>
      %slice3A_383 = vector.extract_strided_slice %get3A_348 {offsets = [2], sizes = [1], strides = [1]} : vector<16xi32> to vector<1xi32>
      %squeeze3A_384 = vector.extract %slice3A_383[0] : i32 from vector<1xi32>
      %shift_right_arithmetic3A_385 = arith.constant 4 : i32
      %shift_right_arithmetic3A_386 = arith.shrsi %squeeze3A_384, %shift_right_arithmetic3A_385 : i32
      %shift_left3A_387 = arith.constant 4 : i32
      %shift_left3A_388 = arith.shli %shift_right_arithmetic3A_386, %shift_left3A_387 : i32
      %multiple_of3A_389 = tpu.assume_multiple %shift_left3A_388, 16 : i32
      %get3A_390 = arith.constant 18 : i32
      %get3A_391 = arith.index_cast %get3A_390 : i32 to index
      %get3A_392 = arith.index_cast %multiple_of3A_389 : i32 to index
      %get3A_393 = tpu.vector_load %arg6[%get3A_391, %get3A_392] {strides = array<i32>} : memref<33x1000xf32, #tpu.memory_space<vmem>>, vector<1x16xf32>,
      %get3A_394 = vector.shape_cast %get3A_393 : vector<1x16xf32> to vector<16xf32>
      %sub3A_395 = arith.subi %squeeze3A_384, %multiple_of3A_389 : i32
      %eq3A_396 = vector.broadcast %sub3A_395 : i32 to vector<16xi32>
      %eq3A_397 = arith.cmpi eq, %iota3A, %eq3A_396 : vector<16xi32>
      %select_n3A_398 = arith.select %eq3A_397, %get3A_394, %broadcast_in_dim3A_5 : vector<16xi1>, vector<16xf32>
      %add3A_399 = arith.addf %add3A_382, %select_n3A_398 : vector<16xf32>
      %slice3A_400 = vector.extract_strided_slice %get3A_348 {offsets = [3], sizes = [1], strides = [1]} : vector<16xi32> to vector<1xi32>
      %squeeze3A_401 = vector.extract %slice3A_400[0] : i32 from vector<1xi32>
      %shift_right_arithmetic3A_402 = arith.constant 4 : i32
      %shift_right_arithmetic3A_403 = arith.shrsi %squeeze3A_401, %shift_right_arithmetic3A_402 : i32
      %shift_left3A_404 = arith.constant 4 : i32
      %shift_left3A_405 = arith.shli %shift_right_arithmetic3A_403, %shift_left3A_404 : i32
      %multiple_of3A_406 = tpu.assume_multiple %shift_left3A_405, 16 : i32
      %get3A_407 = arith.constant 19 : i32
      %get3A_408 = arith.index_cast %get3A_407 : i32 to index
      %get3A_409 = arith.index_cast %multiple_of3A_406 : i32 to index
      %get3A_410 = tpu.vector_load %arg6[%get3A_408, %get3A_409] {strides = array<i32>} : memref<33x1000xf32, #tpu.memory_space<vmem>>, vector<1x16xf32>,
      %get3A_411 = vector.shape_cast %get3A_410 : vector<1x16xf32> to vector<16xf32>
      %sub3A_412 = arith.subi %squeeze3A_401, %multiple_of3A_406 : i32
      %eq3A_413 = vector.broadcast %sub3A_412 : i32 to vector<16xi32>
      %eq3A_414 = arith.cmpi eq, %iota3A, %eq3A_413 : vector<16xi32>
      %select_n3A_415 = arith.select %eq3A_414, %get3A_411, %broadcast_in_dim3A_5 : vector<16xi1>, vector<16xf32>
      %add3A_416 = arith.addf %add3A_399, %select_n3A_415 : vector<16xf32>
      %slice3A_417 = vector.extract_strided_slice %get3A_348 {offsets = [4], sizes = [1], strides = [1]} : vector<16xi32> to vector<1xi32>
      %squeeze3A_418 = vector.extract %slice3A_417[0] : i32 from vector<1xi32>
      %shift_right_arithmetic3A_419 = arith.constant 4 : i32
      %shift_right_arithmetic3A_420 = arith.shrsi %squeeze3A_418, %shift_right_arithmetic3A_419 : i32
      %shift_left3A_421 = arith.constant 4 : i32
      %shift_left3A_422 = arith.shli %shift_right_arithmetic3A_420, %shift_left3A_421 : i32
      %multiple_of3A_423 = tpu.assume_multiple %shift_left3A_422, 16 : i32
      %get3A_424 = arith.constant 20 : i32
      %get3A_425 = arith.index_cast %get3A_424 : i32 to index
      %get3A_426 = arith.index_cast %multiple_of3A_423 : i32 to index
      %get3A_427 = tpu.vector_load %arg6[%get3A_425, %get3A_426] {strides = array<i32>} : memref<33x1000xf32, #tpu.memory_space<vmem>>, vector<1x16xf32>,
      %get3A_428 = vector.shape_cast %get3A_427 : vector<1x16xf32> to vector<16xf32>
      %sub3A_429 = arith.subi %squeeze3A_418, %multiple_of3A_423 : i32
      %eq3A_430 = vector.broadcast %sub3A_429 : i32 to vector<16xi32>
      %eq3A_431 = arith.cmpi eq, %iota3A, %eq3A_430 : vector<16xi32>
      %select_n3A_432 = arith.select %eq3A_431, %get3A_428, %broadcast_in_dim3A_5 : vector<16xi1>, vector<16xf32>
      %add3A_433 = arith.addf %add3A_416, %select_n3A_432 : vector<16xf32>
      %slice3A_434 = vector.extract_strided_slice %get3A_348 {offsets = [5], sizes = [1], strides = [1]} : vector<16xi32> to vector<1xi32>
      %squeeze3A_435 = vector.extract %slice3A_434[0] : i32 from vector<1xi32>
      %shift_right_arithmetic3A_436 = arith.constant 4 : i32
      %shift_right_arithmetic3A_437 = arith.shrsi %squeeze3A_435, %shift_right_arithmetic3A_436 : i32
      %shift_left3A_438 = arith.constant 4 : i32
      %shift_left3A_439 = arith.shli %shift_right_arithmetic3A_437, %shift_left3A_438 : i32
      %multiple_of3A_440 = tpu.assume_multiple %shift_left3A_439, 16 : i32
      %get3A_441 = arith.constant 21 : i32
      %get3A_442 = arith.index_cast %get3A_441 : i32 to index
      %get3A_443 = arith.index_cast %multiple_of3A_440 : i32 to index
      %get3A_444 = tpu.vector_load %arg6[%get3A_442, %get3A_443] {strides = array<i32>} : memref<33x1000xf32, #tpu.memory_space<vmem>>, vector<1x16xf32>,
      %get3A_445 = vector.shape_cast %get3A_444 : vector<1x16xf32> to vector<16xf32>
      %sub3A_446 = arith.subi %squeeze3A_435, %multiple_of3A_440 : i32
      %eq3A_447 = vector.broadcast %sub3A_446 : i32 to vector<16xi32>
      %eq3A_448 = arith.cmpi eq, %iota3A, %eq3A_447 : vector<16xi32>
      %select_n3A_449 = arith.select %eq3A_448, %get3A_445, %broadcast_in_dim3A_5 : vector<16xi1>, vector<16xf32>
      %add3A_450 = arith.addf %add3A_433, %select_n3A_449 : vector<16xf32>
      %slice3A_451 = vector.extract_strided_slice %get3A_348 {offsets = [6], sizes = [1], strides = [1]} : vector<16xi32> to vector<1xi32>
      %squeeze3A_452 = vector.extract %slice3A_451[0] : i32 from vector<1xi32>
      %shift_right_arithmetic3A_453 = arith.constant 4 : i32
      %shift_right_arithmetic3A_454 = arith.shrsi %squeeze3A_452, %shift_right_arithmetic3A_453 : i32
      %shift_left3A_455 = arith.constant 4 : i32
      %shift_left3A_456 = arith.shli %shift_right_arithmetic3A_454, %shift_left3A_455 : i32
      %multiple_of3A_457 = tpu.assume_multiple %shift_left3A_456, 16 : i32
      %get3A_458 = arith.constant 22 : i32
      %get3A_459 = arith.index_cast %get3A_458 : i32 to index
      %get3A_460 = arith.index_cast %multiple_of3A_457 : i32 to index
      %get3A_461 = tpu.vector_load %arg6[%get3A_459, %get3A_460] {strides = array<i32>} : memref<33x1000xf32, #tpu.memory_space<vmem>>, vector<1x16xf32>,
      %get3A_462 = vector.shape_cast %get3A_461 : vector<1x16xf32> to vector<16xf32>
      %sub3A_463 = arith.subi %squeeze3A_452, %multiple_of3A_457 : i32
      %eq3A_464 = vector.broadcast %sub3A_463 : i32 to vector<16xi32>
      %eq3A_465 = arith.cmpi eq, %iota3A, %eq3A_464 : vector<16xi32>
      %select_n3A_466 = arith.select %eq3A_465, %get3A_462, %broadcast_in_dim3A_5 : vector<16xi1>, vector<16xf32>
      %add3A_467 = arith.addf %add3A_450, %select_n3A_466 : vector<16xf32>
      %slice3A_468 = vector.extract_strided_slice %get3A_348 {offsets = [7], sizes = [1], strides = [1]} : vector<16xi32> to vector<1xi32>
      %squeeze3A_469 = vector.extract %slice3A_468[0] : i32 from vector<1xi32>
      %shift_right_arithmetic3A_470 = arith.constant 4 : i32
      %shift_right_arithmetic3A_471 = arith.shrsi %squeeze3A_469, %shift_right_arithmetic3A_470 : i32
      %shift_left3A_472 = arith.constant 4 : i32
      %shift_left3A_473 = arith.shli %shift_right_arithmetic3A_471, %shift_left3A_472 : i32
      %multiple_of3A_474 = tpu.assume_multiple %shift_left3A_473, 16 : i32
      %get3A_475 = arith.constant 23 : i32
      %get3A_476 = arith.index_cast %get3A_475 : i32 to index
      %get3A_477 = arith.index_cast %multiple_of3A_474 : i32 to index
      %get3A_478 = tpu.vector_load %arg6[%get3A_476, %get3A_477] {strides = array<i32>} : memref<33x1000xf32, #tpu.memory_space<vmem>>, vector<1x16xf32>,
      %get3A_479 = vector.shape_cast %get3A_478 : vector<1x16xf32> to vector<16xf32>
      %sub3A_480 = arith.subi %squeeze3A_469, %multiple_of3A_474 : i32
      %eq3A_481 = vector.broadcast %sub3A_480 : i32 to vector<16xi32>
      %eq3A_482 = arith.cmpi eq, %iota3A, %eq3A_481 : vector<16xi32>
      %select_n3A_483 = arith.select %eq3A_482, %get3A_479, %broadcast_in_dim3A_5 : vector<16xi1>, vector<16xf32>
      %add3A_484 = arith.addf %add3A_467, %select_n3A_483 : vector<16xf32>
      %slice3A_485 = vector.extract_strided_slice %get3A_348 {offsets = [8], sizes = [1], strides = [1]} : vector<16xi32> to vector<1xi32>
      %squeeze3A_486 = vector.extract %slice3A_485[0] : i32 from vector<1xi32>
      %shift_right_arithmetic3A_487 = arith.constant 4 : i32
      %shift_right_arithmetic3A_488 = arith.shrsi %squeeze3A_486, %shift_right_arithmetic3A_487 : i32
      %shift_left3A_489 = arith.constant 4 : i32
      %shift_left3A_490 = arith.shli %shift_right_arithmetic3A_488, %shift_left3A_489 : i32
      %multiple_of3A_491 = tpu.assume_multiple %shift_left3A_490, 16 : i32
      %get3A_492 = arith.constant 24 : i32
      %get3A_493 = arith.index_cast %get3A_492 : i32 to index
      %get3A_494 = arith.index_cast %multiple_of3A_491 : i32 to index
      %get3A_495 = tpu.vector_load %arg6[%get3A_493, %get3A_494] {strides = array<i32>} : memref<33x1000xf32, #tpu.memory_space<vmem>>, vector<1x16xf32>,
      %get3A_496 = vector.shape_cast %get3A_495 : vector<1x16xf32> to vector<16xf32>
      %sub3A_497 = arith.subi %squeeze3A_486, %multiple_of3A_491 : i32
      %eq3A_498 = vector.broadcast %sub3A_497 : i32 to vector<16xi32>
      %eq3A_499 = arith.cmpi eq, %iota3A, %eq3A_498 : vector<16xi32>
      %select_n3A_500 = arith.select %eq3A_499, %get3A_496, %broadcast_in_dim3A_5 : vector<16xi1>, vector<16xf32>
      %add3A_501 = arith.addf %add3A_484, %select_n3A_500 : vector<16xf32>
      %slice3A_502 = vector.extract_strided_slice %get3A_348 {offsets = [9], sizes = [1], strides = [1]} : vector<16xi32> to vector<1xi32>
      %squeeze3A_503 = vector.extract %slice3A_502[0] : i32 from vector<1xi32>
      %shift_right_arithmetic3A_504 = arith.constant 4 : i32
      %shift_right_arithmetic3A_505 = arith.shrsi %squeeze3A_503, %shift_right_arithmetic3A_504 : i32
      %shift_left3A_506 = arith.constant 4 : i32
      %shift_left3A_507 = arith.shli %shift_right_arithmetic3A_505, %shift_left3A_506 : i32
      %multiple_of3A_508 = tpu.assume_multiple %shift_left3A_507, 16 : i32
      %get3A_509 = arith.constant 25 : i32
      %get3A_510 = arith.index_cast %get3A_509 : i32 to index
      %get3A_511 = arith.index_cast %multiple_of3A_508 : i32 to index
      %get3A_512 = tpu.vector_load %arg6[%get3A_510, %get3A_511] {strides = array<i32>} : memref<33x1000xf32, #tpu.memory_space<vmem>>, vector<1x16xf32>,
      %get3A_513 = vector.shape_cast %get3A_512 : vector<1x16xf32> to vector<16xf32>
      %sub3A_514 = arith.subi %squeeze3A_503, %multiple_of3A_508 : i32
      %eq3A_515 = vector.broadcast %sub3A_514 : i32 to vector<16xi32>
      %eq3A_516 = arith.cmpi eq, %iota3A, %eq3A_515 : vector<16xi32>
      %select_n3A_517 = arith.select %eq3A_516, %get3A_513, %broadcast_in_dim3A_5 : vector<16xi1>, vector<16xf32>
      %add3A_518 = arith.addf %add3A_501, %select_n3A_517 : vector<16xf32>
      %slice3A_519 = vector.extract_strided_slice %get3A_348 {offsets = [10], sizes = [1], strides = [1]} : vector<16xi32> to vector<1xi32>
      %squeeze3A_520 = vector.extract %slice3A_519[0] : i32 from vector<1xi32>
      %shift_right_arithmetic3A_521 = arith.constant 4 : i32
      %shift_right_arithmetic3A_522 = arith.shrsi %squeeze3A_520, %shift_right_arithmetic3A_521 : i32
      %shift_left3A_523 = arith.constant 4 : i32
      %shift_left3A_524 = arith.shli %shift_right_arithmetic3A_522, %shift_left3A_523 : i32
      %multiple_of3A_525 = tpu.assume_multiple %shift_left3A_524, 16 : i32
      %get3A_526 = arith.constant 26 : i32
      %get3A_527 = arith.index_cast %get3A_526 : i32 to index
      %get3A_528 = arith.index_cast %multiple_of3A_525 : i32 to index
      %get3A_529 = tpu.vector_load %arg6[%get3A_527, %get3A_528] {strides = array<i32>} : memref<33x1000xf32, #tpu.memory_space<vmem>>, vector<1x16xf32>,
      %get3A_530 = vector.shape_cast %get3A_529 : vector<1x16xf32> to vector<16xf32>
      %sub3A_531 = arith.subi %squeeze3A_520, %multiple_of3A_525 : i32
      %eq3A_532 = vector.broadcast %sub3A_531 : i32 to vector<16xi32>
      %eq3A_533 = arith.cmpi eq, %iota3A, %eq3A_532 : vector<16xi32>
      %select_n3A_534 = arith.select %eq3A_533, %get3A_530, %broadcast_in_dim3A_5 : vector<16xi1>, vector<16xf32>
      %add3A_535 = arith.addf %add3A_518, %select_n3A_534 : vector<16xf32>
      %slice3A_536 = vector.extract_strided_slice %get3A_348 {offsets = [11], sizes = [1], strides = [1]} : vector<16xi32> to vector<1xi32>
      %squeeze3A_537 = vector.extract %slice3A_536[0] : i32 from vector<1xi32>
      %shift_right_arithmetic3A_538 = arith.constant 4 : i32
      %shift_right_arithmetic3A_539 = arith.shrsi %squeeze3A_537, %shift_right_arithmetic3A_538 : i32
      %shift_left3A_540 = arith.constant 4 : i32
      %shift_left3A_541 = arith.shli %shift_right_arithmetic3A_539, %shift_left3A_540 : i32
      %multiple_of3A_542 = tpu.assume_multiple %shift_left3A_541, 16 : i32
      %get3A_543 = arith.constant 27 : i32
      %get3A_544 = arith.index_cast %get3A_543 : i32 to index
      %get3A_545 = arith.index_cast %multiple_of3A_542 : i32 to index
      %get3A_546 = tpu.vector_load %arg6[%get3A_544, %get3A_545] {strides = array<i32>} : memref<33x1000xf32, #tpu.memory_space<vmem>>, vector<1x16xf32>,
      %get3A_547 = vector.shape_cast %get3A_546 : vector<1x16xf32> to vector<16xf32>
      %sub3A_548 = arith.subi %squeeze3A_537, %multiple_of3A_542 : i32
      %eq3A_549 = vector.broadcast %sub3A_548 : i32 to vector<16xi32>
      %eq3A_550 = arith.cmpi eq, %iota3A, %eq3A_549 : vector<16xi32>
      %select_n3A_551 = arith.select %eq3A_550, %get3A_547, %broadcast_in_dim3A_5 : vector<16xi1>, vector<16xf32>
      %add3A_552 = arith.addf %add3A_535, %select_n3A_551 : vector<16xf32>
      %slice3A_553 = vector.extract_strided_slice %get3A_348 {offsets = [12], sizes = [1], strides = [1]} : vector<16xi32> to vector<1xi32>
      %squeeze3A_554 = vector.extract %slice3A_553[0] : i32 from vector<1xi32>
      %shift_right_arithmetic3A_555 = arith.constant 4 : i32
      %shift_right_arithmetic3A_556 = arith.shrsi %squeeze3A_554, %shift_right_arithmetic3A_555 : i32
      %shift_left3A_557 = arith.constant 4 : i32
      %shift_left3A_558 = arith.shli %shift_right_arithmetic3A_556, %shift_left3A_557 : i32
      %multiple_of3A_559 = tpu.assume_multiple %shift_left3A_558, 16 : i32
      %get3A_560 = arith.constant 28 : i32
      %get3A_561 = arith.index_cast %get3A_560 : i32 to index
      %get3A_562 = arith.index_cast %multiple_of3A_559 : i32 to index
      %get3A_563 = tpu.vector_load %arg6[%get3A_561, %get3A_562] {strides = array<i32>} : memref<33x1000xf32, #tpu.memory_space<vmem>>, vector<1x16xf32>,
      %get3A_564 = vector.shape_cast %get3A_563 : vector<1x16xf32> to vector<16xf32>
      %sub3A_565 = arith.subi %squeeze3A_554, %multiple_of3A_559 : i32
      %eq3A_566 = vector.broadcast %sub3A_565 : i32 to vector<16xi32>
      %eq3A_567 = arith.cmpi eq, %iota3A, %eq3A_566 : vector<16xi32>
      %select_n3A_568 = arith.select %eq3A_567, %get3A_564, %broadcast_in_dim3A_5 : vector<16xi1>, vector<16xf32>
      %add3A_569 = arith.addf %add3A_552, %select_n3A_568 : vector<16xf32>
      %slice3A_570 = vector.extract_strided_slice %get3A_348 {offsets = [13], sizes = [1], strides = [1]} : vector<16xi32> to vector<1xi32>
      %squeeze3A_571 = vector.extract %slice3A_570[0] : i32 from vector<1xi32>
      %shift_right_arithmetic3A_572 = arith.constant 4 : i32
      %shift_right_arithmetic3A_573 = arith.shrsi %squeeze3A_571, %shift_right_arithmetic3A_572 : i32
      %shift_left3A_574 = arith.constant 4 : i32
      %shift_left3A_575 = arith.shli %shift_right_arithmetic3A_573, %shift_left3A_574 : i32
      %multiple_of3A_576 = tpu.assume_multiple %shift_left3A_575, 16 : i32
      %get3A_577 = arith.constant 29 : i32
      %get3A_578 = arith.index_cast %get3A_577 : i32 to index
      %get3A_579 = arith.index_cast %multiple_of3A_576 : i32 to index
      %get3A_580 = tpu.vector_load %arg6[%get3A_578, %get3A_579] {strides = array<i32>} : memref<33x1000xf32, #tpu.memory_space<vmem>>, vector<1x16xf32>,
      %get3A_581 = vector.shape_cast %get3A_580 : vector<1x16xf32> to vector<16xf32>
      %sub3A_582 = arith.subi %squeeze3A_571, %multiple_of3A_576 : i32
      %eq3A_583 = vector.broadcast %sub3A_582 : i32 to vector<16xi32>
      %eq3A_584 = arith.cmpi eq, %iota3A, %eq3A_583 : vector<16xi32>
      %select_n3A_585 = arith.select %eq3A_584, %get3A_581, %broadcast_in_dim3A_5 : vector<16xi1>, vector<16xf32>
      %add3A_586 = arith.addf %add3A_569, %select_n3A_585 : vector<16xf32>
      %slice3A_587 = vector.extract_strided_slice %get3A_348 {offsets = [14], sizes = [1], strides = [1]} : vector<16xi32> to vector<1xi32>
      %squeeze3A_588 = vector.extract %slice3A_587[0] : i32 from vector<1xi32>
      %shift_right_arithmetic3A_589 = arith.constant 4 : i32
      %shift_right_arithmetic3A_590 = arith.shrsi %squeeze3A_588, %shift_right_arithmetic3A_589 : i32
      %shift_left3A_591 = arith.constant 4 : i32
      %shift_left3A_592 = arith.shli %shift_right_arithmetic3A_590, %shift_left3A_591 : i32
      %multiple_of3A_593 = tpu.assume_multiple %shift_left3A_592, 16 : i32
      %get3A_594 = arith.constant 30 : i32
      %get3A_595 = arith.index_cast %get3A_594 : i32 to index
      %get3A_596 = arith.index_cast %multiple_of3A_593 : i32 to index
      %get3A_597 = tpu.vector_load %arg6[%get3A_595, %get3A_596] {strides = array<i32>} : memref<33x1000xf32, #tpu.memory_space<vmem>>, vector<1x16xf32>,
      %get3A_598 = vector.shape_cast %get3A_597 : vector<1x16xf32> to vector<16xf32>
      %sub3A_599 = arith.subi %squeeze3A_588, %multiple_of3A_593 : i32
      %eq3A_600 = vector.broadcast %sub3A_599 : i32 to vector<16xi32>
      %eq3A_601 = arith.cmpi eq, %iota3A, %eq3A_600 : vector<16xi32>
      %select_n3A_602 = arith.select %eq3A_601, %get3A_598, %broadcast_in_dim3A_5 : vector<16xi1>, vector<16xf32>
      %add3A_603 = arith.addf %add3A_586, %select_n3A_602 : vector<16xf32>
      %slice3A_604 = vector.extract_strided_slice %get3A_348 {offsets = [15], sizes = [1], strides = [1]} : vector<16xi32> to vector<1xi32>
      %squeeze3A_605 = vector.extract %slice3A_604[0] : i32 from vector<1xi32>
      %shift_right_arithmetic3A_606 = arith.constant 4 : i32
      %shift_right_arithmetic3A_607 = arith.shrsi %squeeze3A_605, %shift_right_arithmetic3A_606 : i32
      %shift_left3A_608 = arith.constant 4 : i32
      %shift_left3A_609 = arith.shli %shift_right_arithmetic3A_607, %shift_left3A_608 : i32
      %multiple_of3A_610 = tpu.assume_multiple %shift_left3A_609, 16 : i32
      %get3A_611 = arith.constant 31 : i32
      %get3A_612 = arith.index_cast %get3A_611 : i32 to index
      %get3A_613 = arith.index_cast %multiple_of3A_610 : i32 to index
      %get3A_614 = tpu.vector_load %arg6[%get3A_612, %get3A_613] {strides = array<i32>} : memref<33x1000xf32, #tpu.memory_space<vmem>>, vector<1x16xf32>,
      %get3A_615 = vector.shape_cast %get3A_614 : vector<1x16xf32> to vector<16xf32>
      %sub3A_616 = arith.subi %squeeze3A_605, %multiple_of3A_610 : i32
      %eq3A_617 = vector.broadcast %sub3A_616 : i32 to vector<16xi32>
      %eq3A_618 = arith.cmpi eq, %iota3A, %eq3A_617 : vector<16xi32>
      %select_n3A_619 = arith.select %eq3A_618, %get3A_615, %broadcast_in_dim3A_5 : vector<16xi1>, vector<16xf32>
      %add3A_620 = arith.addf %add3A_603, %select_n3A_619 : vector<16xf32>
      %add3A_621 = arith.constant 2 : i32
      %add3A_622 = arith.addi %mul3A_52, %add3A_621 : i32
      %lt3A = arith.constant 16 : i32
      %lt3A_623 = arith.cmpi slt, %add3A_622, %lt3A : i32
      %convert_element_type3A = arith.extui %lt3A_623 : i1 to i32
      %cond3A = arith.constant 0 : i32
      %cond3A_624 = arith.cmpi ne, %convert_element_type3A, %cond3A : i32
      scf.if %cond3A_624 {
        %add3A_1214 = arith.constant 2 : i32
        %add3A_1215 = arith.addi %mul3A_52, %add3A_1214 : i32
        %mul3A_1216 = arith.constant 32 : i32
        %mul3A_1217 = arith.muli %add3A_1215, %mul3A_1216 : i32
        %add3A_1218 = arith.addi %mul3A_2, %mul3A_1217 : i32
        %dma_start3A_1219 = arith.constant 0 : i32
        %dma_start3A_1220 = arith.constant 0 : i32
        %dma_start3A_1221 = tpu.memref_slice %arg6[%dma_start3A_1219, %dma_start3A_1220] : memref<33x1000xf32, #tpu.memory_space<vmem>> -> memref<32x1000xf32, #tpu.memory_space<vmem>>
        %dma_start3A_1222 = arith.constant 0 : i32
        %dma_start3A_1223 = tpu.memref_slice %arg2[%add3A_1218, %dma_start3A_1222] : memref<16384x1000xf32, #tpu.memory_space<hbm>> -> memref<32x1000xf32, #tpu.memory_space<hbm>>
        %dma_start3A_1224 = arith.constant 0 : i32
        %dma_start3A_1225 = arith.constant 0 : i32
        %dma_start3A_1226 = tpu.memref_slice %arg6[%dma_start3A_1224, %dma_start3A_1225] : memref<33x1000xf32, #tpu.memory_space<vmem>> -> memref<32x1000xf32, #tpu.memory_space<vmem>>
        %dma_start3A_1227 = arith.constant 0 : i32
        %dma_start3A_1228 = tpu.memref_slice %arg2[%add3A_1218, %dma_start3A_1227] : memref<16384x1000xf32, #tpu.memory_space<hbm>> -> memref<32x1000xf32, #tpu.memory_space<hbm>>
        tpu.enqueue_dma source(%dma_start3A_1228 : memref<32x1000xf32, #tpu.memory_space<hbm>>) target(%dma_start3A_1226 : memref<32x1000xf32, #tpu.memory_space<vmem>>) target_semaphore(%arg9 : memref<!tpu.dma_semaphore, #tpu.memory_space<semaphore_mem>>)
      } else {
      }
      %mul3A_625 = arith.constant 2 : i32
      %mul3A_626 = arith.muli %mul3A_625, %scan3A_45 : i32
      %add3A_627 = arith.constant 1 : i32
      %add3A_628 = arith.addi %mul3A_626, %add3A_627 : i32
      %dma_wait3A_629 = arith.constant 0 : i32
      %dma_wait3A_630 = arith.constant 0 : i32
      %dma_wait3A_631 = tpu.memref_slice %arg7[%dma_wait3A_629, %dma_wait3A_630] : memref<33x1000xf32, #tpu.memory_space<vmem>> -> memref<32x1000xf32, #tpu.memory_space<vmem>>
      %dma_wait3A_632 = arith.constant 0 : i32
      %dma_wait3A_633 = arith.constant 0 : i32
      %dma_wait3A_634 = tpu.memref_slice %arg2[%dma_wait3A_632, %dma_wait3A_633] : memref<16384x1000xf32, #tpu.memory_space<hbm>> -> memref<32x1000xf32, #tpu.memory_space<hbm>>
      %dma_wait3A_635 = arith.constant 0 : i32
      %dma_wait3A_636 = arith.constant 0 : i32
      %dma_wait3A_637 = tpu.memref_slice %arg7[%dma_wait3A_635, %dma_wait3A_636] : memref<33x1000xf32, #tpu.memory_space<vmem>> -> memref<32x1000xf32, #tpu.memory_space<vmem>>
      %dma_wait3A_638 = arith.constant 0 : i32
      %dma_wait3A_639 = arith.constant 0 : i32
      %dma_wait3A_640 = tpu.memref_slice %arg2[%dma_wait3A_638, %dma_wait3A_639] : memref<16384x1000xf32, #tpu.memory_space<hbm>> -> memref<32x1000xf32, #tpu.memory_space<hbm>>
      tpu.wait_dma2 semaphore(%arg10 : memref<!tpu.dma_semaphore, #tpu.memory_space<semaphore_mem>>) src(%dma_wait3A_640 : memref<32x1000xf32, #tpu.memory_space<hbm>>) dst(%dma_wait3A_637 : memref<32x1000xf32, #tpu.memory_space<vmem>>)
      %scan3A_641 = arith.constant 0 : i32
      %scan3A_642 = arith.constant 32 : i32
      %scan3A_643 = arith.addi %scan3A_641, %scan3A_642 : i32
      %scan3A_644 = arith.constant 1 : i32
      %scan3A_645:4 = scf.for %scan3A_1214 = %scan3A_641 to %scan3A_643 step %scan3A_644 iter_args(%scan3A_1215 = %scan3A_68#0, %scan3A_1216 = %scan3A_68#1, %scan3A_1217 = %scan3A_68#2, %scan3A_1218 = %scan3A_68#3) -> (vector<16xf32>, vector<16xf32>, vector<16xf32>, vector<16xf32>)  : i32 {
        %get3A_1219 = arith.index_cast %scan3A_1214 : i32 to index
        %get3A_1220 = arith.constant 0 : index
        %get3A_1221 = tpu.vector_load %arg7[%get3A_1219, %get3A_1220] {strides = array<i32>} : memref<33x1000xf32, #tpu.memory_space<vmem>>, vector<1x16xf32>,
        %get3A_1222 = vector.shape_cast %get3A_1221 : vector<1x16xf32> to vector<16xf32>
        %add3A_1223 = arith.addf %scan3A_1215, %get3A_1222 : vector<16xf32>
        %get3A_1224 = arith.index_cast %scan3A_1214 : i32 to index
        %get3A_1225 = arith.constant 16 : index
        %get3A_1226 = tpu.vector_load %arg7[%get3A_1224, %get3A_1225] {strides = array<i32>} : memref<33x1000xf32, #tpu.memory_space<vmem>>, vector<1x16xf32>,
        %get3A_1227 = vector.shape_cast %get3A_1226 : vector<1x16xf32> to vector<16xf32>
        %add3A_1228 = arith.addf %scan3A_1216, %get3A_1227 : vector<16xf32>
        %get3A_1229 = arith.index_cast %scan3A_1214 : i32 to index
        %get3A_1230 = arith.constant 32 : index
        %get3A_1231 = tpu.vector_load %arg7[%get3A_1229, %get3A_1230] {strides = array<i32>} : memref<33x1000xf32, #tpu.memory_space<vmem>>, vector<1x16xf32>,
        %get3A_1232 = vector.shape_cast %get3A_1231 : vector<1x16xf32> to vector<16xf32>
        %add3A_1233 = arith.addf %scan3A_1217, %get3A_1232 : vector<16xf32>
        %get3A_1234 = arith.index_cast %scan3A_1214 : i32 to index
        %get3A_1235 = arith.constant 48 : index
        %get3A_1236 = tpu.vector_load %arg7[%get3A_1234, %get3A_1235] {strides = array<i32>} : memref<33x1000xf32, #tpu.memory_space<vmem>>, vector<1x16xf32>,
        %get3A_1237 = vector.shape_cast %get3A_1236 : vector<1x16xf32> to vector<16xf32>
        %add3A_1238 = arith.addf %scan3A_1218, %get3A_1237 : vector<16xf32>
        %get3A_1239 = arith.index_cast %scan3A_1214 : i32 to index
        %get3A_1240 = arith.constant 64 : index
        %get3A_1241 = tpu.vector_load %arg7[%get3A_1239, %get3A_1240] {strides = array<i32>} : memref<33x1000xf32, #tpu.memory_space<vmem>>, vector<1x16xf32>,
        %get3A_1242 = vector.shape_cast %get3A_1241 : vector<1x16xf32> to vector<16xf32>
        %add3A_1243 = arith.addf %add3A_1223, %get3A_1242 : vector<16xf32>
        %get3A_1244 = arith.index_cast %scan3A_1214 : i32 to index
        %get3A_1245 = arith.constant 80 : index
        %get3A_1246 = tpu.vector_load %arg7[%get3A_1244, %get3A_1245] {strides = array<i32>} : memref<33x1000xf32, #tpu.memory_space<vmem>>, vector<1x16xf32>,
        %get3A_1247 = vector.shape_cast %get3A_1246 : vector<1x16xf32> to vector<16xf32>
        %add3A_1248 = arith.addf %add3A_1228, %get3A_1247 : vector<16xf32>
        %get3A_1249 = arith.index_cast %scan3A_1214 : i32 to index
        %get3A_1250 = arith.constant 96 : index
        %get3A_1251 = tpu.vector_load %arg7[%get3A_1249, %get3A_1250] {strides = array<i32>} : memref<33x1000xf32, #tpu.memory_space<vmem>>, vector<1x16xf32>,
        %get3A_1252 = vector.shape_cast %get3A_1251 : vector<1x16xf32> to vector<16xf32>
        %add3A_1253 = arith.addf %add3A_1233, %get3A_1252 : vector<16xf32>
        %get3A_1254 = arith.index_cast %scan3A_1214 : i32 to index
        %get3A_1255 = arith.constant 112 : index
        %get3A_1256 = tpu.vector_load %arg7[%get3A_1254, %get3A_1255] {strides = array<i32>} : memref<33x1000xf32, #tpu.memory_space<vmem>>, vector<1x16xf32>,
        %get3A_1257 = vector.shape_cast %get3A_1256 : vector<1x16xf32> to vector<16xf32>
        %add3A_1258 = arith.addf %add3A_1238, %get3A_1257 : vector<16xf32>
        %get3A_1259 = arith.index_cast %scan3A_1214 : i32 to index
        %get3A_1260 = arith.constant 128 : index
        %get3A_1261 = tpu.vector_load %arg7[%get3A_1259, %get3A_1260] {strides = array<i32>} : memref<33x1000xf32, #tpu.memory_space<vmem>>, vector<1x16xf32>,
        %get3A_1262 = vector.shape_cast %get3A_1261 : vector<1x16xf32> to vector<16xf32>
        %add3A_1263 = arith.addf %add3A_1243, %get3A_1262 : vector<16xf32>
        %get3A_1264 = arith.index_cast %scan3A_1214 : i32 to index
        %get3A_1265 = arith.constant 144 : index
        %get3A_1266 = tpu.vector_load %arg7[%get3A_1264, %get3A_1265] {strides = array<i32>} : memref<33x1000xf32, #tpu.memory_space<vmem>>, vector<1x16xf32>,
        %get3A_1267 = vector.shape_cast %get3A_1266 : vector<1x16xf32> to vector<16xf32>
        %add3A_1268 = arith.addf %add3A_1248, %get3A_1267 : vector<16xf32>
        %get3A_1269 = arith.index_cast %scan3A_1214 : i32 to index
        %get3A_1270 = arith.constant 160 : index
        %get3A_1271 = tpu.vector_load %arg7[%get3A_1269, %get3A_1270] {strides = array<i32>} : memref<33x1000xf32, #tpu.memory_space<vmem>>, vector<1x16xf32>,
        %get3A_1272 = vector.shape_cast %get3A_1271 : vector<1x16xf32> to vector<16xf32>
        %add3A_1273 = arith.addf %add3A_1253, %get3A_1272 : vector<16xf32>
        %get3A_1274 = arith.index_cast %scan3A_1214 : i32 to index
        %get3A_1275 = arith.constant 176 : index
        %get3A_1276 = tpu.vector_load %arg7[%get3A_1274, %get3A_1275] {strides = array<i32>} : memref<33x1000xf32, #tpu.memory_space<vmem>>, vector<1x16xf32>,
        %get3A_1277 = vector.shape_cast %get3A_1276 : vector<1x16xf32> to vector<16xf32>
        %add3A_1278 = arith.addf %add3A_1258, %get3A_1277 : vector<16xf32>
        %get3A_1279 = arith.index_cast %scan3A_1214 : i32 to index
        %get3A_1280 = arith.constant 192 : index
        %get3A_1281 = tpu.vector_load %arg7[%get3A_1279, %get3A_1280] {strides = array<i32>} : memref<33x1000xf32, #tpu.memory_space<vmem>>, vector<1x16xf32>,
        %get3A_1282 = vector.shape_cast %get3A_1281 : vector<1x16xf32> to vector<16xf32>
        %add3A_1283 = arith.addf %add3A_1263, %get3A_1282 : vector<16xf32>
        %get3A_1284 = arith.index_cast %scan3A_1214 : i32 to index
        %get3A_1285 = arith.constant 208 : index
        %get3A_1286 = tpu.vector_load %arg7[%get3A_1284, %get3A_1285] {strides = array<i32>} : memref<33x1000xf32, #tpu.memory_space<vmem>>, vector<1x16xf32>,
        %get3A_1287 = vector.shape_cast %get3A_1286 : vector<1x16xf32> to vector<16xf32>
        %add3A_1288 = arith.addf %add3A_1268, %get3A_1287 : vector<16xf32>
        %get3A_1289 = arith.index_cast %scan3A_1214 : i32 to index
        %get3A_1290 = arith.constant 224 : index
        %get3A_1291 = tpu.vector_load %arg7[%get3A_1289, %get3A_1290] {strides = array<i32>} : memref<33x1000xf32, #tpu.memory_space<vmem>>, vector<1x16xf32>,
        %get3A_1292 = vector.shape_cast %get3A_1291 : vector<1x16xf32> to vector<16xf32>
        %add3A_1293 = arith.addf %add3A_1273, %get3A_1292 : vector<16xf32>
        %get3A_1294 = arith.index_cast %scan3A_1214 : i32 to index
        %get3A_1295 = arith.constant 240 : index
        %get3A_1296 = tpu.vector_load %arg7[%get3A_1294, %get3A_1295] {strides = array<i32>} : memref<33x1000xf32, #tpu.memory_space<vmem>>, vector<1x16xf32>,
        %get3A_1297 = vector.shape_cast %get3A_1296 : vector<1x16xf32> to vector<16xf32>
        %add3A_1298 = arith.addf %add3A_1278, %get3A_1297 : vector<16xf32>
        %get3A_1299 = arith.index_cast %scan3A_1214 : i32 to index
        %get3A_1300 = arith.constant 256 : index
        %get3A_1301 = tpu.vector_load %arg7[%get3A_1299, %get3A_1300] {strides = array<i32>} : memref<33x1000xf32, #tpu.memory_space<vmem>>, vector<1x16xf32>,
        %get3A_1302 = vector.shape_cast %get3A_1301 : vector<1x16xf32> to vector<16xf32>
        %add3A_1303 = arith.addf %add3A_1283, %get3A_1302 : vector<16xf32>
        %get3A_1304 = arith.index_cast %scan3A_1214 : i32 to index
        %get3A_1305 = arith.constant 272 : index
        %get3A_1306 = tpu.vector_load %arg7[%get3A_1304, %get3A_1305] {strides = array<i32>} : memref<33x1000xf32, #tpu.memory_space<vmem>>, vector<1x16xf32>,
        %get3A_1307 = vector.shape_cast %get3A_1306 : vector<1x16xf32> to vector<16xf32>
        %add3A_1308 = arith.addf %add3A_1288, %get3A_1307 : vector<16xf32>
        %get3A_1309 = arith.index_cast %scan3A_1214 : i32 to index
        %get3A_1310 = arith.constant 288 : index
        %get3A_1311 = tpu.vector_load %arg7[%get3A_1309, %get3A_1310] {strides = array<i32>} : memref<33x1000xf32, #tpu.memory_space<vmem>>, vector<1x16xf32>,
        %get3A_1312 = vector.shape_cast %get3A_1311 : vector<1x16xf32> to vector<16xf32>
        %add3A_1313 = arith.addf %add3A_1293, %get3A_1312 : vector<16xf32>
        %get3A_1314 = arith.index_cast %scan3A_1214 : i32 to index
        %get3A_1315 = arith.constant 304 : index
        %get3A_1316 = tpu.vector_load %arg7[%get3A_1314, %get3A_1315] {strides = array<i32>} : memref<33x1000xf32, #tpu.memory_space<vmem>>, vector<1x16xf32>,
        %get3A_1317 = vector.shape_cast %get3A_1316 : vector<1x16xf32> to vector<16xf32>
        %add3A_1318 = arith.addf %add3A_1298, %get3A_1317 : vector<16xf32>
        %get3A_1319 = arith.index_cast %scan3A_1214 : i32 to index
        %get3A_1320 = arith.constant 320 : index
        %get3A_1321 = tpu.vector_load %arg7[%get3A_1319, %get3A_1320] {strides = array<i32>} : memref<33x1000xf32, #tpu.memory_space<vmem>>, vector<1x16xf32>,
        %get3A_1322 = vector.shape_cast %get3A_1321 : vector<1x16xf32> to vector<16xf32>
        %add3A_1323 = arith.addf %add3A_1303, %get3A_1322 : vector<16xf32>
        %get3A_1324 = arith.index_cast %scan3A_1214 : i32 to index
        %get3A_1325 = arith.constant 336 : index
        %get3A_1326 = tpu.vector_load %arg7[%get3A_1324, %get3A_1325] {strides = array<i32>} : memref<33x1000xf32, #tpu.memory_space<vmem>>, vector<1x16xf32>,
        %get3A_1327 = vector.shape_cast %get3A_1326 : vector<1x16xf32> to vector<16xf32>
        %add3A_1328 = arith.addf %add3A_1308, %get3A_1327 : vector<16xf32>
        %get3A_1329 = arith.index_cast %scan3A_1214 : i32 to index
        %get3A_1330 = arith.constant 352 : index
        %get3A_1331 = tpu.vector_load %arg7[%get3A_1329, %get3A_1330] {strides = array<i32>} : memref<33x1000xf32, #tpu.memory_space<vmem>>, vector<1x16xf32>,
        %get3A_1332 = vector.shape_cast %get3A_1331 : vector<1x16xf32> to vector<16xf32>
        %add3A_1333 = arith.addf %add3A_1313, %get3A_1332 : vector<16xf32>
        %get3A_1334 = arith.index_cast %scan3A_1214 : i32 to index
        %get3A_1335 = arith.constant 368 : index
        %get3A_1336 = tpu.vector_load %arg7[%get3A_1334, %get3A_1335] {strides = array<i32>} : memref<33x1000xf32, #tpu.memory_space<vmem>>, vector<1x16xf32>,
        %get3A_1337 = vector.shape_cast %get3A_1336 : vector<1x16xf32> to vector<16xf32>
        %add3A_1338 = arith.addf %add3A_1318, %get3A_1337 : vector<16xf32>
        %get3A_1339 = arith.index_cast %scan3A_1214 : i32 to index
        %get3A_1340 = arith.constant 384 : index
        %get3A_1341 = tpu.vector_load %arg7[%get3A_1339, %get3A_1340] {strides = array<i32>} : memref<33x1000xf32, #tpu.memory_space<vmem>>, vector<1x16xf32>,
        %get3A_1342 = vector.shape_cast %get3A_1341 : vector<1x16xf32> to vector<16xf32>
        %add3A_1343 = arith.addf %add3A_1323, %get3A_1342 : vector<16xf32>
        %get3A_1344 = arith.index_cast %scan3A_1214 : i32 to index
        %get3A_1345 = arith.constant 400 : index
        %get3A_1346 = tpu.vector_load %arg7[%get3A_1344, %get3A_1345] {strides = array<i32>} : memref<33x1000xf32, #tpu.memory_space<vmem>>, vector<1x16xf32>,
        %get3A_1347 = vector.shape_cast %get3A_1346 : vector<1x16xf32> to vector<16xf32>
        %add3A_1348 = arith.addf %add3A_1328, %get3A_1347 : vector<16xf32>
        %get3A_1349 = arith.index_cast %scan3A_1214 : i32 to index
        %get3A_1350 = arith.constant 416 : index
        %get3A_1351 = tpu.vector_load %arg7[%get3A_1349, %get3A_1350] {strides = array<i32>} : memref<33x1000xf32, #tpu.memory_space<vmem>>, vector<1x16xf32>,
        %get3A_1352 = vector.shape_cast %get3A_1351 : vector<1x16xf32> to vector<16xf32>
        %add3A_1353 = arith.addf %add3A_1333, %get3A_1352 : vector<16xf32>
        %get3A_1354 = arith.index_cast %scan3A_1214 : i32 to index
        %get3A_1355 = arith.constant 432 : index
        %get3A_1356 = tpu.vector_load %arg7[%get3A_1354, %get3A_1355] {strides = array<i32>} : memref<33x1000xf32, #tpu.memory_space<vmem>>, vector<1x16xf32>,
        %get3A_1357 = vector.shape_cast %get3A_1356 : vector<1x16xf32> to vector<16xf32>
        %add3A_1358 = arith.addf %add3A_1338, %get3A_1357 : vector<16xf32>
        %get3A_1359 = arith.index_cast %scan3A_1214 : i32 to index
        %get3A_1360 = arith.constant 448 : index
        %get3A_1361 = tpu.vector_load %arg7[%get3A_1359, %get3A_1360] {strides = array<i32>} : memref<33x1000xf32, #tpu.memory_space<vmem>>, vector<1x16xf32>,
        %get3A_1362 = vector.shape_cast %get3A_1361 : vector<1x16xf32> to vector<16xf32>
        %add3A_1363 = arith.addf %add3A_1343, %get3A_1362 : vector<16xf32>
        %get3A_1364 = arith.index_cast %scan3A_1214 : i32 to index
        %get3A_1365 = arith.constant 464 : index
        %get3A_1366 = tpu.vector_load %arg7[%get3A_1364, %get3A_1365] {strides = array<i32>} : memref<33x1000xf32, #tpu.memory_space<vmem>>, vector<1x16xf32>,
        %get3A_1367 = vector.shape_cast %get3A_1366 : vector<1x16xf32> to vector<16xf32>
        %add3A_1368 = arith.addf %add3A_1348, %get3A_1367 : vector<16xf32>
        %get3A_1369 = arith.index_cast %scan3A_1214 : i32 to index
        %get3A_1370 = arith.constant 480 : index
        %get3A_1371 = tpu.vector_load %arg7[%get3A_1369, %get3A_1370] {strides = array<i32>} : memref<33x1000xf32, #tpu.memory_space<vmem>>, vector<1x16xf32>,
        %get3A_1372 = vector.shape_cast %get3A_1371 : vector<1x16xf32> to vector<16xf32>
        %add3A_1373 = arith.addf %add3A_1353, %get3A_1372 : vector<16xf32>
        %get3A_1374 = arith.index_cast %scan3A_1214 : i32 to index
        %get3A_1375 = arith.constant 496 : index
        %get3A_1376 = tpu.vector_load %arg7[%get3A_1374, %get3A_1375] {strides = array<i32>} : memref<33x1000xf32, #tpu.memory_space<vmem>>, vector<1x16xf32>,
        %get3A_1377 = vector.shape_cast %get3A_1376 : vector<1x16xf32> to vector<16xf32>
        %add3A_1378 = arith.addf %add3A_1358, %get3A_1377 : vector<16xf32>
        %get3A_1379 = arith.index_cast %scan3A_1214 : i32 to index
        %get3A_1380 = arith.constant 512 : index
        %get3A_1381 = tpu.vector_load %arg7[%get3A_1379, %get3A_1380] {strides = array<i32>} : memref<33x1000xf32, #tpu.memory_space<vmem>>, vector<1x16xf32>,
        %get3A_1382 = vector.shape_cast %get3A_1381 : vector<1x16xf32> to vector<16xf32>
        %add3A_1383 = arith.addf %add3A_1363, %get3A_1382 : vector<16xf32>
        %get3A_1384 = arith.index_cast %scan3A_1214 : i32 to index
        %get3A_1385 = arith.constant 528 : index
        %get3A_1386 = tpu.vector_load %arg7[%get3A_1384, %get3A_1385] {strides = array<i32>} : memref<33x1000xf32, #tpu.memory_space<vmem>>, vector<1x16xf32>,
        %get3A_1387 = vector.shape_cast %get3A_1386 : vector<1x16xf32> to vector<16xf32>
        %add3A_1388 = arith.addf %add3A_1368, %get3A_1387 : vector<16xf32>
        %get3A_1389 = arith.index_cast %scan3A_1214 : i32 to index
        %get3A_1390 = arith.constant 544 : index
        %get3A_1391 = tpu.vector_load %arg7[%get3A_1389, %get3A_1390] {strides = array<i32>} : memref<33x1000xf32, #tpu.memory_space<vmem>>, vector<1x16xf32>,
        %get3A_1392 = vector.shape_cast %get3A_1391 : vector<1x16xf32> to vector<16xf32>
        %add3A_1393 = arith.addf %add3A_1373, %get3A_1392 : vector<16xf32>
        %get3A_1394 = arith.index_cast %scan3A_1214 : i32 to index
        %get3A_1395 = arith.constant 560 : index
        %get3A_1396 = tpu.vector_load %arg7[%get3A_1394, %get3A_1395] {strides = array<i32>} : memref<33x1000xf32, #tpu.memory_space<vmem>>, vector<1x16xf32>,
        %get3A_1397 = vector.shape_cast %get3A_1396 : vector<1x16xf32> to vector<16xf32>
        %add3A_1398 = arith.addf %add3A_1378, %get3A_1397 : vector<16xf32>
        %get3A_1399 = arith.index_cast %scan3A_1214 : i32 to index
        %get3A_1400 = arith.constant 576 : index
        %get3A_1401 = tpu.vector_load %arg7[%get3A_1399, %get3A_1400] {strides = array<i32>} : memref<33x1000xf32, #tpu.memory_space<vmem>>, vector<1x16xf32>,
        %get3A_1402 = vector.shape_cast %get3A_1401 : vector<1x16xf32> to vector<16xf32>
        %add3A_1403 = arith.addf %add3A_1383, %get3A_1402 : vector<16xf32>
        %get3A_1404 = arith.index_cast %scan3A_1214 : i32 to index
        %get3A_1405 = arith.constant 592 : index
        %get3A_1406 = tpu.vector_load %arg7[%get3A_1404, %get3A_1405] {strides = array<i32>} : memref<33x1000xf32, #tpu.memory_space<vmem>>, vector<1x16xf32>,
        %get3A_1407 = vector.shape_cast %get3A_1406 : vector<1x16xf32> to vector<16xf32>
        %add3A_1408 = arith.addf %add3A_1388, %get3A_1407 : vector<16xf32>
        %get3A_1409 = arith.index_cast %scan3A_1214 : i32 to index
        %get3A_1410 = arith.constant 608 : index
        %get3A_1411 = tpu.vector_load %arg7[%get3A_1409, %get3A_1410] {strides = array<i32>} : memref<33x1000xf32, #tpu.memory_space<vmem>>, vector<1x16xf32>,
        %get3A_1412 = vector.shape_cast %get3A_1411 : vector<1x16xf32> to vector<16xf32>
        %add3A_1413 = arith.addf %add3A_1393, %get3A_1412 : vector<16xf32>
        %get3A_1414 = arith.index_cast %scan3A_1214 : i32 to index
        %get3A_1415 = arith.constant 624 : index
        %get3A_1416 = tpu.vector_load %arg7[%get3A_1414, %get3A_1415] {strides = array<i32>} : memref<33x1000xf32, #tpu.memory_space<vmem>>, vector<1x16xf32>,
        %get3A_1417 = vector.shape_cast %get3A_1416 : vector<1x16xf32> to vector<16xf32>
        %add3A_1418 = arith.addf %add3A_1398, %get3A_1417 : vector<16xf32>
        %get3A_1419 = arith.index_cast %scan3A_1214 : i32 to index
        %get3A_1420 = arith.constant 640 : index
        %get3A_1421 = tpu.vector_load %arg7[%get3A_1419, %get3A_1420] {strides = array<i32>} : memref<33x1000xf32, #tpu.memory_space<vmem>>, vector<1x16xf32>,
        %get3A_1422 = vector.shape_cast %get3A_1421 : vector<1x16xf32> to vector<16xf32>
        %add3A_1423 = arith.addf %add3A_1403, %get3A_1422 : vector<16xf32>
        %get3A_1424 = arith.index_cast %scan3A_1214 : i32 to index
        %get3A_1425 = arith.constant 656 : index
        %get3A_1426 = tpu.vector_load %arg7[%get3A_1424, %get3A_1425] {strides = array<i32>} : memref<33x1000xf32, #tpu.memory_space<vmem>>, vector<1x16xf32>,
        %get3A_1427 = vector.shape_cast %get3A_1426 : vector<1x16xf32> to vector<16xf32>
        %add3A_1428 = arith.addf %add3A_1408, %get3A_1427 : vector<16xf32>
        %get3A_1429 = arith.index_cast %scan3A_1214 : i32 to index
        %get3A_1430 = arith.constant 672 : index
        %get3A_1431 = tpu.vector_load %arg7[%get3A_1429, %get3A_1430] {strides = array<i32>} : memref<33x1000xf32, #tpu.memory_space<vmem>>, vector<1x16xf32>,
        %get3A_1432 = vector.shape_cast %get3A_1431 : vector<1x16xf32> to vector<16xf32>
        %add3A_1433 = arith.addf %add3A_1413, %get3A_1432 : vector<16xf32>
        %get3A_1434 = arith.index_cast %scan3A_1214 : i32 to index
        %get3A_1435 = arith.constant 688 : index
        %get3A_1436 = tpu.vector_load %arg7[%get3A_1434, %get3A_1435] {strides = array<i32>} : memref<33x1000xf32, #tpu.memory_space<vmem>>, vector<1x16xf32>,
        %get3A_1437 = vector.shape_cast %get3A_1436 : vector<1x16xf32> to vector<16xf32>
        %add3A_1438 = arith.addf %add3A_1418, %get3A_1437 : vector<16xf32>
        %get3A_1439 = arith.index_cast %scan3A_1214 : i32 to index
        %get3A_1440 = arith.constant 704 : index
        %get3A_1441 = tpu.vector_load %arg7[%get3A_1439, %get3A_1440] {strides = array<i32>} : memref<33x1000xf32, #tpu.memory_space<vmem>>, vector<1x16xf32>,
        %get3A_1442 = vector.shape_cast %get3A_1441 : vector<1x16xf32> to vector<16xf32>
        %add3A_1443 = arith.addf %add3A_1423, %get3A_1442 : vector<16xf32>
        %get3A_1444 = arith.index_cast %scan3A_1214 : i32 to index
        %get3A_1445 = arith.constant 720 : index
        %get3A_1446 = tpu.vector_load %arg7[%get3A_1444, %get3A_1445] {strides = array<i32>} : memref<33x1000xf32, #tpu.memory_space<vmem>>, vector<1x16xf32>,
        %get3A_1447 = vector.shape_cast %get3A_1446 : vector<1x16xf32> to vector<16xf32>
        %add3A_1448 = arith.addf %add3A_1428, %get3A_1447 : vector<16xf32>
        %get3A_1449 = arith.index_cast %scan3A_1214 : i32 to index
        %get3A_1450 = arith.constant 736 : index
        %get3A_1451 = tpu.vector_load %arg7[%get3A_1449, %get3A_1450] {strides = array<i32>} : memref<33x1000xf32, #tpu.memory_space<vmem>>, vector<1x16xf32>,
        %get3A_1452 = vector.shape_cast %get3A_1451 : vector<1x16xf32> to vector<16xf32>
        %add3A_1453 = arith.addf %add3A_1433, %get3A_1452 : vector<16xf32>
        %get3A_1454 = arith.index_cast %scan3A_1214 : i32 to index
        %get3A_1455 = arith.constant 752 : index
        %get3A_1456 = tpu.vector_load %arg7[%get3A_1454, %get3A_1455] {strides = array<i32>} : memref<33x1000xf32, #tpu.memory_space<vmem>>, vector<1x16xf32>,
        %get3A_1457 = vector.shape_cast %get3A_1456 : vector<1x16xf32> to vector<16xf32>
        %add3A_1458 = arith.addf %add3A_1438, %get3A_1457 : vector<16xf32>
        %get3A_1459 = arith.index_cast %scan3A_1214 : i32 to index
        %get3A_1460 = arith.constant 768 : index
        %get3A_1461 = tpu.vector_load %arg7[%get3A_1459, %get3A_1460] {strides = array<i32>} : memref<33x1000xf32, #tpu.memory_space<vmem>>, vector<1x16xf32>,
        %get3A_1462 = vector.shape_cast %get3A_1461 : vector<1x16xf32> to vector<16xf32>
        %add3A_1463 = arith.addf %add3A_1443, %get3A_1462 : vector<16xf32>
        %get3A_1464 = arith.index_cast %scan3A_1214 : i32 to index
        %get3A_1465 = arith.constant 784 : index
        %get3A_1466 = tpu.vector_load %arg7[%get3A_1464, %get3A_1465] {strides = array<i32>} : memref<33x1000xf32, #tpu.memory_space<vmem>>, vector<1x16xf32>,
        %get3A_1467 = vector.shape_cast %get3A_1466 : vector<1x16xf32> to vector<16xf32>
        %add3A_1468 = arith.addf %add3A_1448, %get3A_1467 : vector<16xf32>
        %get3A_1469 = arith.index_cast %scan3A_1214 : i32 to index
        %get3A_1470 = arith.constant 800 : index
        %get3A_1471 = tpu.vector_load %arg7[%get3A_1469, %get3A_1470] {strides = array<i32>} : memref<33x1000xf32, #tpu.memory_space<vmem>>, vector<1x16xf32>,
        %get3A_1472 = vector.shape_cast %get3A_1471 : vector<1x16xf32> to vector<16xf32>
        %add3A_1473 = arith.addf %add3A_1453, %get3A_1472 : vector<16xf32>
        %get3A_1474 = arith.index_cast %scan3A_1214 : i32 to index
        %get3A_1475 = arith.constant 816 : index
        %get3A_1476 = tpu.vector_load %arg7[%get3A_1474, %get3A_1475] {strides = array<i32>} : memref<33x1000xf32, #tpu.memory_space<vmem>>, vector<1x16xf32>,
        %get3A_1477 = vector.shape_cast %get3A_1476 : vector<1x16xf32> to vector<16xf32>
        %add3A_1478 = arith.addf %add3A_1458, %get3A_1477 : vector<16xf32>
        %get3A_1479 = arith.index_cast %scan3A_1214 : i32 to index
        %get3A_1480 = arith.constant 832 : index
        %get3A_1481 = tpu.vector_load %arg7[%get3A_1479, %get3A_1480] {strides = array<i32>} : memref<33x1000xf32, #tpu.memory_space<vmem>>, vector<1x16xf32>,
        %get3A_1482 = vector.shape_cast %get3A_1481 : vector<1x16xf32> to vector<16xf32>
        %add3A_1483 = arith.addf %add3A_1463, %get3A_1482 : vector<16xf32>
        %get3A_1484 = arith.index_cast %scan3A_1214 : i32 to index
        %get3A_1485 = arith.constant 848 : index
        %get3A_1486 = tpu.vector_load %arg7[%get3A_1484, %get3A_1485] {strides = array<i32>} : memref<33x1000xf32, #tpu.memory_space<vmem>>, vector<1x16xf32>,
        %get3A_1487 = vector.shape_cast %get3A_1486 : vector<1x16xf32> to vector<16xf32>
        %add3A_1488 = arith.addf %add3A_1468, %get3A_1487 : vector<16xf32>
        %get3A_1489 = arith.index_cast %scan3A_1214 : i32 to index
        %get3A_1490 = arith.constant 864 : index
        %get3A_1491 = tpu.vector_load %arg7[%get3A_1489, %get3A_1490] {strides = array<i32>} : memref<33x1000xf32, #tpu.memory_space<vmem>>, vector<1x16xf32>,
        %get3A_1492 = vector.shape_cast %get3A_1491 : vector<1x16xf32> to vector<16xf32>
        %add3A_1493 = arith.addf %add3A_1473, %get3A_1492 : vector<16xf32>
        %get3A_1494 = arith.index_cast %scan3A_1214 : i32 to index
        %get3A_1495 = arith.constant 880 : index
        %get3A_1496 = tpu.vector_load %arg7[%get3A_1494, %get3A_1495] {strides = array<i32>} : memref<33x1000xf32, #tpu.memory_space<vmem>>, vector<1x16xf32>,
        %get3A_1497 = vector.shape_cast %get3A_1496 : vector<1x16xf32> to vector<16xf32>
        %add3A_1498 = arith.addf %add3A_1478, %get3A_1497 : vector<16xf32>
        %get3A_1499 = arith.index_cast %scan3A_1214 : i32 to index
        %get3A_1500 = arith.constant 896 : index
        %get3A_1501 = tpu.vector_load %arg7[%get3A_1499, %get3A_1500] {strides = array<i32>} : memref<33x1000xf32, #tpu.memory_space<vmem>>, vector<1x16xf32>,
        %get3A_1502 = vector.shape_cast %get3A_1501 : vector<1x16xf32> to vector<16xf32>
        %add3A_1503 = arith.addf %add3A_1483, %get3A_1502 : vector<16xf32>
        %get3A_1504 = arith.index_cast %scan3A_1214 : i32 to index
        %get3A_1505 = arith.constant 912 : index
        %get3A_1506 = tpu.vector_load %arg7[%get3A_1504, %get3A_1505] {strides = array<i32>} : memref<33x1000xf32, #tpu.memory_space<vmem>>, vector<1x16xf32>,
        %get3A_1507 = vector.shape_cast %get3A_1506 : vector<1x16xf32> to vector<16xf32>
        %add3A_1508 = arith.addf %add3A_1488, %get3A_1507 : vector<16xf32>
        %get3A_1509 = arith.index_cast %scan3A_1214 : i32 to index
        %get3A_1510 = arith.constant 928 : index
        %get3A_1511 = tpu.vector_load %arg7[%get3A_1509, %get3A_1510] {strides = array<i32>} : memref<33x1000xf32, #tpu.memory_space<vmem>>, vector<1x16xf32>,
        %get3A_1512 = vector.shape_cast %get3A_1511 : vector<1x16xf32> to vector<16xf32>
        %add3A_1513 = arith.addf %add3A_1493, %get3A_1512 : vector<16xf32>
        %get3A_1514 = arith.index_cast %scan3A_1214 : i32 to index
        %get3A_1515 = arith.constant 944 : index
        %get3A_1516 = tpu.vector_load %arg7[%get3A_1514, %get3A_1515] {strides = array<i32>} : memref<33x1000xf32, #tpu.memory_space<vmem>>, vector<1x16xf32>,
        %get3A_1517 = vector.shape_cast %get3A_1516 : vector<1x16xf32> to vector<16xf32>
        %add3A_1518 = arith.addf %add3A_1498, %get3A_1517 : vector<16xf32>
        %get3A_1519 = arith.index_cast %scan3A_1214 : i32 to index
        %get3A_1520 = arith.constant 960 : index
        %get3A_1521 = tpu.vector_load %arg7[%get3A_1519, %get3A_1520] {strides = array<i32>} : memref<33x1000xf32, #tpu.memory_space<vmem>>, vector<1x16xf32>,
        %get3A_1522 = vector.shape_cast %get3A_1521 : vector<1x16xf32> to vector<16xf32>
        %add3A_1523 = arith.addf %add3A_1503, %get3A_1522 : vector<16xf32>
        %get3A_1524 = arith.index_cast %scan3A_1214 : i32 to index
        %get3A_1525 = arith.constant 976 : index
        %get3A_1526 = tpu.vector_load %arg7[%get3A_1524, %get3A_1525] {strides = array<i32>} : memref<33x1000xf32, #tpu.memory_space<vmem>>, vector<1x16xf32>,
        %get3A_1527 = vector.shape_cast %get3A_1526 : vector<1x16xf32> to vector<16xf32>
        %add3A_1528 = arith.addf %add3A_1508, %get3A_1527 : vector<16xf32>
        %get3A_1529 = arith.index_cast %scan3A_1214 : i32 to index
        %get3A_1530 = arith.constant 984 : index
        %get3A_1531 = tpu.vector_load %arg7[%get3A_1529, %get3A_1530] {strides = array<i32>} : memref<33x1000xf32, #tpu.memory_space<vmem>>, vector<1x16xf32>,
        %get3A_1532 = vector.shape_cast %get3A_1531 : vector<1x16xf32> to vector<16xf32>
        %select_n3A_1533 = arith.select %ge3A_4, %get3A_1532, %broadcast_in_dim3A_5 : vector<16xi1>, vector<16xf32>
        %add3A_1534 = arith.addf %add3A_1518, %select_n3A_1533 : vector<16xf32>
        scf.yield %add3A_1523, %add3A_1528, %add3A_1513, %add3A_1534 : vector<16xf32>, vector<16xf32>, vector<16xf32>, vector<16xf32>
      }
      %scan3A_646 = arith.constant 32 : i32
      %mul3A_647 = arith.constant 32 : i32
      %mul3A_648 = arith.muli %add3A_628, %mul3A_647 : i32
      %add3A_649 = arith.constant 0 : i32
      %add3A_650 = arith.addi %mul3A_648, %add3A_649 : i32
      %multiple_of3A_651 = tpu.assume_multiple %add3A_650, 16 : i32
      %get3A_652 = arith.index_cast %multiple_of3A_651 : i32 to index
      %get3A_653 = tpu.vector_load %arg5[%get3A_652] {strides = array<i32>} : memref<512xi32, #tpu.memory_space<vmem>>, vector<16xi32>,
      %get3A_654 = vector.shape_cast %get3A_653 : vector<16xi32> to vector<16xi32>
      %slice3A_655 = vector.extract_strided_slice %get3A_654 {offsets = [0], sizes = [1], strides = [1]} : vector<16xi32> to vector<1xi32>
      %squeeze3A_656 = vector.extract %slice3A_655[0] : i32 from vector<1xi32>
      %shift_right_arithmetic3A_657 = arith.constant 4 : i32
      %shift_right_arithmetic3A_658 = arith.shrsi %squeeze3A_656, %shift_right_arithmetic3A_657 : i32
      %shift_left3A_659 = arith.constant 4 : i32
      %shift_left3A_660 = arith.shli %shift_right_arithmetic3A_658, %shift_left3A_659 : i32
      %multiple_of3A_661 = tpu.assume_multiple %shift_left3A_660, 16 : i32
      %get3A_662 = arith.constant 0 : i32
      %get3A_663 = arith.index_cast %get3A_662 : i32 to index
      %get3A_664 = arith.index_cast %multiple_of3A_661 : i32 to index
      %get3A_665 = tpu.vector_load %arg7[%get3A_663, %get3A_664] {strides = array<i32>} : memref<33x1000xf32, #tpu.memory_space<vmem>>, vector<1x16xf32>,
      %get3A_666 = vector.shape_cast %get3A_665 : vector<1x16xf32> to vector<16xf32>
      %sub3A_667 = arith.subi %squeeze3A_656, %multiple_of3A_661 : i32
      %eq3A_668 = vector.broadcast %sub3A_667 : i32 to vector<16xi32>
      %eq3A_669 = arith.cmpi eq, %iota3A, %eq3A_668 : vector<16xi32>
      %select_n3A_670 = arith.select %eq3A_669, %get3A_666, %broadcast_in_dim3A_5 : vector<16xi1>, vector<16xf32>
      %add3A_671 = arith.addf %add3A_620, %select_n3A_670 : vector<16xf32>
      %slice3A_672 = vector.extract_strided_slice %get3A_654 {offsets = [1], sizes = [1], strides = [1]} : vector<16xi32> to vector<1xi32>
      %squeeze3A_673 = vector.extract %slice3A_672[0] : i32 from vector<1xi32>
      %shift_right_arithmetic3A_674 = arith.constant 4 : i32
      %shift_right_arithmetic3A_675 = arith.shrsi %squeeze3A_673, %shift_right_arithmetic3A_674 : i32
      %shift_left3A_676 = arith.constant 4 : i32
      %shift_left3A_677 = arith.shli %shift_right_arithmetic3A_675, %shift_left3A_676 : i32
      %multiple_of3A_678 = tpu.assume_multiple %shift_left3A_677, 16 : i32
      %get3A_679 = arith.constant 1 : i32
      %get3A_680 = arith.index_cast %get3A_679 : i32 to index
      %get3A_681 = arith.index_cast %multiple_of3A_678 : i32 to index
      %get3A_682 = tpu.vector_load %arg7[%get3A_680, %get3A_681] {strides = array<i32>} : memref<33x1000xf32, #tpu.memory_space<vmem>>, vector<1x16xf32>,
      %get3A_683 = vector.shape_cast %get3A_682 : vector<1x16xf32> to vector<16xf32>
      %sub3A_684 = arith.subi %squeeze3A_673, %multiple_of3A_678 : i32
      %eq3A_685 = vector.broadcast %sub3A_684 : i32 to vector<16xi32>
      %eq3A_686 = arith.cmpi eq, %iota3A, %eq3A_685 : vector<16xi32>
      %select_n3A_687 = arith.select %eq3A_686, %get3A_683, %broadcast_in_dim3A_5 : vector<16xi1>, vector<16xf32>
      %add3A_688 = arith.addf %add3A_671, %select_n3A_687 : vector<16xf32>
      %slice3A_689 = vector.extract_strided_slice %get3A_654 {offsets = [2], sizes = [1], strides = [1]} : vector<16xi32> to vector<1xi32>
      %squeeze3A_690 = vector.extract %slice3A_689[0] : i32 from vector<1xi32>
      %shift_right_arithmetic3A_691 = arith.constant 4 : i32
      %shift_right_arithmetic3A_692 = arith.shrsi %squeeze3A_690, %shift_right_arithmetic3A_691 : i32
      %shift_left3A_693 = arith.constant 4 : i32
      %shift_left3A_694 = arith.shli %shift_right_arithmetic3A_692, %shift_left3A_693 : i32
      %multiple_of3A_695 = tpu.assume_multiple %shift_left3A_694, 16 : i32
      %get3A_696 = arith.constant 2 : i32
      %get3A_697 = arith.index_cast %get3A_696 : i32 to index
      %get3A_698 = arith.index_cast %multiple_of3A_695 : i32 to index
      %get3A_699 = tpu.vector_load %arg7[%get3A_697, %get3A_698] {strides = array<i32>} : memref<33x1000xf32, #tpu.memory_space<vmem>>, vector<1x16xf32>,
      %get3A_700 = vector.shape_cast %get3A_699 : vector<1x16xf32> to vector<16xf32>
      %sub3A_701 = arith.subi %squeeze3A_690, %multiple_of3A_695 : i32
      %eq3A_702 = vector.broadcast %sub3A_701 : i32 to vector<16xi32>
      %eq3A_703 = arith.cmpi eq, %iota3A, %eq3A_702 : vector<16xi32>
      %select_n3A_704 = arith.select %eq3A_703, %get3A_700, %broadcast_in_dim3A_5 : vector<16xi1>, vector<16xf32>
      %add3A_705 = arith.addf %add3A_688, %select_n3A_704 : vector<16xf32>
      %slice3A_706 = vector.extract_strided_slice %get3A_654 {offsets = [3], sizes = [1], strides = [1]} : vector<16xi32> to vector<1xi32>
      %squeeze3A_707 = vector.extract %slice3A_706[0] : i32 from vector<1xi32>
      %shift_right_arithmetic3A_708 = arith.constant 4 : i32
      %shift_right_arithmetic3A_709 = arith.shrsi %squeeze3A_707, %shift_right_arithmetic3A_708 : i32
      %shift_left3A_710 = arith.constant 4 : i32
      %shift_left3A_711 = arith.shli %shift_right_arithmetic3A_709, %shift_left3A_710 : i32
      %multiple_of3A_712 = tpu.assume_multiple %shift_left3A_711, 16 : i32
      %get3A_713 = arith.constant 3 : i32
      %get3A_714 = arith.index_cast %get3A_713 : i32 to index
      %get3A_715 = arith.index_cast %multiple_of3A_712 : i32 to index
      %get3A_716 = tpu.vector_load %arg7[%get3A_714, %get3A_715] {strides = array<i32>} : memref<33x1000xf32, #tpu.memory_space<vmem>>, vector<1x16xf32>,
      %get3A_717 = vector.shape_cast %get3A_716 : vector<1x16xf32> to vector<16xf32>
      %sub3A_718 = arith.subi %squeeze3A_707, %multiple_of3A_712 : i32
      %eq3A_719 = vector.broadcast %sub3A_718 : i32 to vector<16xi32>
      %eq3A_720 = arith.cmpi eq, %iota3A, %eq3A_719 : vector<16xi32>
      %select_n3A_721 = arith.select %eq3A_720, %get3A_717, %broadcast_in_dim3A_5 : vector<16xi1>, vector<16xf32>
      %add3A_722 = arith.addf %add3A_705, %select_n3A_721 : vector<16xf32>
      %slice3A_723 = vector.extract_strided_slice %get3A_654 {offsets = [4], sizes = [1], strides = [1]} : vector<16xi32> to vector<1xi32>
      %squeeze3A_724 = vector.extract %slice3A_723[0] : i32 from vector<1xi32>
      %shift_right_arithmetic3A_725 = arith.constant 4 : i32
      %shift_right_arithmetic3A_726 = arith.shrsi %squeeze3A_724, %shift_right_arithmetic3A_725 : i32
      %shift_left3A_727 = arith.constant 4 : i32
      %shift_left3A_728 = arith.shli %shift_right_arithmetic3A_726, %shift_left3A_727 : i32
      %multiple_of3A_729 = tpu.assume_multiple %shift_left3A_728, 16 : i32
      %get3A_730 = arith.constant 4 : i32
      %get3A_731 = arith.index_cast %get3A_730 : i32 to index
      %get3A_732 = arith.index_cast %multiple_of3A_729 : i32 to index
      %get3A_733 = tpu.vector_load %arg7[%get3A_731, %get3A_732] {strides = array<i32>} : memref<33x1000xf32, #tpu.memory_space<vmem>>, vector<1x16xf32>,
      %get3A_734 = vector.shape_cast %get3A_733 : vector<1x16xf32> to vector<16xf32>
      %sub3A_735 = arith.subi %squeeze3A_724, %multiple_of3A_729 : i32
      %eq3A_736 = vector.broadcast %sub3A_735 : i32 to vector<16xi32>
      %eq3A_737 = arith.cmpi eq, %iota3A, %eq3A_736 : vector<16xi32>
      %select_n3A_738 = arith.select %eq3A_737, %get3A_734, %broadcast_in_dim3A_5 : vector<16xi1>, vector<16xf32>
      %add3A_739 = arith.addf %add3A_722, %select_n3A_738 : vector<16xf32>
      %slice3A_740 = vector.extract_strided_slice %get3A_654 {offsets = [5], sizes = [1], strides = [1]} : vector<16xi32> to vector<1xi32>
      %squeeze3A_741 = vector.extract %slice3A_740[0] : i32 from vector<1xi32>
      %shift_right_arithmetic3A_742 = arith.constant 4 : i32
      %shift_right_arithmetic3A_743 = arith.shrsi %squeeze3A_741, %shift_right_arithmetic3A_742 : i32
      %shift_left3A_744 = arith.constant 4 : i32
      %shift_left3A_745 = arith.shli %shift_right_arithmetic3A_743, %shift_left3A_744 : i32
      %multiple_of3A_746 = tpu.assume_multiple %shift_left3A_745, 16 : i32
      %get3A_747 = arith.constant 5 : i32
      %get3A_748 = arith.index_cast %get3A_747 : i32 to index
      %get3A_749 = arith.index_cast %multiple_of3A_746 : i32 to index
      %get3A_750 = tpu.vector_load %arg7[%get3A_748, %get3A_749] {strides = array<i32>} : memref<33x1000xf32, #tpu.memory_space<vmem>>, vector<1x16xf32>,
      %get3A_751 = vector.shape_cast %get3A_750 : vector<1x16xf32> to vector<16xf32>
      %sub3A_752 = arith.subi %squeeze3A_741, %multiple_of3A_746 : i32
      %eq3A_753 = vector.broadcast %sub3A_752 : i32 to vector<16xi32>
      %eq3A_754 = arith.cmpi eq, %iota3A, %eq3A_753 : vector<16xi32>
      %select_n3A_755 = arith.select %eq3A_754, %get3A_751, %broadcast_in_dim3A_5 : vector<16xi1>, vector<16xf32>
      %add3A_756 = arith.addf %add3A_739, %select_n3A_755 : vector<16xf32>
      %slice3A_757 = vector.extract_strided_slice %get3A_654 {offsets = [6], sizes = [1], strides = [1]} : vector<16xi32> to vector<1xi32>
      %squeeze3A_758 = vector.extract %slice3A_757[0] : i32 from vector<1xi32>
      %shift_right_arithmetic3A_759 = arith.constant 4 : i32
      %shift_right_arithmetic3A_760 = arith.shrsi %squeeze3A_758, %shift_right_arithmetic3A_759 : i32
      %shift_left3A_761 = arith.constant 4 : i32
      %shift_left3A_762 = arith.shli %shift_right_arithmetic3A_760, %shift_left3A_761 : i32
      %multiple_of3A_763 = tpu.assume_multiple %shift_left3A_762, 16 : i32
      %get3A_764 = arith.constant 6 : i32
      %get3A_765 = arith.index_cast %get3A_764 : i32 to index
      %get3A_766 = arith.index_cast %multiple_of3A_763 : i32 to index
      %get3A_767 = tpu.vector_load %arg7[%get3A_765, %get3A_766] {strides = array<i32>} : memref<33x1000xf32, #tpu.memory_space<vmem>>, vector<1x16xf32>,
      %get3A_768 = vector.shape_cast %get3A_767 : vector<1x16xf32> to vector<16xf32>
      %sub3A_769 = arith.subi %squeeze3A_758, %multiple_of3A_763 : i32
      %eq3A_770 = vector.broadcast %sub3A_769 : i32 to vector<16xi32>
      %eq3A_771 = arith.cmpi eq, %iota3A, %eq3A_770 : vector<16xi32>
      %select_n3A_772 = arith.select %eq3A_771, %get3A_768, %broadcast_in_dim3A_5 : vector<16xi1>, vector<16xf32>
      %add3A_773 = arith.addf %add3A_756, %select_n3A_772 : vector<16xf32>
      %slice3A_774 = vector.extract_strided_slice %get3A_654 {offsets = [7], sizes = [1], strides = [1]} : vector<16xi32> to vector<1xi32>
      %squeeze3A_775 = vector.extract %slice3A_774[0] : i32 from vector<1xi32>
      %shift_right_arithmetic3A_776 = arith.constant 4 : i32
      %shift_right_arithmetic3A_777 = arith.shrsi %squeeze3A_775, %shift_right_arithmetic3A_776 : i32
      %shift_left3A_778 = arith.constant 4 : i32
      %shift_left3A_779 = arith.shli %shift_right_arithmetic3A_777, %shift_left3A_778 : i32
      %multiple_of3A_780 = tpu.assume_multiple %shift_left3A_779, 16 : i32
      %get3A_781 = arith.constant 7 : i32
      %get3A_782 = arith.index_cast %get3A_781 : i32 to index
      %get3A_783 = arith.index_cast %multiple_of3A_780 : i32 to index
      %get3A_784 = tpu.vector_load %arg7[%get3A_782, %get3A_783] {strides = array<i32>} : memref<33x1000xf32, #tpu.memory_space<vmem>>, vector<1x16xf32>,
      %get3A_785 = vector.shape_cast %get3A_784 : vector<1x16xf32> to vector<16xf32>
      %sub3A_786 = arith.subi %squeeze3A_775, %multiple_of3A_780 : i32
      %eq3A_787 = vector.broadcast %sub3A_786 : i32 to vector<16xi32>
      %eq3A_788 = arith.cmpi eq, %iota3A, %eq3A_787 : vector<16xi32>
      %select_n3A_789 = arith.select %eq3A_788, %get3A_785, %broadcast_in_dim3A_5 : vector<16xi1>, vector<16xf32>
      %add3A_790 = arith.addf %add3A_773, %select_n3A_789 : vector<16xf32>
      %slice3A_791 = vector.extract_strided_slice %get3A_654 {offsets = [8], sizes = [1], strides = [1]} : vector<16xi32> to vector<1xi32>
      %squeeze3A_792 = vector.extract %slice3A_791[0] : i32 from vector<1xi32>
      %shift_right_arithmetic3A_793 = arith.constant 4 : i32
      %shift_right_arithmetic3A_794 = arith.shrsi %squeeze3A_792, %shift_right_arithmetic3A_793 : i32
      %shift_left3A_795 = arith.constant 4 : i32
      %shift_left3A_796 = arith.shli %shift_right_arithmetic3A_794, %shift_left3A_795 : i32
      %multiple_of3A_797 = tpu.assume_multiple %shift_left3A_796, 16 : i32
      %get3A_798 = arith.constant 8 : i32
      %get3A_799 = arith.index_cast %get3A_798 : i32 to index
      %get3A_800 = arith.index_cast %multiple_of3A_797 : i32 to index
      %get3A_801 = tpu.vector_load %arg7[%get3A_799, %get3A_800] {strides = array<i32>} : memref<33x1000xf32, #tpu.memory_space<vmem>>, vector<1x16xf32>,
      %get3A_802 = vector.shape_cast %get3A_801 : vector<1x16xf32> to vector<16xf32>
      %sub3A_803 = arith.subi %squeeze3A_792, %multiple_of3A_797 : i32
      %eq3A_804 = vector.broadcast %sub3A_803 : i32 to vector<16xi32>
      %eq3A_805 = arith.cmpi eq, %iota3A, %eq3A_804 : vector<16xi32>
      %select_n3A_806 = arith.select %eq3A_805, %get3A_802, %broadcast_in_dim3A_5 : vector<16xi1>, vector<16xf32>
      %add3A_807 = arith.addf %add3A_790, %select_n3A_806 : vector<16xf32>
      %slice3A_808 = vector.extract_strided_slice %get3A_654 {offsets = [9], sizes = [1], strides = [1]} : vector<16xi32> to vector<1xi32>
      %squeeze3A_809 = vector.extract %slice3A_808[0] : i32 from vector<1xi32>
      %shift_right_arithmetic3A_810 = arith.constant 4 : i32
      %shift_right_arithmetic3A_811 = arith.shrsi %squeeze3A_809, %shift_right_arithmetic3A_810 : i32
      %shift_left3A_812 = arith.constant 4 : i32
      %shift_left3A_813 = arith.shli %shift_right_arithmetic3A_811, %shift_left3A_812 : i32
      %multiple_of3A_814 = tpu.assume_multiple %shift_left3A_813, 16 : i32
      %get3A_815 = arith.constant 9 : i32
      %get3A_816 = arith.index_cast %get3A_815 : i32 to index
      %get3A_817 = arith.index_cast %multiple_of3A_814 : i32 to index
      %get3A_818 = tpu.vector_load %arg7[%get3A_816, %get3A_817] {strides = array<i32>} : memref<33x1000xf32, #tpu.memory_space<vmem>>, vector<1x16xf32>,
      %get3A_819 = vector.shape_cast %get3A_818 : vector<1x16xf32> to vector<16xf32>
      %sub3A_820 = arith.subi %squeeze3A_809, %multiple_of3A_814 : i32
      %eq3A_821 = vector.broadcast %sub3A_820 : i32 to vector<16xi32>
      %eq3A_822 = arith.cmpi eq, %iota3A, %eq3A_821 : vector<16xi32>
      %select_n3A_823 = arith.select %eq3A_822, %get3A_819, %broadcast_in_dim3A_5 : vector<16xi1>, vector<16xf32>
      %add3A_824 = arith.addf %add3A_807, %select_n3A_823 : vector<16xf32>
      %slice3A_825 = vector.extract_strided_slice %get3A_654 {offsets = [10], sizes = [1], strides = [1]} : vector<16xi32> to vector<1xi32>
      %squeeze3A_826 = vector.extract %slice3A_825[0] : i32 from vector<1xi32>
      %shift_right_arithmetic3A_827 = arith.constant 4 : i32
      %shift_right_arithmetic3A_828 = arith.shrsi %squeeze3A_826, %shift_right_arithmetic3A_827 : i32
      %shift_left3A_829 = arith.constant 4 : i32
      %shift_left3A_830 = arith.shli %shift_right_arithmetic3A_828, %shift_left3A_829 : i32
      %multiple_of3A_831 = tpu.assume_multiple %shift_left3A_830, 16 : i32
      %get3A_832 = arith.constant 10 : i32
      %get3A_833 = arith.index_cast %get3A_832 : i32 to index
      %get3A_834 = arith.index_cast %multiple_of3A_831 : i32 to index
      %get3A_835 = tpu.vector_load %arg7[%get3A_833, %get3A_834] {strides = array<i32>} : memref<33x1000xf32, #tpu.memory_space<vmem>>, vector<1x16xf32>,
      %get3A_836 = vector.shape_cast %get3A_835 : vector<1x16xf32> to vector<16xf32>
      %sub3A_837 = arith.subi %squeeze3A_826, %multiple_of3A_831 : i32
      %eq3A_838 = vector.broadcast %sub3A_837 : i32 to vector<16xi32>
      %eq3A_839 = arith.cmpi eq, %iota3A, %eq3A_838 : vector<16xi32>
      %select_n3A_840 = arith.select %eq3A_839, %get3A_836, %broadcast_in_dim3A_5 : vector<16xi1>, vector<16xf32>
      %add3A_841 = arith.addf %add3A_824, %select_n3A_840 : vector<16xf32>
      %slice3A_842 = vector.extract_strided_slice %get3A_654 {offsets = [11], sizes = [1], strides = [1]} : vector<16xi32> to vector<1xi32>
      %squeeze3A_843 = vector.extract %slice3A_842[0] : i32 from vector<1xi32>
      %shift_right_arithmetic3A_844 = arith.constant 4 : i32
      %shift_right_arithmetic3A_845 = arith.shrsi %squeeze3A_843, %shift_right_arithmetic3A_844 : i32
      %shift_left3A_846 = arith.constant 4 : i32
      %shift_left3A_847 = arith.shli %shift_right_arithmetic3A_845, %shift_left3A_846 : i32
      %multiple_of3A_848 = tpu.assume_multiple %shift_left3A_847, 16 : i32
      %get3A_849 = arith.constant 11 : i32
      %get3A_850 = arith.index_cast %get3A_849 : i32 to index
      %get3A_851 = arith.index_cast %multiple_of3A_848 : i32 to index
      %get3A_852 = tpu.vector_load %arg7[%get3A_850, %get3A_851] {strides = array<i32>} : memref<33x1000xf32, #tpu.memory_space<vmem>>, vector<1x16xf32>,
      %get3A_853 = vector.shape_cast %get3A_852 : vector<1x16xf32> to vector<16xf32>
      %sub3A_854 = arith.subi %squeeze3A_843, %multiple_of3A_848 : i32
      %eq3A_855 = vector.broadcast %sub3A_854 : i32 to vector<16xi32>
      %eq3A_856 = arith.cmpi eq, %iota3A, %eq3A_855 : vector<16xi32>
      %select_n3A_857 = arith.select %eq3A_856, %get3A_853, %broadcast_in_dim3A_5 : vector<16xi1>, vector<16xf32>
      %add3A_858 = arith.addf %add3A_841, %select_n3A_857 : vector<16xf32>
      %slice3A_859 = vector.extract_strided_slice %get3A_654 {offsets = [12], sizes = [1], strides = [1]} : vector<16xi32> to vector<1xi32>
      %squeeze3A_860 = vector.extract %slice3A_859[0] : i32 from vector<1xi32>
      %shift_right_arithmetic3A_861 = arith.constant 4 : i32
      %shift_right_arithmetic3A_862 = arith.shrsi %squeeze3A_860, %shift_right_arithmetic3A_861 : i32
      %shift_left3A_863 = arith.constant 4 : i32
      %shift_left3A_864 = arith.shli %shift_right_arithmetic3A_862, %shift_left3A_863 : i32
      %multiple_of3A_865 = tpu.assume_multiple %shift_left3A_864, 16 : i32
      %get3A_866 = arith.constant 12 : i32
      %get3A_867 = arith.index_cast %get3A_866 : i32 to index
      %get3A_868 = arith.index_cast %multiple_of3A_865 : i32 to index
      %get3A_869 = tpu.vector_load %arg7[%get3A_867, %get3A_868] {strides = array<i32>} : memref<33x1000xf32, #tpu.memory_space<vmem>>, vector<1x16xf32>,
      %get3A_870 = vector.shape_cast %get3A_869 : vector<1x16xf32> to vector<16xf32>
      %sub3A_871 = arith.subi %squeeze3A_860, %multiple_of3A_865 : i32
      %eq3A_872 = vector.broadcast %sub3A_871 : i32 to vector<16xi32>
      %eq3A_873 = arith.cmpi eq, %iota3A, %eq3A_872 : vector<16xi32>
      %select_n3A_874 = arith.select %eq3A_873, %get3A_870, %broadcast_in_dim3A_5 : vector<16xi1>, vector<16xf32>
      %add3A_875 = arith.addf %add3A_858, %select_n3A_874 : vector<16xf32>
      %slice3A_876 = vector.extract_strided_slice %get3A_654 {offsets = [13], sizes = [1], strides = [1]} : vector<16xi32> to vector<1xi32>
      %squeeze3A_877 = vector.extract %slice3A_876[0] : i32 from vector<1xi32>
      %shift_right_arithmetic3A_878 = arith.constant 4 : i32
      %shift_right_arithmetic3A_879 = arith.shrsi %squeeze3A_877, %shift_right_arithmetic3A_878 : i32
      %shift_left3A_880 = arith.constant 4 : i32
      %shift_left3A_881 = arith.shli %shift_right_arithmetic3A_879, %shift_left3A_880 : i32
      %multiple_of3A_882 = tpu.assume_multiple %shift_left3A_881, 16 : i32
      %get3A_883 = arith.constant 13 : i32
      %get3A_884 = arith.index_cast %get3A_883 : i32 to index
      %get3A_885 = arith.index_cast %multiple_of3A_882 : i32 to index
      %get3A_886 = tpu.vector_load %arg7[%get3A_884, %get3A_885] {strides = array<i32>} : memref<33x1000xf32, #tpu.memory_space<vmem>>, vector<1x16xf32>,
      %get3A_887 = vector.shape_cast %get3A_886 : vector<1x16xf32> to vector<16xf32>
      %sub3A_888 = arith.subi %squeeze3A_877, %multiple_of3A_882 : i32
      %eq3A_889 = vector.broadcast %sub3A_888 : i32 to vector<16xi32>
      %eq3A_890 = arith.cmpi eq, %iota3A, %eq3A_889 : vector<16xi32>
      %select_n3A_891 = arith.select %eq3A_890, %get3A_887, %broadcast_in_dim3A_5 : vector<16xi1>, vector<16xf32>
      %add3A_892 = arith.addf %add3A_875, %select_n3A_891 : vector<16xf32>
      %slice3A_893 = vector.extract_strided_slice %get3A_654 {offsets = [14], sizes = [1], strides = [1]} : vector<16xi32> to vector<1xi32>
      %squeeze3A_894 = vector.extract %slice3A_893[0] : i32 from vector<1xi32>
      %shift_right_arithmetic3A_895 = arith.constant 4 : i32
      %shift_right_arithmetic3A_896 = arith.shrsi %squeeze3A_894, %shift_right_arithmetic3A_895 : i32
      %shift_left3A_897 = arith.constant 4 : i32
      %shift_left3A_898 = arith.shli %shift_right_arithmetic3A_896, %shift_left3A_897 : i32
      %multiple_of3A_899 = tpu.assume_multiple %shift_left3A_898, 16 : i32
      %get3A_900 = arith.constant 14 : i32
      %get3A_901 = arith.index_cast %get3A_900 : i32 to index
      %get3A_902 = arith.index_cast %multiple_of3A_899 : i32 to index
      %get3A_903 = tpu.vector_load %arg7[%get3A_901, %get3A_902] {strides = array<i32>} : memref<33x1000xf32, #tpu.memory_space<vmem>>, vector<1x16xf32>,
      %get3A_904 = vector.shape_cast %get3A_903 : vector<1x16xf32> to vector<16xf32>
      %sub3A_905 = arith.subi %squeeze3A_894, %multiple_of3A_899 : i32
      %eq3A_906 = vector.broadcast %sub3A_905 : i32 to vector<16xi32>
      %eq3A_907 = arith.cmpi eq, %iota3A, %eq3A_906 : vector<16xi32>
      %select_n3A_908 = arith.select %eq3A_907, %get3A_904, %broadcast_in_dim3A_5 : vector<16xi1>, vector<16xf32>
      %add3A_909 = arith.addf %add3A_892, %select_n3A_908 : vector<16xf32>
      %slice3A_910 = vector.extract_strided_slice %get3A_654 {offsets = [15], sizes = [1], strides = [1]} : vector<16xi32> to vector<1xi32>
      %squeeze3A_911 = vector.extract %slice3A_910[0] : i32 from vector<1xi32>
      %shift_right_arithmetic3A_912 = arith.constant 4 : i32
      %shift_right_arithmetic3A_913 = arith.shrsi %squeeze3A_911, %shift_right_arithmetic3A_912 : i32
      %shift_left3A_914 = arith.constant 4 : i32
      %shift_left3A_915 = arith.shli %shift_right_arithmetic3A_913, %shift_left3A_914 : i32
      %multiple_of3A_916 = tpu.assume_multiple %shift_left3A_915, 16 : i32
      %get3A_917 = arith.constant 15 : i32
      %get3A_918 = arith.index_cast %get3A_917 : i32 to index
      %get3A_919 = arith.index_cast %multiple_of3A_916 : i32 to index
      %get3A_920 = tpu.vector_load %arg7[%get3A_918, %get3A_919] {strides = array<i32>} : memref<33x1000xf32, #tpu.memory_space<vmem>>, vector<1x16xf32>,
      %get3A_921 = vector.shape_cast %get3A_920 : vector<1x16xf32> to vector<16xf32>
      %sub3A_922 = arith.subi %squeeze3A_911, %multiple_of3A_916 : i32
      %eq3A_923 = vector.broadcast %sub3A_922 : i32 to vector<16xi32>
      %eq3A_924 = arith.cmpi eq, %iota3A, %eq3A_923 : vector<16xi32>
      %select_n3A_925 = arith.select %eq3A_924, %get3A_921, %broadcast_in_dim3A_5 : vector<16xi1>, vector<16xf32>
      %add3A_926 = arith.addf %add3A_909, %select_n3A_925 : vector<16xf32>
      %mul3A_927 = arith.constant 32 : i32
      %mul3A_928 = arith.muli %add3A_628, %mul3A_927 : i32
      %add3A_929 = arith.constant 16 : i32
      %add3A_930 = arith.addi %mul3A_928, %add3A_929 : i32
      %multiple_of3A_931 = tpu.assume_multiple %add3A_930, 16 : i32
      %get3A_932 = arith.index_cast %multiple_of3A_931 : i32 to index
      %get3A_933 = tpu.vector_load %arg5[%get3A_932] {strides = array<i32>} : memref<512xi32, #tpu.memory_space<vmem>>, vector<16xi32>,
      %get3A_934 = vector.shape_cast %get3A_933 : vector<16xi32> to vector<16xi32>
      %slice3A_935 = vector.extract_strided_slice %get3A_934 {offsets = [0], sizes = [1], strides = [1]} : vector<16xi32> to vector<1xi32>
      %squeeze3A_936 = vector.extract %slice3A_935[0] : i32 from vector<1xi32>
      %shift_right_arithmetic3A_937 = arith.constant 4 : i32
      %shift_right_arithmetic3A_938 = arith.shrsi %squeeze3A_936, %shift_right_arithmetic3A_937 : i32
      %shift_left3A_939 = arith.constant 4 : i32
      %shift_left3A_940 = arith.shli %shift_right_arithmetic3A_938, %shift_left3A_939 : i32
      %multiple_of3A_941 = tpu.assume_multiple %shift_left3A_940, 16 : i32
      %get3A_942 = arith.constant 16 : i32
      %get3A_943 = arith.index_cast %get3A_942 : i32 to index
      %get3A_944 = arith.index_cast %multiple_of3A_941 : i32 to index
      %get3A_945 = tpu.vector_load %arg7[%get3A_943, %get3A_944] {strides = array<i32>} : memref<33x1000xf32, #tpu.memory_space<vmem>>, vector<1x16xf32>,
      %get3A_946 = vector.shape_cast %get3A_945 : vector<1x16xf32> to vector<16xf32>
      %sub3A_947 = arith.subi %squeeze3A_936, %multiple_of3A_941 : i32
      %eq3A_948 = vector.broadcast %sub3A_947 : i32 to vector<16xi32>
      %eq3A_949 = arith.cmpi eq, %iota3A, %eq3A_948 : vector<16xi32>
      %select_n3A_950 = arith.select %eq3A_949, %get3A_946, %broadcast_in_dim3A_5 : vector<16xi1>, vector<16xf32>
      %add3A_951 = arith.addf %add3A_926, %select_n3A_950 : vector<16xf32>
      %slice3A_952 = vector.extract_strided_slice %get3A_934 {offsets = [1], sizes = [1], strides = [1]} : vector<16xi32> to vector<1xi32>
      %squeeze3A_953 = vector.extract %slice3A_952[0] : i32 from vector<1xi32>
      %shift_right_arithmetic3A_954 = arith.constant 4 : i32
      %shift_right_arithmetic3A_955 = arith.shrsi %squeeze3A_953, %shift_right_arithmetic3A_954 : i32
      %shift_left3A_956 = arith.constant 4 : i32
      %shift_left3A_957 = arith.shli %shift_right_arithmetic3A_955, %shift_left3A_956 : i32
      %multiple_of3A_958 = tpu.assume_multiple %shift_left3A_957, 16 : i32
      %get3A_959 = arith.constant 17 : i32
      %get3A_960 = arith.index_cast %get3A_959 : i32 to index
      %get3A_961 = arith.index_cast %multiple_of3A_958 : i32 to index
      %get3A_962 = tpu.vector_load %arg7[%get3A_960, %get3A_961] {strides = array<i32>} : memref<33x1000xf32, #tpu.memory_space<vmem>>, vector<1x16xf32>,
      %get3A_963 = vector.shape_cast %get3A_962 : vector<1x16xf32> to vector<16xf32>
      %sub3A_964 = arith.subi %squeeze3A_953, %multiple_of3A_958 : i32
      %eq3A_965 = vector.broadcast %sub3A_964 : i32 to vector<16xi32>
      %eq3A_966 = arith.cmpi eq, %iota3A, %eq3A_965 : vector<16xi32>
      %select_n3A_967 = arith.select %eq3A_966, %get3A_963, %broadcast_in_dim3A_5 : vector<16xi1>, vector<16xf32>
      %add3A_968 = arith.addf %add3A_951, %select_n3A_967 : vector<16xf32>
      %slice3A_969 = vector.extract_strided_slice %get3A_934 {offsets = [2], sizes = [1], strides = [1]} : vector<16xi32> to vector<1xi32>
      %squeeze3A_970 = vector.extract %slice3A_969[0] : i32 from vector<1xi32>
      %shift_right_arithmetic3A_971 = arith.constant 4 : i32
      %shift_right_arithmetic3A_972 = arith.shrsi %squeeze3A_970, %shift_right_arithmetic3A_971 : i32
      %shift_left3A_973 = arith.constant 4 : i32
      %shift_left3A_974 = arith.shli %shift_right_arithmetic3A_972, %shift_left3A_973 : i32
      %multiple_of3A_975 = tpu.assume_multiple %shift_left3A_974, 16 : i32
      %get3A_976 = arith.constant 18 : i32
      %get3A_977 = arith.index_cast %get3A_976 : i32 to index
      %get3A_978 = arith.index_cast %multiple_of3A_975 : i32 to index
      %get3A_979 = tpu.vector_load %arg7[%get3A_977, %get3A_978] {strides = array<i32>} : memref<33x1000xf32, #tpu.memory_space<vmem>>, vector<1x16xf32>,
      %get3A_980 = vector.shape_cast %get3A_979 : vector<1x16xf32> to vector<16xf32>
      %sub3A_981 = arith.subi %squeeze3A_970, %multiple_of3A_975 : i32
      %eq3A_982 = vector.broadcast %sub3A_981 : i32 to vector<16xi32>
      %eq3A_983 = arith.cmpi eq, %iota3A, %eq3A_982 : vector<16xi32>
      %select_n3A_984 = arith.select %eq3A_983, %get3A_980, %broadcast_in_dim3A_5 : vector<16xi1>, vector<16xf32>
      %add3A_985 = arith.addf %add3A_968, %select_n3A_984 : vector<16xf32>
      %slice3A_986 = vector.extract_strided_slice %get3A_934 {offsets = [3], sizes = [1], strides = [1]} : vector<16xi32> to vector<1xi32>
      %squeeze3A_987 = vector.extract %slice3A_986[0] : i32 from vector<1xi32>
      %shift_right_arithmetic3A_988 = arith.constant 4 : i32
      %shift_right_arithmetic3A_989 = arith.shrsi %squeeze3A_987, %shift_right_arithmetic3A_988 : i32
      %shift_left3A_990 = arith.constant 4 : i32
      %shift_left3A_991 = arith.shli %shift_right_arithmetic3A_989, %shift_left3A_990 : i32
      %multiple_of3A_992 = tpu.assume_multiple %shift_left3A_991, 16 : i32
      %get3A_993 = arith.constant 19 : i32
      %get3A_994 = arith.index_cast %get3A_993 : i32 to index
      %get3A_995 = arith.index_cast %multiple_of3A_992 : i32 to index
      %get3A_996 = tpu.vector_load %arg7[%get3A_994, %get3A_995] {strides = array<i32>} : memref<33x1000xf32, #tpu.memory_space<vmem>>, vector<1x16xf32>,
      %get3A_997 = vector.shape_cast %get3A_996 : vector<1x16xf32> to vector<16xf32>
      %sub3A_998 = arith.subi %squeeze3A_987, %multiple_of3A_992 : i32
      %eq3A_999 = vector.broadcast %sub3A_998 : i32 to vector<16xi32>
      %eq3A_1000 = arith.cmpi eq, %iota3A, %eq3A_999 : vector<16xi32>
      %select_n3A_1001 = arith.select %eq3A_1000, %get3A_997, %broadcast_in_dim3A_5 : vector<16xi1>, vector<16xf32>
      %add3A_1002 = arith.addf %add3A_985, %select_n3A_1001 : vector<16xf32>
      %slice3A_1003 = vector.extract_strided_slice %get3A_934 {offsets = [4], sizes = [1], strides = [1]} : vector<16xi32> to vector<1xi32>
      %squeeze3A_1004 = vector.extract %slice3A_1003[0] : i32 from vector<1xi32>
      %shift_right_arithmetic3A_1005 = arith.constant 4 : i32
      %shift_right_arithmetic3A_1006 = arith.shrsi %squeeze3A_1004, %shift_right_arithmetic3A_1005 : i32
      %shift_left3A_1007 = arith.constant 4 : i32
      %shift_left3A_1008 = arith.shli %shift_right_arithmetic3A_1006, %shift_left3A_1007 : i32
      %multiple_of3A_1009 = tpu.assume_multiple %shift_left3A_1008, 16 : i32
      %get3A_1010 = arith.constant 20 : i32
      %get3A_1011 = arith.index_cast %get3A_1010 : i32 to index
      %get3A_1012 = arith.index_cast %multiple_of3A_1009 : i32 to index
      %get3A_1013 = tpu.vector_load %arg7[%get3A_1011, %get3A_1012] {strides = array<i32>} : memref<33x1000xf32, #tpu.memory_space<vmem>>, vector<1x16xf32>,
      %get3A_1014 = vector.shape_cast %get3A_1013 : vector<1x16xf32> to vector<16xf32>
      %sub3A_1015 = arith.subi %squeeze3A_1004, %multiple_of3A_1009 : i32
      %eq3A_1016 = vector.broadcast %sub3A_1015 : i32 to vector<16xi32>
      %eq3A_1017 = arith.cmpi eq, %iota3A, %eq3A_1016 : vector<16xi32>
      %select_n3A_1018 = arith.select %eq3A_1017, %get3A_1014, %broadcast_in_dim3A_5 : vector<16xi1>, vector<16xf32>
      %add3A_1019 = arith.addf %add3A_1002, %select_n3A_1018 : vector<16xf32>
      %slice3A_1020 = vector.extract_strided_slice %get3A_934 {offsets = [5], sizes = [1], strides = [1]} : vector<16xi32> to vector<1xi32>
      %squeeze3A_1021 = vector.extract %slice3A_1020[0] : i32 from vector<1xi32>
      %shift_right_arithmetic3A_1022 = arith.constant 4 : i32
      %shift_right_arithmetic3A_1023 = arith.shrsi %squeeze3A_1021, %shift_right_arithmetic3A_1022 : i32
      %shift_left3A_1024 = arith.constant 4 : i32
      %shift_left3A_1025 = arith.shli %shift_right_arithmetic3A_1023, %shift_left3A_1024 : i32
      %multiple_of3A_1026 = tpu.assume_multiple %shift_left3A_1025, 16 : i32
      %get3A_1027 = arith.constant 21 : i32
      %get3A_1028 = arith.index_cast %get3A_1027 : i32 to index
      %get3A_1029 = arith.index_cast %multiple_of3A_1026 : i32 to index
      %get3A_1030 = tpu.vector_load %arg7[%get3A_1028, %get3A_1029] {strides = array<i32>} : memref<33x1000xf32, #tpu.memory_space<vmem>>, vector<1x16xf32>,
      %get3A_1031 = vector.shape_cast %get3A_1030 : vector<1x16xf32> to vector<16xf32>
      %sub3A_1032 = arith.subi %squeeze3A_1021, %multiple_of3A_1026 : i32
      %eq3A_1033 = vector.broadcast %sub3A_1032 : i32 to vector<16xi32>
      %eq3A_1034 = arith.cmpi eq, %iota3A, %eq3A_1033 : vector<16xi32>
      %select_n3A_1035 = arith.select %eq3A_1034, %get3A_1031, %broadcast_in_dim3A_5 : vector<16xi1>, vector<16xf32>
      %add3A_1036 = arith.addf %add3A_1019, %select_n3A_1035 : vector<16xf32>
      %slice3A_1037 = vector.extract_strided_slice %get3A_934 {offsets = [6], sizes = [1], strides = [1]} : vector<16xi32> to vector<1xi32>
      %squeeze3A_1038 = vector.extract %slice3A_1037[0] : i32 from vector<1xi32>
      %shift_right_arithmetic3A_1039 = arith.constant 4 : i32
      %shift_right_arithmetic3A_1040 = arith.shrsi %squeeze3A_1038, %shift_right_arithmetic3A_1039 : i32
      %shift_left3A_1041 = arith.constant 4 : i32
      %shift_left3A_1042 = arith.shli %shift_right_arithmetic3A_1040, %shift_left3A_1041 : i32
      %multiple_of3A_1043 = tpu.assume_multiple %shift_left3A_1042, 16 : i32
      %get3A_1044 = arith.constant 22 : i32
      %get3A_1045 = arith.index_cast %get3A_1044 : i32 to index
      %get3A_1046 = arith.index_cast %multiple_of3A_1043 : i32 to index
      %get3A_1047 = tpu.vector_load %arg7[%get3A_1045, %get3A_1046] {strides = array<i32>} : memref<33x1000xf32, #tpu.memory_space<vmem>>, vector<1x16xf32>,
      %get3A_1048 = vector.shape_cast %get3A_1047 : vector<1x16xf32> to vector<16xf32>
      %sub3A_1049 = arith.subi %squeeze3A_1038, %multiple_of3A_1043 : i32
      %eq3A_1050 = vector.broadcast %sub3A_1049 : i32 to vector<16xi32>
      %eq3A_1051 = arith.cmpi eq, %iota3A, %eq3A_1050 : vector<16xi32>
      %select_n3A_1052 = arith.select %eq3A_1051, %get3A_1048, %broadcast_in_dim3A_5 : vector<16xi1>, vector<16xf32>
      %add3A_1053 = arith.addf %add3A_1036, %select_n3A_1052 : vector<16xf32>
      %slice3A_1054 = vector.extract_strided_slice %get3A_934 {offsets = [7], sizes = [1], strides = [1]} : vector<16xi32> to vector<1xi32>
      %squeeze3A_1055 = vector.extract %slice3A_1054[0] : i32 from vector<1xi32>
      %shift_right_arithmetic3A_1056 = arith.constant 4 : i32
      %shift_right_arithmetic3A_1057 = arith.shrsi %squeeze3A_1055, %shift_right_arithmetic3A_1056 : i32
      %shift_left3A_1058 = arith.constant 4 : i32
      %shift_left3A_1059 = arith.shli %shift_right_arithmetic3A_1057, %shift_left3A_1058 : i32
      %multiple_of3A_1060 = tpu.assume_multiple %shift_left3A_1059, 16 : i32
      %get3A_1061 = arith.constant 23 : i32
      %get3A_1062 = arith.index_cast %get3A_1061 : i32 to index
      %get3A_1063 = arith.index_cast %multiple_of3A_1060 : i32 to index
      %get3A_1064 = tpu.vector_load %arg7[%get3A_1062, %get3A_1063] {strides = array<i32>} : memref<33x1000xf32, #tpu.memory_space<vmem>>, vector<1x16xf32>,
      %get3A_1065 = vector.shape_cast %get3A_1064 : vector<1x16xf32> to vector<16xf32>
      %sub3A_1066 = arith.subi %squeeze3A_1055, %multiple_of3A_1060 : i32
      %eq3A_1067 = vector.broadcast %sub3A_1066 : i32 to vector<16xi32>
      %eq3A_1068 = arith.cmpi eq, %iota3A, %eq3A_1067 : vector<16xi32>
      %select_n3A_1069 = arith.select %eq3A_1068, %get3A_1065, %broadcast_in_dim3A_5 : vector<16xi1>, vector<16xf32>
      %add3A_1070 = arith.addf %add3A_1053, %select_n3A_1069 : vector<16xf32>
      %slice3A_1071 = vector.extract_strided_slice %get3A_934 {offsets = [8], sizes = [1], strides = [1]} : vector<16xi32> to vector<1xi32>
      %squeeze3A_1072 = vector.extract %slice3A_1071[0] : i32 from vector<1xi32>
      %shift_right_arithmetic3A_1073 = arith.constant 4 : i32
      %shift_right_arithmetic3A_1074 = arith.shrsi %squeeze3A_1072, %shift_right_arithmetic3A_1073 : i32
      %shift_left3A_1075 = arith.constant 4 : i32
      %shift_left3A_1076 = arith.shli %shift_right_arithmetic3A_1074, %shift_left3A_1075 : i32
      %multiple_of3A_1077 = tpu.assume_multiple %shift_left3A_1076, 16 : i32
      %get3A_1078 = arith.constant 24 : i32
      %get3A_1079 = arith.index_cast %get3A_1078 : i32 to index
      %get3A_1080 = arith.index_cast %multiple_of3A_1077 : i32 to index
      %get3A_1081 = tpu.vector_load %arg7[%get3A_1079, %get3A_1080] {strides = array<i32>} : memref<33x1000xf32, #tpu.memory_space<vmem>>, vector<1x16xf32>,
      %get3A_1082 = vector.shape_cast %get3A_1081 : vector<1x16xf32> to vector<16xf32>
      %sub3A_1083 = arith.subi %squeeze3A_1072, %multiple_of3A_1077 : i32
      %eq3A_1084 = vector.broadcast %sub3A_1083 : i32 to vector<16xi32>
      %eq3A_1085 = arith.cmpi eq, %iota3A, %eq3A_1084 : vector<16xi32>
      %select_n3A_1086 = arith.select %eq3A_1085, %get3A_1082, %broadcast_in_dim3A_5 : vector<16xi1>, vector<16xf32>
      %add3A_1087 = arith.addf %add3A_1070, %select_n3A_1086 : vector<16xf32>
      %slice3A_1088 = vector.extract_strided_slice %get3A_934 {offsets = [9], sizes = [1], strides = [1]} : vector<16xi32> to vector<1xi32>
      %squeeze3A_1089 = vector.extract %slice3A_1088[0] : i32 from vector<1xi32>
      %shift_right_arithmetic3A_1090 = arith.constant 4 : i32
      %shift_right_arithmetic3A_1091 = arith.shrsi %squeeze3A_1089, %shift_right_arithmetic3A_1090 : i32
      %shift_left3A_1092 = arith.constant 4 : i32
      %shift_left3A_1093 = arith.shli %shift_right_arithmetic3A_1091, %shift_left3A_1092 : i32
      %multiple_of3A_1094 = tpu.assume_multiple %shift_left3A_1093, 16 : i32
      %get3A_1095 = arith.constant 25 : i32
      %get3A_1096 = arith.index_cast %get3A_1095 : i32 to index
      %get3A_1097 = arith.index_cast %multiple_of3A_1094 : i32 to index
      %get3A_1098 = tpu.vector_load %arg7[%get3A_1096, %get3A_1097] {strides = array<i32>} : memref<33x1000xf32, #tpu.memory_space<vmem>>, vector<1x16xf32>,
      %get3A_1099 = vector.shape_cast %get3A_1098 : vector<1x16xf32> to vector<16xf32>
      %sub3A_1100 = arith.subi %squeeze3A_1089, %multiple_of3A_1094 : i32
      %eq3A_1101 = vector.broadcast %sub3A_1100 : i32 to vector<16xi32>
      %eq3A_1102 = arith.cmpi eq, %iota3A, %eq3A_1101 : vector<16xi32>
      %select_n3A_1103 = arith.select %eq3A_1102, %get3A_1099, %broadcast_in_dim3A_5 : vector<16xi1>, vector<16xf32>
      %add3A_1104 = arith.addf %add3A_1087, %select_n3A_1103 : vector<16xf32>
      %slice3A_1105 = vector.extract_strided_slice %get3A_934 {offsets = [10], sizes = [1], strides = [1]} : vector<16xi32> to vector<1xi32>
      %squeeze3A_1106 = vector.extract %slice3A_1105[0] : i32 from vector<1xi32>
      %shift_right_arithmetic3A_1107 = arith.constant 4 : i32
      %shift_right_arithmetic3A_1108 = arith.shrsi %squeeze3A_1106, %shift_right_arithmetic3A_1107 : i32
      %shift_left3A_1109 = arith.constant 4 : i32
      %shift_left3A_1110 = arith.shli %shift_right_arithmetic3A_1108, %shift_left3A_1109 : i32
      %multiple_of3A_1111 = tpu.assume_multiple %shift_left3A_1110, 16 : i32
      %get3A_1112 = arith.constant 26 : i32
      %get3A_1113 = arith.index_cast %get3A_1112 : i32 to index
      %get3A_1114 = arith.index_cast %multiple_of3A_1111 : i32 to index
      %get3A_1115 = tpu.vector_load %arg7[%get3A_1113, %get3A_1114] {strides = array<i32>} : memref<33x1000xf32, #tpu.memory_space<vmem>>, vector<1x16xf32>,
      %get3A_1116 = vector.shape_cast %get3A_1115 : vector<1x16xf32> to vector<16xf32>
      %sub3A_1117 = arith.subi %squeeze3A_1106, %multiple_of3A_1111 : i32
      %eq3A_1118 = vector.broadcast %sub3A_1117 : i32 to vector<16xi32>
      %eq3A_1119 = arith.cmpi eq, %iota3A, %eq3A_1118 : vector<16xi32>
      %select_n3A_1120 = arith.select %eq3A_1119, %get3A_1116, %broadcast_in_dim3A_5 : vector<16xi1>, vector<16xf32>
      %add3A_1121 = arith.addf %add3A_1104, %select_n3A_1120 : vector<16xf32>
      %slice3A_1122 = vector.extract_strided_slice %get3A_934 {offsets = [11], sizes = [1], strides = [1]} : vector<16xi32> to vector<1xi32>
      %squeeze3A_1123 = vector.extract %slice3A_1122[0] : i32 from vector<1xi32>
      %shift_right_arithmetic3A_1124 = arith.constant 4 : i32
      %shift_right_arithmetic3A_1125 = arith.shrsi %squeeze3A_1123, %shift_right_arithmetic3A_1124 : i32
      %shift_left3A_1126 = arith.constant 4 : i32
      %shift_left3A_1127 = arith.shli %shift_right_arithmetic3A_1125, %shift_left3A_1126 : i32
      %multiple_of3A_1128 = tpu.assume_multiple %shift_left3A_1127, 16 : i32
      %get3A_1129 = arith.constant 27 : i32
      %get3A_1130 = arith.index_cast %get3A_1129 : i32 to index
      %get3A_1131 = arith.index_cast %multiple_of3A_1128 : i32 to index
      %get3A_1132 = tpu.vector_load %arg7[%get3A_1130, %get3A_1131] {strides = array<i32>} : memref<33x1000xf32, #tpu.memory_space<vmem>>, vector<1x16xf32>,
      %get3A_1133 = vector.shape_cast %get3A_1132 : vector<1x16xf32> to vector<16xf32>
      %sub3A_1134 = arith.subi %squeeze3A_1123, %multiple_of3A_1128 : i32
      %eq3A_1135 = vector.broadcast %sub3A_1134 : i32 to vector<16xi32>
      %eq3A_1136 = arith.cmpi eq, %iota3A, %eq3A_1135 : vector<16xi32>
      %select_n3A_1137 = arith.select %eq3A_1136, %get3A_1133, %broadcast_in_dim3A_5 : vector<16xi1>, vector<16xf32>
      %add3A_1138 = arith.addf %add3A_1121, %select_n3A_1137 : vector<16xf32>
      %slice3A_1139 = vector.extract_strided_slice %get3A_934 {offsets = [12], sizes = [1], strides = [1]} : vector<16xi32> to vector<1xi32>
      %squeeze3A_1140 = vector.extract %slice3A_1139[0] : i32 from vector<1xi32>
      %shift_right_arithmetic3A_1141 = arith.constant 4 : i32
      %shift_right_arithmetic3A_1142 = arith.shrsi %squeeze3A_1140, %shift_right_arithmetic3A_1141 : i32
      %shift_left3A_1143 = arith.constant 4 : i32
      %shift_left3A_1144 = arith.shli %shift_right_arithmetic3A_1142, %shift_left3A_1143 : i32
      %multiple_of3A_1145 = tpu.assume_multiple %shift_left3A_1144, 16 : i32
      %get3A_1146 = arith.constant 28 : i32
      %get3A_1147 = arith.index_cast %get3A_1146 : i32 to index
      %get3A_1148 = arith.index_cast %multiple_of3A_1145 : i32 to index
      %get3A_1149 = tpu.vector_load %arg7[%get3A_1147, %get3A_1148] {strides = array<i32>} : memref<33x1000xf32, #tpu.memory_space<vmem>>, vector<1x16xf32>,
      %get3A_1150 = vector.shape_cast %get3A_1149 : vector<1x16xf32> to vector<16xf32>
      %sub3A_1151 = arith.subi %squeeze3A_1140, %multiple_of3A_1145 : i32
      %eq3A_1152 = vector.broadcast %sub3A_1151 : i32 to vector<16xi32>
      %eq3A_1153 = arith.cmpi eq, %iota3A, %eq3A_1152 : vector<16xi32>
      %select_n3A_1154 = arith.select %eq3A_1153, %get3A_1150, %broadcast_in_dim3A_5 : vector<16xi1>, vector<16xf32>
      %add3A_1155 = arith.addf %add3A_1138, %select_n3A_1154 : vector<16xf32>
      %slice3A_1156 = vector.extract_strided_slice %get3A_934 {offsets = [13], sizes = [1], strides = [1]} : vector<16xi32> to vector<1xi32>
      %squeeze3A_1157 = vector.extract %slice3A_1156[0] : i32 from vector<1xi32>
      %shift_right_arithmetic3A_1158 = arith.constant 4 : i32
      %shift_right_arithmetic3A_1159 = arith.shrsi %squeeze3A_1157, %shift_right_arithmetic3A_1158 : i32
      %shift_left3A_1160 = arith.constant 4 : i32
      %shift_left3A_1161 = arith.shli %shift_right_arithmetic3A_1159, %shift_left3A_1160 : i32
      %multiple_of3A_1162 = tpu.assume_multiple %shift_left3A_1161, 16 : i32
      %get3A_1163 = arith.constant 29 : i32
      %get3A_1164 = arith.index_cast %get3A_1163 : i32 to index
      %get3A_1165 = arith.index_cast %multiple_of3A_1162 : i32 to index
      %get3A_1166 = tpu.vector_load %arg7[%get3A_1164, %get3A_1165] {strides = array<i32>} : memref<33x1000xf32, #tpu.memory_space<vmem>>, vector<1x16xf32>,
      %get3A_1167 = vector.shape_cast %get3A_1166 : vector<1x16xf32> to vector<16xf32>
      %sub3A_1168 = arith.subi %squeeze3A_1157, %multiple_of3A_1162 : i32
      %eq3A_1169 = vector.broadcast %sub3A_1168 : i32 to vector<16xi32>
      %eq3A_1170 = arith.cmpi eq, %iota3A, %eq3A_1169 : vector<16xi32>
      %select_n3A_1171 = arith.select %eq3A_1170, %get3A_1167, %broadcast_in_dim3A_5 : vector<16xi1>, vector<16xf32>
      %add3A_1172 = arith.addf %add3A_1155, %select_n3A_1171 : vector<16xf32>
      %slice3A_1173 = vector.extract_strided_slice %get3A_934 {offsets = [14], sizes = [1], strides = [1]} : vector<16xi32> to vector<1xi32>
      %squeeze3A_1174 = vector.extract %slice3A_1173[0] : i32 from vector<1xi32>
      %shift_right_arithmetic3A_1175 = arith.constant 4 : i32
      %shift_right_arithmetic3A_1176 = arith.shrsi %squeeze3A_1174, %shift_right_arithmetic3A_1175 : i32
      %shift_left3A_1177 = arith.constant 4 : i32
      %shift_left3A_1178 = arith.shli %shift_right_arithmetic3A_1176, %shift_left3A_1177 : i32
      %multiple_of3A_1179 = tpu.assume_multiple %shift_left3A_1178, 16 : i32
      %get3A_1180 = arith.constant 30 : i32
      %get3A_1181 = arith.index_cast %get3A_1180 : i32 to index
      %get3A_1182 = arith.index_cast %multiple_of3A_1179 : i32 to index
      %get3A_1183 = tpu.vector_load %arg7[%get3A_1181, %get3A_1182] {strides = array<i32>} : memref<33x1000xf32, #tpu.memory_space<vmem>>, vector<1x16xf32>,
      %get3A_1184 = vector.shape_cast %get3A_1183 : vector<1x16xf32> to vector<16xf32>
      %sub3A_1185 = arith.subi %squeeze3A_1174, %multiple_of3A_1179 : i32
      %eq3A_1186 = vector.broadcast %sub3A_1185 : i32 to vector<16xi32>
      %eq3A_1187 = arith.cmpi eq, %iota3A, %eq3A_1186 : vector<16xi32>
      %select_n3A_1188 = arith.select %eq3A_1187, %get3A_1184, %broadcast_in_dim3A_5 : vector<16xi1>, vector<16xf32>
      %add3A_1189 = arith.addf %add3A_1172, %select_n3A_1188 : vector<16xf32>
      %slice3A_1190 = vector.extract_strided_slice %get3A_934 {offsets = [15], sizes = [1], strides = [1]} : vector<16xi32> to vector<1xi32>
      %squeeze3A_1191 = vector.extract %slice3A_1190[0] : i32 from vector<1xi32>
      %shift_right_arithmetic3A_1192 = arith.constant 4 : i32
      %shift_right_arithmetic3A_1193 = arith.shrsi %squeeze3A_1191, %shift_right_arithmetic3A_1192 : i32
      %shift_left3A_1194 = arith.constant 4 : i32
      %shift_left3A_1195 = arith.shli %shift_right_arithmetic3A_1193, %shift_left3A_1194 : i32
      %multiple_of3A_1196 = tpu.assume_multiple %shift_left3A_1195, 16 : i32
      %get3A_1197 = arith.constant 31 : i32
      %get3A_1198 = arith.index_cast %get3A_1197 : i32 to index
      %get3A_1199 = arith.index_cast %multiple_of3A_1196 : i32 to index
      %get3A_1200 = tpu.vector_load %arg7[%get3A_1198, %get3A_1199] {strides = array<i32>} : memref<33x1000xf32, #tpu.memory_space<vmem>>, vector<1x16xf32>,
      %get3A_1201 = vector.shape_cast %get3A_1200 : vector<1x16xf32> to vector<16xf32>
      %sub3A_1202 = arith.subi %squeeze3A_1191, %multiple_of3A_1196 : i32
      %eq3A_1203 = vector.broadcast %sub3A_1202 : i32 to vector<16xi32>
      %eq3A_1204 = arith.cmpi eq, %iota3A, %eq3A_1203 : vector<16xi32>
      %select_n3A_1205 = arith.select %eq3A_1204, %get3A_1201, %broadcast_in_dim3A_5 : vector<16xi1>, vector<16xf32>
      %add3A_1206 = arith.addf %add3A_1189, %select_n3A_1205 : vector<16xf32>
      %add3A_1207 = arith.constant 2 : i32
      %add3A_1208 = arith.addi %add3A_628, %add3A_1207 : i32
      %lt3A_1209 = arith.constant 16 : i32
      %lt3A_1210 = arith.cmpi slt, %add3A_1208, %lt3A_1209 : i32
      %convert_element_type3A_1211 = arith.extui %lt3A_1210 : i1 to i32
      %cond3A_1212 = arith.constant 0 : i32
      %cond3A_1213 = arith.cmpi ne, %convert_element_type3A_1211, %cond3A_1212 : i32
      scf.if %cond3A_1213 {
        %add3A_1214 = arith.constant 2 : i32
        %add3A_1215 = arith.addi %add3A_628, %add3A_1214 : i32
        %mul3A_1216 = arith.constant 32 : i32
        %mul3A_1217 = arith.muli %add3A_1215, %mul3A_1216 : i32
        %add3A_1218 = arith.addi %mul3A_2, %mul3A_1217 : i32
        %dma_start3A_1219 = arith.constant 0 : i32
        %dma_start3A_1220 = arith.constant 0 : i32
        %dma_start3A_1221 = tpu.memref_slice %arg7[%dma_start3A_1219, %dma_start3A_1220] : memref<33x1000xf32, #tpu.memory_space<vmem>> -> memref<32x1000xf32, #tpu.memory_space<vmem>>
        %dma_start3A_1222 = arith.constant 0 : i32
        %dma_start3A_1223 = tpu.memref_slice %arg2[%add3A_1218, %dma_start3A_1222] : memref<16384x1000xf32, #tpu.memory_space<hbm>> -> memref<32x1000xf32, #tpu.memory_space<hbm>>
        %dma_start3A_1224 = arith.constant 0 : i32
        %dma_start3A_1225 = arith.constant 0 : i32
        %dma_start3A_1226 = tpu.memref_slice %arg7[%dma_start3A_1224, %dma_start3A_1225] : memref<33x1000xf32, #tpu.memory_space<vmem>> -> memref<32x1000xf32, #tpu.memory_space<vmem>>
        %dma_start3A_1227 = arith.constant 0 : i32
        %dma_start3A_1228 = tpu.memref_slice %arg2[%add3A_1218, %dma_start3A_1227] : memref<16384x1000xf32, #tpu.memory_space<hbm>> -> memref<32x1000xf32, #tpu.memory_space<hbm>>
        tpu.enqueue_dma source(%dma_start3A_1228 : memref<32x1000xf32, #tpu.memory_space<hbm>>) target(%dma_start3A_1226 : memref<32x1000xf32, #tpu.memory_space<vmem>>) target_semaphore(%arg10 : memref<!tpu.dma_semaphore, #tpu.memory_space<semaphore_mem>>)
      } else {
      }
      scf.yield %scan3A_645#0, %scan3A_645#1, %scan3A_645#2, %scan3A_645#3, %add3A_1206 : vector<16xf32>, vector<16xf32>, vector<16xf32>, vector<16xf32>, vector<16xf32>
    }
    %scan3A_31 = arith.constant 8 : i32
    %add3A_32 = arith.addf %scan3A_30#0, %scan3A_30#1 : vector<16xf32>
    %add3A_33 = arith.addf %scan3A_30#2, %scan3A_30#3 : vector<16xf32>
    %add3A_34 = arith.addf %add3A_32, %add3A_33 : vector<16xf32>
    %mul3A_35 = arith.constant 9.99999974E-5 : f32
    %mul3A_36 = vector.broadcast %mul3A_35 : f32 to vector<16xf32>
    %mul3A_37 = arith.mulf %add3A_34, %mul3A_36 : vector<16xf32>
    %mul3A_38 = arith.constant 0.899999976 : f32
    %mul3A_39 = vector.broadcast %mul3A_38 : f32 to vector<16xf32>
    %mul3A_40 = arith.mulf %scan3A_30#4, %mul3A_39 : vector<16xf32>
    %add3A_41 = arith.addf %mul3A_37, %mul3A_40 : vector<16xf32>
    %swap3A = arith.constant 0 : index
    %swap3A_42 = tpu.vector_load %arg8[%swap3A] {strides = array<i32>} : memref<16xf32, #tpu.memory_space<vmem>>, vector<16xf32>,
    %swap3A_43 = vector.shape_cast %swap3A_42 : vector<16xf32> to vector<16xf32>
    %swap3A_44 = vector.shape_cast %add3A_41 : vector<16xf32> to vector<16xf32>
    tpu.vector_store %arg8[%swap3A], %swap3A_44 {strides = array<i32>} : memref<16xf32, #tpu.memory_space<vmem>>, vector<16xf32>,
    "tpu.region"() ({
      %run_scoped3A = tpu.sem_alloc : memref<!tpu.dma_semaphore, #tpu.memory_space<semaphore_mem>>
      %dma_start3A_45 = arith.constant 0 : i32
      %dma_start3A_46 = tpu.memref_slice %arg4[%add3A, %dma_start3A_45] : memref<32x16xf32, #tpu.memory_space<hbm>> -> memref<1x16xf32, #tpu.memory_space<hbm>>
      %dma_start3A_47 = tpu.memref_squeeze %dma_start3A_46 : memref<1x16xf32, #tpu.memory_space<hbm>> -> memref<16xf32, #tpu.memory_space<hbm>>
      %dma_start3A_48 = arith.constant 0 : i32
      %dma_start3A_49 = tpu.memref_slice %arg4[%add3A, %dma_start3A_48] : memref<32x16xf32, #tpu.memory_space<hbm>> -> memref<1x16xf32, #tpu.memory_space<hbm>>
      %dma_start3A_50 = tpu.memref_squeeze %dma_start3A_49 : memref<1x16xf32, #tpu.memory_space<hbm>> -> memref<16xf32, #tpu.memory_space<hbm>>
      tpu.enqueue_dma source(%arg8 : memref<16xf32, #tpu.memory_space<vmem>>) target(%dma_start3A_50 : memref<16xf32, #tpu.memory_space<hbm>>) target_semaphore(%run_scoped3A : memref<!tpu.dma_semaphore, #tpu.memory_space<semaphore_mem>>)
      %dma_wait3A = arith.constant 0 : i32
      %dma_wait3A_51 = tpu.memref_slice %arg4[%add3A, %dma_wait3A] : memref<32x16xf32, #tpu.memory_space<hbm>> -> memref<1x16xf32, #tpu.memory_space<hbm>>
      %dma_wait3A_52 = tpu.memref_squeeze %dma_wait3A_51 : memref<1x16xf32, #tpu.memory_space<hbm>> -> memref<16xf32, #tpu.memory_space<hbm>>
      %dma_wait3A_53 = arith.constant 0 : i32
      %dma_wait3A_54 = tpu.memref_slice %arg4[%add3A, %dma_wait3A_53] : memref<32x16xf32, #tpu.memory_space<hbm>> -> memref<1x16xf32, #tpu.memory_space<hbm>>
      %dma_wait3A_55 = tpu.memref_squeeze %dma_wait3A_54 : memref<1x16xf32, #tpu.memory_space<hbm>> -> memref<16xf32, #tpu.memory_space<hbm>>
      tpu.wait_dma2 semaphore(%run_scoped3A : memref<!tpu.dma_semaphore, #tpu.memory_space<semaphore_mem>>) src(%arg8 : memref<16xf32, #tpu.memory_space<vmem>>) dst(%dma_wait3A_55 : memref<16xf32, #tpu.memory_space<hbm>>)
      tpu.yield
    }) : () -> ()
    return
  }
}

</mosaic_0001>

<sc_bundles>
// kernel: kernel.3.cloned.1.call-start
scs
__scs_entry_jumppad:
0x0: {  	(pc) =	sbr.rel $0x88, $3  }
0x1: {  	(tag) =	ssettag $0x0;
	lr =	simm.s32 $0x1  }
0x2: {  	[smem:$0x3F9F] =	sst lr;
	_ =	strace $0xD0000000  }
0x3: {  	_ = 	snop  }
0x4: {  	_ = 	snop  }
0x5: {  	_ = 	snop  }
0x6: {  	_ = 	snop  }
0x7: {  	_ = 	snop  }
__scs_overlays_trampoline_lowered:
0x8: {  	[smem:$0x3FAE] =	sst s0  }
0x9: {  	[smem:$0x3FAF] =	sst s1  }
0xa: {  	[smem:$0x3FB0] =	sst s2  }
0xb: {  	[smem:$0x3FB1] =	sst s3  }
0xc: {  	[smem:$0x3FB2] =	sst s4  }
0xd: {  	[smem:$0x3FB3] =	sst s5  }
0xe: {  	[smem:$0x3FB4] =	sst s6  }
0xf: {  	[smem:$0x3FB5] =	sst s7  }
0x10: {  	[smem:$0x3FB6] =	sst s8  }
0x11: {  	[smem:$0x3FB7] =	sst s9;
	s0 =	simm.s32 @!p0 $0x0  }
0x12: {  	s1 =	sld [smem:$0x3F9D];
	s0 =	simm.s32 @p0 $0x1  }
0x13: {  	[smem:$0x3FB8] =	sst s0;
	s0 =	simm.s32 @!p1 $0x0  }
0x14: {  	s2 =	sld [smem:$0x3F9C];
	s0 =	simm.s32 @p1 $0x1  }
0x15: {  	[smem:$0x3FB9] =	sst s0;
	s0 =	simm.s32 @!p2 $0x0  }
0x16: {  	s3 =	sld [smem:$0x3FDB];
	s0 =	simm.s32 @p2 $0x1  }
0x17: {  	s4 =	simm.s32 $0x1BF5;
	[smem:$0x3FBB] =	sst s0  }
0x18: {  	s0 =	sld [smem:$0x3F9E];
	_ =	swait.ge [sflag:s4], $0x0  }
0x19: {  	s7 =	sld [smem:$0x3F9F]  }
0x1a: {  	s8 =	sadd.s32 $0xFFFFE003, lr  }
0x1b: {  	s9 =	sadd.s32 $0xFFFFFEF7, lr;
	s5 =	simm.s32 $0xFFFFFFFF;
	p2 =	slt.u32 s8, $0xFFFFF086  }
0x1c: {  	p1 =	slt.u32 s9, $0xF7A;
	s5 =	simm.s32 @!p2 $0x0  }
0x1d: {  	s5 =	simm.s32 @p1 $0x1;
	p0 =	seq.s32 s7, s2  }
0x1e: {  	s7 =	smul.u32 @!p0 $0xF7A, s2;
	p2 =	seq.s32 @!p0 s5, $0x0  }
0x1f: {  	s9 =	smul.u32 $0xF7A, s1;
	s8 =	simm.s32 @!p0 $0x1BF5;
	p2 =	por !p2, p0  }
0x20: {  	[sflag:s8] =	ssyncset.s32 @!p0 $0xFFFFF086;
	s6 =	sadd.s32 @!p0 s3, s7;
	s7 =	simm.s32 @!p0 $0x108  }
0x21: {  	s3 =	sadd.s32 s3, s9;
	s6 =	sadd.s32 @!p0 $0x88, s6;
	s7 =	simm.s32 @p2 $0x1082  }
0x22: {  	[simem:s7], [sflag:s8] =	dma.local @!p0 [hbm:s6], $0xF7A  }
0x23: {  	s9 =	sor.u32 $0xD0000000, s2;
	s6 =	simm.s32 $0x108;
	_ =	swait.ge @!p0 [sflag:s8], $0x0  }
0x24: {  	s3 =	sadd.s32 $0x88, s3;
	s6 =	simm.s32 @!p1 $0x1082;
	[sflag:s4] =	ssyncset.s32 $0xFFFFF086  }
0x25: {  	[simem:s6], [sflag:s4] =	dma.local [hbm:s3], $0xF7A  }
0x26: {  	[smem:$0x3F9F] =	sst s1;
	(tag) =	ssettag s2;
	_ =	strace s9  }
0x27: {  	s1 =	sld [smem:$0x3FAF]  }
0x28: {  	s2 =	sld [smem:$0x3FB0]  }
0x29: {  	s4 =	sld [smem:$0x3FB2]  }
0x2a: {  	p0 =	seq.s32 s5, $0x0;
	s5 =	sld [smem:$0x3FB3]  }
0x2b: {  	s6 =	sld [smem:$0x3FB4]  }
0x2c: {  	s7 =	sld [smem:$0x3FB5]  }
0x2d: {  	s3 =	simm.s32 $0x108;
	s8 =	sld [smem:$0x3FB6]  }
0x2e: {  	s3 =	simm.s32 @!p0 $0x1082;
	s9 =	sld [smem:$0x3FB7]  }
0x2f: {  	lr =	sadd.s32 s0, s3;
	s0 =	sld [smem:$0x3FAE]  }
0x30: {  	s3 =	sld [smem:$0x3FB1]  }
0x31: {  	[smem:$0x3FBA] =	sst s10  }
0x32: {  	s10 =	sld [smem:$0x3FB8];
	_ =	sdelay $0x3  }
0x33: {  	p0 =	seq.s32 s10, $0x1;
	s10 =	sld [smem:$0x3FBA];
	_ =	sdelay $0x3  }
0x34: {  	[smem:$0x3FBA] =	sst s10  }
0x35: {  	s10 =	sld [smem:$0x3FB9];
	_ =	sdelay $0x3  }
0x36: {  	p1 =	seq.s32 s10, $0x1;
	s10 =	sld [smem:$0x3FBA];
	_ =	sdelay $0x3  }
0x37: {  	[smem:$0x3FBA] =	sst s10  }
0x38: {  	s10 =	sld [smem:$0x3FBB]  }
0x39: {  	_ = 	snop;
	(pc) =	sbr.ind lr, $3  }
0x3a: {  	_ = 	snop  }
0x3b: {  	_ = 	snop  }
0x3c: {  	p2 =	seq.s32 s10, $0x1;
	s10 =	sld [smem:$0x3FBA]  }
0x3d: {  	_ =	shalt  }
0x3e: {  	_ =	shalt  }
0x3f: {  	_ =	shalt  }
0x40: {  	_ =	shalt  }
0x41: {  	_ =	shalt  }
0x42: {  	_ =	shalt  }
0x43: {  	_ =	shalt  }
0x44: {  	_ =	shalt  }
0x45: {  	_ =	shalt  }
0x46: {  	_ =	shalt  }
0x47: {  	_ =	shalt  }
0x48: {  	_ =	shalt  }
0x49: {  	_ =	shalt  }
0x4a: {  	_ =	shalt  }
0x4b: {  	_ =	shalt  }
0x4c: {  	_ =	shalt  }
0x4d: {  	_ =	shalt  }
0x4e: {  	_ =	shalt  }
0x4f: {  	_ =	shalt  }
0x50: {  	_ =	shalt  }
0x51: {  	_ =	shalt  }
0x52: {  	_ =	shalt  }
0x53: {  	_ =	shalt  }
0x54: {  	_ =	shalt  }
0x55: {  	_ =	shalt  }
0x56: {  	_ =	shalt  }
0x57: {  	_ =	shalt  }
0x58: {  	_ =	shalt  }
0x59: {  	_ =	shalt  }
0x5a: {  	_ =	shalt  }
0x5b: {  	_ =	shalt  }
0x5c: {  	_ =	shalt  }
0x5d: {  	_ =	shalt  }
0x5e: {  	_ =	shalt  }
0x5f: {  	_ =	shalt  }
0x60: {  	_ =	shalt  }
0x61: {  	_ =	shalt  }
0x62: {  	_ =	shalt  }
0x63: {  	_ =	shalt  }
0x64: {  	_ =	shalt  }
0x65: {  	_ =	shalt  }
0x66: {  	_ =	shalt  }
0x67: {  	_ =	shalt  }
0x68: {  	_ =	shalt  }
0x69: {  	_ =	shalt  }
0x6a: {  	_ =	shalt  }
0x6b: {  	_ =	shalt  }
0x6c: {  	_ =	shalt  }
0x6d: {  	_ =	shalt  }
0x6e: {  	_ =	shalt  }
0x6f: {  	_ =	shalt  }
0x70: {  	_ =	shalt  }
0x71: {  	_ =	shalt  }
0x72: {  	_ =	shalt  }
0x73: {  	_ =	shalt  }
0x74: {  	_ =	shalt  }
0x75: {  	_ =	shalt  }
0x76: {  	_ =	shalt  }
0x77: {  	_ =	shalt  }
0x78: {  	_ =	shalt  }
0x79: {  	_ =	shalt  }
0x7a: {  	_ =	shalt  }
0x7b: {  	_ =	shalt  }
0x7c: {  	_ =	shalt  }
0x7d: {  	_ =	shalt  }
0x7e: {  	_ =	shalt  }
0x7f: {  	_ =	shalt  }
0x80: {  	_ =	shalt  }
0x81: {  	_ =	shalt  }
0x82: {  	_ =	shalt  }
0x83: {  	_ =	shalt  }
0x84: {  	_ =	shalt  }
0x85: {  	_ =	shalt  }
0x86: {  	_ =	shalt  }
0x87: {  	_ =	shalt  }
.Lfunc_end0:
.L_simem_size_0:
called_computation_lowered:
.L_overlay_start_0:
0x88: {  	s2 =	sld [smem:$0x3FD9]  }
0x89: {  	s3 =	sld [smem:$0x3FFE];
	_ =	sdelay $0x1  }
0x8a: {  	s1 =	srdreg.scid  }
0x8b: {  	s0 =	sand.u32 $0x1, s1  }
0x8c: {  	s17 =	sshll.u32 s0, $0xA;
	s2 =	sadd.s32 s3, s2  }
0x8d: {  	s2 =	sadd.s32 s2, s17  }
0x8e: {  	[smem:$0x3FC6] =	sst s2  }
0x8f: {  	_ = 	snop  }
0x90: {  	s2 =	sld [smem:$0x3FC8];
	(tm) =	ssettm $0x1  }
0x91: {  	s18 =	sld [smem:$0x3FFB];
	_ =	sdelay $0x3  }
0x92: {  	_ =	strace s18  }
0x93: {  	s3 =	sld [smem:$0x3FFC];
	_ =	sdelay $0x3  }
0x94: {  	_ =	strace s3  }
0x95: {  	s3 =	sld [smem:$0x3FFD];
	_ =	sdelay $0x3  }
0x96: {  	_ =	strace s3  }
0x97: {  	_ =	strace $0x8FFFFFFF  }
0x98: {  	s19 =	sld [smem:$0x3FDB];
	_ =	sdelay $0x1  }
0x99: {  	s4 =	simm.s32 $_scs_section_size  }
0x9a: {  	s5 =	simm.s32 $_size__tile_overlayer_lowered;
	s6 =	simm.s32 $_tile_overlayer_lowered  }
0x9b: {  	s22 =	simm.s32 $0x1BFF;
	s21 =	sshll.u32 s6, $0x1;
	s3 =	sadd.s32 s4, s19  }
0x9c: {  	s7 =	simm.s32 $0x0;
	s20 =	sshll.u32 s5, $0x1;
	s5 =	sadd.s32 s21, s3  }
0x9d: {  	[timem:s7], [sflag:s22] =	dma.local [hbm:s5], s20  }
0x9e: {  	_ =	swait.ge [sflag:s22], s20  }
0x9f: {  	s4 =	ssub.s32 $0x0, s20;
	[sflag:s22] =	ssyncset.done $0x0  }
0xa0: {  	[sflag:s22] =	ssyncadd.s32 s4;
	_ =	sdelay $0x1  }
0xa1: {  	s23 =	simm.s32 $0x1B8B  }
0xa2: {  	_ =	swait.ge [sflag:s23], $0x1  }
0xa3: {  	[sflag:s23] =	ssyncset.done $0x0  }
0xa4: {  	s25 =	simm.s32 $0x1B8E;
	s24 =	sld [smem:$0x3FFE];
	[sflag:s23] =	ssyncadd.s32 $0xFFFFFFFF  }
0xa5: {  	s26 =	simm.s32 $execute0_lowered;
	[smem:$0x3FD2] =	sst s25  }
0xa6: {  	s5 =	sshll.u32 s26, $0x1;
	_ =	strace $0x80000046;
	[dreg:$0x1] =	wrdreg $0xFFFFFFFF  }
0xa7: {  	s28 =	simm.s32 $_size_execute0_lowered;
	s3 =	sadd.s32 s3, s5;
	[dreg:$0x0] =	wrdreg $0x0  }
0xa8: {  	s5 =	sshll.u32 s28, $0x1;
	[dreg:$0x2] =	wrdreg s3  }
0xa9: {  	[dreg:$0x3] =	wrdreg s5  }
0xaa: {  	[dreg:$0x4] =	wrdreg $0xC0  }
0xab: {  	_ =	task [dreg:s7], $0x5FFFF  }
0xac: {  	[dreg:$0x1] =	wrdreg $0xFFFFFFFF  }
0xad: {  	[dreg:$0x0] =	wrdreg $0x60  }
0xae: {  	[dreg:$0x2] =	wrdreg s24  }
0xaf: {  	[dreg:$0x3] =	wrdreg s2  }
0xb0: {  	[dreg:$0x4] =	wrdreg $0x9  }
0xb1: {  	_ =	task.clear_ibuf [dreg:s7], $0x5FFFF;
	_ =	strace $0x90000046  }
0xb2: {  	s29 =	simm.s32 $0x9;
	_ =	strace $0x80000048  }
0xb3: {  	_ =	swait.ge [sflag:s29], $0x1  }
0xb4: {  	[sflag:s29] =	ssyncadd.s32 $0xFFFFFFFF  }
0xb5: {  	_ =	strace $0x90000048  }
0xb6: {  	_ =	sfence  }
0xb7: {  	s30 =	sld [smem:$0x0];
	_ =	sdelay $0x2  }
0xb8: {  	s31 =	sshll.u32 s1, $0xD;
	s1 =	sshrl.u32 s1, $0x2  }
0xb9: {  	s3 =	sand.u32 $0x4000, s31;
	s1 =	sadd.s32 s1, s30  }
0xba: {  	s0 =	sor.u32 s3, s0;
	s1 =	sshll.u32 s1, $0x11  }
0xbb: {  	s0 =	sor.u32 s1, s0  }
0xbc: {  	s0 =	sadd.s32 $0x8F2B, s0  }
0xbd: {  	[sflag:s0] =	ssyncadd.remote.s32 $0x1  }
0xbe: {  	_ =	sfence.sel $0xFFFF  }
0xbf: {  	[dreg:$0x0] =	wrdreg $0xFFFFFFFF;
	(pc) =	sbr.abs _section_cstart, $3  }
0xc0: {  	[dreg:$0x1] =	wrdreg $0xFFFFFFFF  }
0xc1: {  	_ =	task.clear_ibuf [dreg:s7], $0x2FFFF;
	_ =	strace $0x9FFFFFFF  }
0xc2: {  	(tm) =	ssettm $0x7FFFFFFF  }
0xc3: {  	_ =	shalt  }
tec
execute0_lowered:
.L_overlay_start_1:
0x0: {  	(tag) =	ssettag $0x1  }
0x1: {  	s0 =	rddreg [dreg:$0x0]  }
0x2: {  	s1 =	srdreg.scid;
	s3 =	stileid.u32  }
0x3: {  	s7 =	simm.s32 $0x0;
	s1 =	sand.u32 $0x1, s1;
	s3 =	sshll.u32 s3, $0x1  }
0x4: {  	[smem:$0x7FF] =	sst s7;
	s3 =	sor.u32 s1, s3  }
0x5: {  	s2 =	rddreg [dreg:$0x1];
	_ =	strace $0x80000047;
	s6 =	sshll.u32 s3, $0x6  }
0x6: {  	s4 =	sshll.u32 s3, $0x4;
	s3 =	sshll.u32 s3, $0x10;
	s2 =	sadd.s32 s2, s6  }
0x7: {  	v0 =	vimm.s32 $0xFEDCBA98;
	s4 =	sadd.s32 s4, s0;
	s0 =	sadd.s32 s0, s3;
	[dreg:$0x3] =	wrdreg s2  }
0x8: {  	v1 =	vimm.s32 $0x76543210;
	v0 =	vunpack.c.l.s4.s8 v0;
	s1 =	ssub.s32 $0x2, s1;
	s28 =	sadd.s32 $0x1000, s0;
	[dreg:$0x4] =	wrdreg s0  }
.Ltmp0:
0x9: {  	v1 =	vunpack.c.l.s4.s8 v1;
	s29 =	sadd.s32 $0x2000, s0;
	[dreg:$0x5] =	wrdreg s28;
	(pc) =	sbr.rel .LBB2_1-.Ltmp0, $4  }
0xa: {  	s5 =	sshrl.u32 s1, $0x1;
	v0 =	vunpack.c.0.s8.s32 v0;
	s0 =	sadd.s32 $0x3000, s0;
	[dreg:$0x6] =	wrdreg s29  }
0xb: {  	v1 =	vunpack.c.0.s8.s32 v1;
	s1 =	ssub.s32 s1, s5;
	s30 =	sadd.s32 $0x200000, s4;
	[dreg:$0x7] =	wrdreg s0  }
0xc: {  	s31 =	smax.u32 s1, $0x1;
	v0 =	vand.u32 $0xF, v0;
	[dreg:$0x8] =	wrdreg s30  }
0xd: {  	vm0 =	vmmov $0xff;
	v62 =	vlaneseq.u32;
	s1 =	simm.s32 $0x3;
	s2 =	simm.s32 $0x0;
	[dreg:$0x9] =	wrdreg s31;
	v0 =	vcombine.low v0, v1  }
.LBB2_8:
0xe: {  	v1 =	vadd.f32 v4, v5;
	v2 =	vadd.f32 v3, v2;
	_ =	sdelay $0x1  }
0xf: {  	v1 =	vadd.f32 v2, v1;
	_ =	sdelay $0x1  }
0x10: {  	v2 =	vmul.f32 $8.999999760e-01, v6;
	v1 =	vmul.f32 $9.999999740e-05, v1;
	_ =	sdelay $0x1  }
0x11: {  	v1 =	vadd.f32 v1, v2;
	_ =	sdelay $0x1  }
0x12: {  	s7 =	simm.s32 $0x0;
	s0 =	rddreg [dreg:$0x8];
	s1 =	simm.s32 $0x14200;
	[tilespmem:$0x14200] =	vst v1  }
0x13: {  	[hbm4b:s0+s7] =	stream.linear.scatter [tilespmem:s1], [sflag:$0x3], $0x80, $0x38;
	[tilespmem:$0x14280] =	vst v63  }
0x14: {  	s1 =	simm.s32 $0x3  }
0x15: {  	_ =	swait.ge [sflag:s1], $0x80  }
0x16: {  	s2 =	rddreg [dreg:$0xa]  }
0x17: {  	s31 =	rddreg [dreg:$0x9];
	s2 =	sadd.s32 $0x1, s2  }
0x18: {  	p0 =	sne.s32 s2, s31  }
.Ltmp1:
0x19: {  	_ = 	snop;
	(pc) =	sbr.rel @!p0 .LBB2_9-.Ltmp1, $3  }
0x1a: {  	_ =	sdelay $0x1  }
0x1b: {  	[sflag:s1] =	ssyncset.done $0x0  }
0x1c: {  	[sflag:s1] =	ssyncadd.s32 $0xFFFFFF80  }
.LBB2_1:
0x1d: {  	[dreg:$0xa] =	wrdreg s2  }
0x1e: {  	s0 =	rddreg [dreg:$0x3]  }
0x1f: {  	[tilespmem:s7], [sflag:$0x3] =	stream.linear.gather [hbm4b:s0+s7], $0x200, $0x38;
	[tilespmem:$0x14280] =	vst v63  }
0x20: {  	s31 =	simm.s32 $0x0;
	_ =	swait.ge [sflag:s1], $0x200  }
0x21: {  	[dreg:$0xd] =	wrdreg s31;
	[sflag:s1] =	ssyncset.done $0x0  }
0x22: {  	s28 =	simm.s32 $0x200;
	s26 =	rddreg [dreg:$0x4];
	[sflag:s1] =	ssyncadd.s32 $0xFFFFFE00  }
0x23: {  	v1 =	vimm.f32 $0.0e+00;
	[tilespmem:s28], [sflag:$0x1] =	stream.linear.gather [hbm4b:s26+s7], $0x8000, $0x38;
	[tilespmem:$0x14280] =	vst v63  }
0x24: {  	s30 =	simm.s32 $0xA200;
	v3 =	vimm.f32 $0.0e+00;
	s29 =	rddreg [dreg:$0x5];
	[tilespmem:$0x1FFF0] =	vst v1  }
0x25: {  	v2 =	vimm.f32 $0.0e+00;
	v4 =	vimm.f32 $0.0e+00;
	v5 =	vimm.f32 $0.0e+00;
	[tilespmem:s30], [sflag:$0x2] =	stream.linear.gather [hbm4b:s29+s7], $0x8000, $0x38;
	[tilespmem:$0x14280] =	vst v63  }
.LBB2_2:
0x26: {  	s2 =	simm.s32 $0x1  }
0x27: {  	s18 =	simm.s32 $0x0;
	s0 =	simm.s32 $0x0;
	_ =	swait.ge [sflag:s2], $0x8000  }
0x28: {  	s0 =	sand.u32 $0x6000, s0;
	s1 =	sand.u32 $0x380, s18;
	[sflag:s2] =	ssyncset.done $0x0  }
0x29: {  	s0 =	sor.u32 s1, s0;
	[sflag:s2] =	ssyncadd.s32 $0xFFFF8000  }
0x2a: {  	v1 =	vld [tilespmem:s0+$0x1A60]  }
0x2b: {  	v30 =	vld [tilespmem:s0+$0x1A40]  }
0x2c: {  	v25 =	vld [tilespmem:s0+$0x1660]  }
0x2d: {  	v31 =	vld [tilespmem:s0+$0x1A00]  }
0x2e: {  	v26 =	vld [tilespmem:s0+$0x1A10]  }
0x2f: {  	v23 =	vld [tilespmem:s0+$0x1620]  }
0x30: {  	v24 =	vld [tilespmem:s0+$0x1640]  }
0x31: {  	v21 =	vld [tilespmem:s0+$0x1260]  }
0x32: {  	v22 =	vld [tilespmem:s0+$0x1600]  }
0x33: {  	v19 =	vld [tilespmem:s0+$0x1220]  }
0x34: {  	v20 =	vld [tilespmem:s0+$0x1240]  }
0x35: {  	v17 =	vld [tilespmem:s0+$0xE60]  }
0x36: {  	v18 =	vld [tilespmem:s0+$0x1200]  }
0x37: {  	v15 =	vld [tilespmem:s0+$0xE20]  }
0x38: {  	v16 =	vld [tilespmem:s0+$0xE40]  }
0x39: {  	v13 =	vld [tilespmem:s0+$0xA60]  }
0x3a: {  	v14 =	vld [tilespmem:s0+$0xE00]  }
0x3b: {  	v11 =	vld [tilespmem:s0+$0xA20]  }
0x3c: {  	v12 =	vld [tilespmem:s0+$0xA40]  }
0x3d: {  	v7 =	vld [tilespmem:s0+$0x660]  }
0x3e: {  	v9 =	vld [tilespmem:s0+$0xA00]  }
0x3f: {  	v6 =	vld [tilespmem:s0+$0x620]  }
0x40: {  	v8 =	vld [tilespmem:s0+$0x640]  }
0x41: {  	v32 =	vld [tilespmem:s0+$0x260]  }
0x42: {  	v33 =	vld [tilespmem:s0+$0x600]  }
0x43: {  	v34 =	vld [tilespmem:s0+$0x220]  }
0x44: {  	v35 =	vld [tilespmem:s0+$0x240]  }
0x45: {  	v36 =	vld [tilespmem:s0+$0x200]  }
0x46: {  	v37 =	vld [tilespmem:s0+$0x210]  }
0x47: {  	v38 =	vld [tilespmem:s0+$0x230]  }
0x48: {  	v39 =	vld [tilespmem:s0+$0x250]  }
0x49: {  	v40 =	vld [tilespmem:s0+$0x270]  }
0x4a: {  	v41 =	vld [tilespmem:s0+$0x610]  }
0x4b: {  	v42 =	vld [tilespmem:s0+$0x630]  }
0x4c: {  	v43 =	vld [tilespmem:s0+$0x650]  }
0x4d: {  	v44 =	vld [tilespmem:s0+$0x670]  }
0x4e: {  	v45 =	vld [tilespmem:s0+$0xA10]  }
0x4f: {  	v46 =	vld [tilespmem:s0+$0xA30]  }
0x50: {  	v47 =	vld [tilespmem:s0+$0xA50]  }
0x51: {  	v48 =	vld [tilespmem:s0+$0xA70]  }
0x52: {  	v49 =	vld [tilespmem:s0+$0xE10]  }
0x53: {  	v50 =	vld [tilespmem:s0+$0xE30]  }
0x54: {  	v51 =	vld [tilespmem:s0+$0xE50]  }
0x55: {  	v52 =	vld [tilespmem:s0+$0xE70]  }
0x56: {  	v53 =	vld [tilespmem:s0+$0x1210]  }
0x57: {  	v54 =	vld [tilespmem:s0+$0x1230]  }
0x58: {  	v55 =	vld [tilespmem:s0+$0x1250]  }
0x59: {  	v56 =	vld [tilespmem:s0+$0x1270]  }
0x5a: {  	v57 =	vld [tilespmem:s0+$0x1610]  }
0x5b: {  	v58 =	vld [tilespmem:s0+$0x1630]  }
0x5c: {  	s23 =	sand.u32 $0x7, s18;
	[tilespmem:$0x1FFE0] =	vst v1;
	v1 =	vld [tilespmem:s0+$0x1A20]  }
0x5d: {  	s1 =	sshll.u32 s23, $0x7;
	v59 =	vld [tilespmem:s0+$0x1650]  }
0x5e: {  	s1 =	sadd.s32 $0x0, s1;
	v60 =	vld [tilespmem:s0+$0x1670]  }
0x5f: {  	v61 =	vld [tilespmem:s0+$0x1A30];
	s24 =	sor.u32 $0x1C20, s1  }
0x60: {  	v29 =	vld [tilespmem:s24+$0x200]  }
0x61: {  	s25 =	sor.u32 $0x1C00, s1;
	[tilespmem:$0x1FFB0] =	vst v1;
	v1 =	vld [tilespmem:s0+$0x1A50]  }
0x62: {  	s26 =	sor.u32 $0x1C10, s1;
	v63 =	vld [tilespmem:s25+$0x200]  }
0x63: {  	s28 =	sor.u32 $0x1C60, s1;
	v28 =	vld [tilespmem:s26+$0x200]  }
0x64: {  	s3 =	simm.s32 $0x400;
	s29 =	sor.u32 $0x1C30, s1;
	v27 =	vld.msk [tilespmem:s28+$0x200], $0xff  }
0x65: {  	s30 =	simm.s32 $0x80;
	s31 =	sand.u32 $0x6000, s3;
	v10 =	vld [tilespmem:s29+$0x200]  }
0x66: {  	s4 =	sor.u32 $0x1C40, s1;
	s1 =	sor.u32 $0x1C50, s1;
	v5 =	vadd.f32 v36, v5;
	[tilespmem:$0x1FFC0] =	vst v1;
	v1 =	vld [tilespmem:s0+$0x1A70];
	s0 =	sand.u32 $0x380, s30  }
0x67: {  	v4 =	vadd.f32 v37, v4;
	v3 =	vadd.f32 v38, v3;
	v37 =	vld [tilespmem:s1+$0x200];
	s20 =	sor.u32 s0, s31  }
0x68: {  	v34 =	vadd.f32 v34, v2;
	v5 =	vadd.f32 v35, v5;
	v2 =	vld [tilespmem:s20+$0x1A60]  }
0x69: {  	v4 =	vadd.f32 v39, v4;
	v40 =	vadd.f32 v40, v3;
	v3 =	vld [tilespmem:s20+$0x1A20]  }
0x6a: {  	v32 =	vadd.f32 v32, v34;
	v33 =	vadd.f32 v33, v5;
	v5 =	vld [tilespmem:s20+$0x1A40]  }
0x6b: {  	v41 =	vadd.f32 v41, v4;
	v4 =	vld [tilespmem:s20+$0x1A50]  }
0x6c: {  	v32 =	vadd.f32 v6, v32;
	v33 =	vadd.f32 v8, v33;
	v6 =	vld [tilespmem:s20+$0x1A70]  }
0x6d: {  	v35 =	vadd.f32 v42, v40;
	v8 =	vld [tilespmem:s20+$0x1660]  }
0x6e: {  	v32 =	vadd.f32 v7, v32;
	v33 =	vadd.f32 v9, v33;
	v9 =	vld [tilespmem:s20+$0x1A00]  }
0x6f: {  	v34 =	vadd.f32 v43, v41;
	v7 =	vld [tilespmem:s20+$0x1A10]  }
0x70: {  	v35 =	vadd.f32 v44, v35;
	v32 =	vadd.f32 v11, v32;
	v11 =	vld [tilespmem:s20+$0x1620]  }
0x71: {  	v34 =	vadd.f32 v45, v34;
	v33 =	vadd.f32 v12, v33;
	v12 =	vld [tilespmem:s20+$0x1640]  }
0x72: {  	v35 =	vadd.f32 v46, v35;
	v32 =	vadd.f32 v13, v32;
	v13 =	vld [tilespmem:s20+$0x1260]  }
0x73: {  	v34 =	vadd.f32 v47, v34;
	v33 =	vadd.f32 v14, v33;
	v14 =	vld [tilespmem:s20+$0x1600]  }
0x74: {  	v35 =	vadd.f32 v48, v35;
	v32 =	vadd.f32 v15, v32;
	v15 =	vld [tilespmem:s20+$0x1220]  }
0x75: {  	v36 =	vld [tilespmem:s20+$0x640]  }
0x76: {  	v34 =	vadd.f32 v49, v34;
	v35 =	vadd.f32 v50, v35;
	v41 =	vld [tilespmem:s20+$0x260]  }
0x77: {  	v44 =	vld [tilespmem:s20+$0x600];
	v33 =	vadd.f32 v16, v33  }
0x78: {  	v34 =	vadd.f32 v51, v34;
	v35 =	vadd.f32 v52, v35;
	v16 =	vld [tilespmem:s20+$0x1240]  }
0x79: {  	v32 =	vadd.f32 v17, v32;
	v17 =	vld [tilespmem:s20+$0xE60]  }
0x7a: {  	v52 =	vld [tilespmem:s20+$0x220];
	v34 =	vadd.f32 v53, v34;
	v35 =	vadd.f32 v54, v35  }
0x7b: {  	[tilespmem:$0x1FFD0] =	vst v1;
	v1 =	vld [tilespmem:s4+$0x200];
	v33 =	vadd.f32 v18, v33  }
0x7c: {  	v18 =	vld [tilespmem:s20+$0x1200];
	v34 =	vadd.f32 v55, v34;
	v35 =	vadd.f32 v56, v35  }
0x7d: {  	v32 =	vadd.f32 v19, v32;
	v19 =	vld [tilespmem:s20+$0xE20];
	v33 =	vadd.f32 v20, v33  }
0x7e: {  	v53 =	vld [tilespmem:s20+$0x240];
	v34 =	vadd.f32 v57, v34;
	v35 =	vadd.f32 v58, v35  }
0x7f: {  	v32 =	vadd.f32 v21, v32;
	v33 =	vadd.f32 v22, v33;
	v58 =	vld [tilespmem:$0x1FFB0]  }
0x80: {  	v34 =	vadd.f32 v59, v34;
	v35 =	vadd.f32 v60, v35;
	v59 =	vld [tilespmem:$0x1FFC0]  }
0x81: {  	v32 =	vadd.f32 v23, v32;
	v33 =	vadd.f32 v24, v33;
	v60 =	vld [tilespmem:$0x1FFD0]  }
0x82: {  	v35 =	vadd.f32 v61, v35;
	v61 =	vld [tilespmem:$0x1FFE0]  }
0x83: {  	v20 =	vld [tilespmem:s20+$0xE40];
	v32 =	vadd.f32 v25, v32;
	v31 =	vadd.f32 v31, v33  }
0x84: {  	v21 =	vld [tilespmem:s20+$0xA60];
	v34 =	vadd.f32 v26, v34  }
0x85: {  	v22 =	vld [tilespmem:s20+$0xE00];
	v32 =	vadd.f32 v58, v32;
	v30 =	vadd.f32 v30, v31  }
0x86: {  	v23 =	vld [tilespmem:s20+$0xA20];
	v31 =	vadd.f32 v59, v34;
	v34 =	vadd.f32 v60, v35  }
0x87: {  	v27 =	vperm.xlane v27, v0;
	v24 =	vld [tilespmem:s20+$0xA40];
	v30 =	vadd.f32 v63, v30;
	v32 =	vadd.f32 v61, v32  }
0x88: {  	v25 =	vld [tilespmem:s20+$0x660];
	v28 =	vadd.f32 v28, v31;
	v10 =	vadd.f32 v10, v34  }
0x89: {  	v26 =	vld [tilespmem:s20+$0xA00];
	v38 =	vadd.f32 v1, v30;
	v1 =	vsel vm0, $0x0, v27;
	v35 =	vadd.f32 v29, v32  }
0x8a: {  	s2 =	simm.s32 $0x100;
	s1 =	simm.s32 $0xFFFF8400;
	s0 =	simm.s32 $0x0;
	v33 =	vld [tilespmem:s20+$0x620];
	v39 =	vadd.f32 v37, v28;
	v40 =	vadd.f32 v1, v10  }
.LBB2_3:
0x8b: {  	p0 =	sne.s32 s2, $0xF80;
	v1 =	vld [tilespmem:s20+$0x200]  }
0x8c: {  	v10 =	vld [tilespmem:s20+$0x210]  }
0x8d: {  	v27 =	vld [tilespmem:s20+$0x230]  }
0x8e: {  	v28 =	vld [tilespmem:s20+$0x250]  }
0x8f: {  	v29 =	vld [tilespmem:s20+$0x270]  }
0x90: {  	v30 =	vld [tilespmem:s20+$0x610]  }
0x91: {  	v1 =	vadd.f32 v1, v38;
	v31 =	vld [tilespmem:s20+$0x630]  }
0x92: {  	v10 =	vadd.f32 v10, v39;
	v27 =	vadd.f32 v27, v40;
	v32 =	vld [tilespmem:s20+$0x650]  }
0x93: {  	v34 =	vadd.f32 v52, v35;
	v1 =	vadd.f32 v53, v1;
	v35 =	vld [tilespmem:s20+$0x670]  }
0x94: {  	v10 =	vadd.f32 v28, v10;
	v27 =	vadd.f32 v29, v27;
	v28 =	vld [tilespmem:s20+$0xA10]  }
0x95: {  	v29 =	vadd.f32 v41, v34;
	v1 =	vadd.f32 v44, v1;
	v34 =	vld [tilespmem:s20+$0xA30]  }
0x96: {  	v10 =	vadd.f32 v30, v10;
	v27 =	vadd.f32 v31, v27;
	v30 =	vld [tilespmem:s20+$0xA50]  }
0x97: {  	v29 =	vadd.f32 v33, v29;
	v1 =	vadd.f32 v36, v1;
	v31 =	vld [tilespmem:s20+$0xA70]  }
0x98: {  	v10 =	vadd.f32 v32, v10;
	v27 =	vadd.f32 v35, v27;
	v32 =	vld [tilespmem:s20+$0xE10]  }
0x99: {  	v25 =	vadd.f32 v25, v29;
	v1 =	vadd.f32 v26, v1;
	v26 =	vld [tilespmem:s20+$0xE30]  }
0x9a: {  	v10 =	vadd.f32 v28, v10;
	v27 =	vadd.f32 v34, v27;
	v28 =	vld [tilespmem:s20+$0xE50]  }
0x9b: {  	v23 =	vadd.f32 v23, v25;
	v1 =	vadd.f32 v24, v1;
	v24 =	vld [tilespmem:s20+$0xE70]  }
0x9c: {  	v10 =	vadd.f32 v30, v10;
	v25 =	vadd.f32 v31, v27;
	v27 =	vld [tilespmem:s20+$0x1210]  }
0x9d: {  	v21 =	vadd.f32 v21, v23;
	v1 =	vadd.f32 v22, v1;
	v22 =	vld [tilespmem:s20+$0x1230]  }
0x9e: {  	v10 =	vadd.f32 v32, v10;
	v23 =	vadd.f32 v26, v25;
	v25 =	vld [tilespmem:s20+$0x1250]  }
0x9f: {  	v19 =	vadd.f32 v19, v21;
	v1 =	vadd.f32 v20, v1;
	v20 =	vld [tilespmem:s20+$0x1270]  }
0xa0: {  	s18 =	sadd.s32 $0x1, s18;
	v10 =	vadd.f32 v28, v10;
	v21 =	vadd.f32 v24, v23;
	v23 =	vld [tilespmem:s20+$0x1610]  }
0xa1: {  	s3 =	sand.u32 $0x7, s18;
	v17 =	vadd.f32 v17, v19;
	v1 =	vadd.f32 v18, v1;
	v18 =	vld [tilespmem:s20+$0x1630]  }
0xa2: {  	s0 =	sadd.s32 $0x400, s0;
	s3 =	sshll.u32 s3, $0x7;
	v10 =	vadd.f32 v27, v10;
	v19 =	vadd.f32 v22, v21;
	v21 =	vld [tilespmem:s20+$0x1650]  }
0xa3: {  	s3 =	sadd.s32 s3, s0;
	v15 =	vadd.f32 v15, v17;
	v1 =	vadd.f32 v16, v1;
	v16 =	vld [tilespmem:s20+$0x1670]  }
0xa4: {  	s4 =	sor.u32 $0x1C20, s3;
	v10 =	vadd.f32 v25, v10;
	v17 =	vadd.f32 v20, v19;
	v19 =	vld [tilespmem:s20+$0x1A30]  }
0xa5: {  	s5 =	sor.u32 $0x1C00, s3;
	v13 =	vadd.f32 v13, v15;
	v1 =	vadd.f32 v14, v1;
	v14 =	vld [tilespmem:s4+$0x200]  }
0xa6: {  	v10 =	vadd.f32 v23, v10;
	s4 =	sor.u32 $0x1C10, s3;
	v15 =	vadd.f32 v18, v17;
	v17 =	vld [tilespmem:s5+$0x200]  }
0xa7: {  	v11 =	vadd.f32 v11, v13;
	v1 =	vadd.f32 v12, v1;
	v12 =	vld [tilespmem:s4+$0x200];
	s4 =	sor.u32 $0x1C60, s3  }
0xa8: {  	s1 =	sadd.s32 $0x400, s1;
	s5 =	sor.u32 $0x1C30, s3;
	v10 =	vadd.f32 v21, v10;
	v13 =	vadd.f32 v16, v15;
	v15 =	vld.msk [tilespmem:s4+$0x200], $0xff  }
0xa9: {  	s4 =	sadd.s32 $0x8000, s1;
	v8 =	vadd.f32 v8, v11;
	v1 =	vadd.f32 v9, v1;
	v9 =	vld [tilespmem:s5+$0x200];
	s5 =	sor.u32 $0x1C40, s3  }
0xaa: {  	s6 =	sand.u32 $0x380, s2;
	s4 =	sand.u32 $0x6000, s4;
	v7 =	vadd.f32 v7, v10;
	s3 =	sor.u32 $0x1C50, s3;
	v10 =	vadd.f32 v19, v13;
	v11 =	vld [tilespmem:s5+$0x200]  }
0xab: {  	s20 =	sor.u32 s6, s4;
	v8 =	vadd.f32 v3, v8;
	v1 =	vadd.f32 v5, v1;
	v13 =	vld [tilespmem:s3+$0x200]  }
0xac: {  	v4 =	vadd.f32 v4, v7;
	v16 =	vld [tilespmem:s20+$0x1A60];
	v6 =	vadd.f32 v6, v10  }
0xad: {  	v2 =	vadd.f32 v2, v8;
	v1 =	vadd.f32 v17, v1;
	v3 =	vld [tilespmem:s20+$0x1A20];
	v7 =	vperm.xlane v15, v0  }
0xae: {  	v8 =	vadd.f32 v12, v4;
	v5 =	vld [tilespmem:s20+$0x1A40];
	v9 =	vadd.f32 v9, v6  }
0xaf: {  	v35 =	vadd.f32 v14, v2;
	v4 =	vld [tilespmem:s20+$0x1A50];
	v38 =	vadd.f32 v11, v1;
	v1 =	vsel vm0, $0x0, v7  }
0xb0: {  	v6 =	vld [tilespmem:s20+$0x1A70];
	v39 =	vadd.f32 v13, v8;
	v40 =	vadd.f32 v1, v9  }
0xb1: {  	v8 =	vld [tilespmem:s20+$0x1660];
	v2 =	vmov v16  }
0xb2: {  	v9 =	vld [tilespmem:s20+$0x1A00]  }
0xb3: {  	v7 =	vld [tilespmem:s20+$0x1A10]  }
0xb4: {  	v11 =	vld [tilespmem:s20+$0x1620]  }
0xb5: {  	v12 =	vld [tilespmem:s20+$0x1640]  }
0xb6: {  	v13 =	vld [tilespmem:s20+$0x1260]  }
0xb7: {  	v14 =	vld [tilespmem:s20+$0x1600]  }
0xb8: {  	v15 =	vld [tilespmem:s20+$0x1220]  }
0xb9: {  	v16 =	vld [tilespmem:s20+$0x1240]  }
0xba: {  	v17 =	vld [tilespmem:s20+$0xE60]  }
0xbb: {  	v18 =	vld [tilespmem:s20+$0x1200]  }
0xbc: {  	v19 =	vld [tilespmem:s20+$0xE20]  }
0xbd: {  	v20 =	vld [tilespmem:s20+$0xE40]  }
0xbe: {  	v21 =	vld [tilespmem:s20+$0xA60]  }
0xbf: {  	v22 =	vld [tilespmem:s20+$0xE00]  }
0xc0: {  	v23 =	vld [tilespmem:s20+$0xA20]  }
0xc1: {  	v24 =	vld [tilespmem:s20+$0xA40]  }
0xc2: {  	v25 =	vld [tilespmem:s20+$0x660]  }
0xc3: {  	v26 =	vld [tilespmem:s20+$0xA00]  }
0xc4: {  	v33 =	vld [tilespmem:s20+$0x620]  }
.Ltmp2:
0xc5: {  	v36 =	vld [tilespmem:s20+$0x640];
	(pc) =	sbr.rel @p0 .LBB2_3-.Ltmp2, $4  }
0xc6: {  	v41 =	vld [tilespmem:s20+$0x260]  }
0xc7: {  	v44 =	vld [tilespmem:s20+$0x600]  }
0xc8: {  	v52 =	vld [tilespmem:s20+$0x220]  }
0xc9: {  	s2 =	sadd.s32 $0x80, s2;
	v53 =	vld [tilespmem:s20+$0x240]  }
0xca: {  	v10 =	vld [tilespmem:s20+$0x210];
	_ =	sdelay $0x4  }
0xcb: {  	[tilespmem:$0x1FC60] =	vst v10;
	v10 =	vld [tilespmem:s20+$0x230];
	_ =	sdelay $0x4  }
0xcc: {  	[tilespmem:$0x1FC70] =	vst v10;
	v10 =	vld [tilespmem:s20+$0x250];
	_ =	sdelay $0x4  }
0xcd: {  	[tilespmem:$0x1FC80] =	vst v10;
	v10 =	vld [tilespmem:s20+$0x270]  }
0xce: {  	s30 =	rddreg [dreg:$0xd]  }
0xcf: {  	s1 =	sshll.u32 s30, $0x6  }
0xd0: {  	s7 =	sand.u32 $0x3FFFFFC0, s1  }
0xd1: {  	v1 =	vld [tilespmem:s7+$0x0]  }
0xd2: {  	[tilespmem:$0x1FC90] =	vst v10;
	v10 =	vld [tilespmem:s20+$0x610];
	_ =	sdelay $0x4  }
0xd3: {  	(v2sf) =	vpush v1, $0x0;
	[tilespmem:$0x1FCA0] =	vst v10;
	v10 =	vld [tilespmem:s20+$0x630];
	_ =	sdelay $0x1  }
0xd4: {  	(v2sf) =	vpush v1, $0x1  }
0xd5: {  	(v2sf) =	vpush v1, $0x2  }
0xd6: {  	(v2sf) =	vpush v1, $0x3  }
0xd7: {  	(v2sf) =	vpush v1, $0x4;
	[tilespmem:$0x1FCB0] =	vst v10;
	v10 =	vld [tilespmem:s20+$0x650]  }
0xd8: {  	(v2sf) =	vpush v1, $0x5;
	_ =	sdelay $0x3  }
0xd9: {  	[tilespmem:$0x1FCC0] =	vst v10;
	v10 =	vld [tilespmem:s20+$0x670];
	_ =	sdelay $0x1  }
0xda: {  	(v2sf) =	vpush v1, $0x6  }
0xdb: {  	(v2sf) =	vpush v1, $0x7  }
0xdc: {  	(v2sf) =	vpush v1, $0x8  }
0xdd: {  	s10 =	sadd.s32 $0x1, s18;
	s11 =	spop (v2sf);
	(v2sf) =	vpush v1, $0x9;
	[tilespmem:$0x1FCD0] =	vst v10;
	v10 =	vld [tilespmem:s20+$0xA10]  }
0xde: {  	s0 =	sadd.s32 $0x400, s0;
	s1 =	sand.u32 $0x7, s10;
	(v2sf) =	vpush v1, $0xA  }
0xdf: {  	s1 =	sshll.u32 s1, $0x7;
	s13 =	sshll.u32 s11, $0x3;
	s12 =	spop (v2sf);
	(v2sf) =	vpush v1, $0xB  }
0xe0: {  	s3 =	sadd.s32 s1, s0;
	s0 =	sand.u32 $0xFFFFFC00, s13;
	s13 =	spop (v2sf);
	(v2sf) =	vpush v1, $0xC  }
0xe1: {  	s18 =	spop (v2sf);
	(v2sf) =	vpush v1, $0xD  }
0xe2: {  	s17 =	spop (v2sf);
	(v2sf) =	vpush v1, $0xE;
	[tilespmem:$0x1FCE0] =	vst v10;
	v10 =	vld [tilespmem:s20+$0xA30]  }
0xe3: {  	s21 =	spop (v2sf);
	(v2sf) =	vpush v1, $0xF;
	v1 =	vld [tilespmem:s20+$0x1250];
	_ =	sdelay $0x3  }
0xe4: {  	[tilespmem:$0x1FCF0] =	vst v10;
	v10 =	vld [tilespmem:s20+$0xA50]  }
0xe5: {  	[tilespmem:$0x1FD80] =	vst v1;
	v1 =	vld [tilespmem:s20+$0x1270];
	_ =	sdelay $0x3  }
0xe6: {  	[tilespmem:$0x1FD00] =	vst v10;
	v10 =	vld [tilespmem:s20+$0xA70]  }
0xe7: {  	[tilespmem:$0x1FD90] =	vst v1;
	v1 =	vld [tilespmem:s20+$0x1610];
	_ =	sdelay $0x3  }
0xe8: {  	[tilespmem:$0x1FD10] =	vst v10;
	v10 =	vld [tilespmem:s20+$0xE10]  }
0xe9: {  	[tilespmem:$0x1FDA0] =	vst v1;
	v1 =	vld [tilespmem:s20+$0x1630];
	_ =	sdelay $0x3  }
0xea: {  	[tilespmem:$0x1FD20] =	vst v10;
	v10 =	vld [tilespmem:s20+$0xE30]  }
0xeb: {  	[tilespmem:$0x1FDC0] =	vst v1;
	v1 =	vld [tilespmem:s20+$0x1650];
	_ =	sdelay $0x3  }
0xec: {  	[tilespmem:$0x1FD30] =	vst v10;
	v10 =	vld [tilespmem:s20+$0xE50]  }
0xed: {  	[tilespmem:$0x1FDE0] =	vst v1;
	v1 =	vld [tilespmem:s20+$0x1670]  }
0xee: {  	[dreg:$0xc] =	wrdreg s7  }
0xef: {  	s2 =	sor.u32 $0x1C20, s3;
	[dreg:$0x14] =	wrdreg s11;
	s4 =	sshll.u32 s12, $0x3  }
0xf0: {  	s1 =	sand.u32 $0x70, s11;
	s5 =	sand.u32 $0x70, s12;
	s4 =	sand.u32 $0xFFFFFC00, s4  }
0xf1: {  	s8 =	sor.u32 s1, s0;
	s14 =	sshll.u32 s13, $0x3;
	s15 =	sand.u32 $0x70, s13;
	[tilespmem:$0x1FD40] =	vst v10;
	v10 =	vld [tilespmem:s20+$0xE70]  }
0xf2: {  	s6 =	sor.u32 s5, s4;
	s0 =	sand.u32 $0xFFFFFC00, s14;
	s16 =	sshll.u32 s18, $0x3;
	[tilespmem:$0x1FE00] =	vst v1;
	v1 =	vld [tilespmem:s20+$0x1A30]  }
0xf3: {  	s19 =	sand.u32 $0x70, s18;
	s9 =	sor.u32 s15, s0;
	[dreg:$0x15] =	wrdreg s17  }
0xf4: {  	s0 =	sand.u32 $0xFFFFFC00, s16;
	s22 =	sshll.u32 s17, $0x3;
	s10 =	sand.u32 $0x70, s17  }
0xf5: {  	s5 =	sand.u32 $0xFFFFFC00, s22;
	s22 =	sor.u32 s19, s0;
	s17 =	spop (v2sf)  }
0xf6: {  	s23 =	sshll.u32 s21, $0x3;
	s24 =	sand.u32 $0x70, s21;
	s19 =	spop (v2sf);
	[tilespmem:$0x1FD50] =	vst v10;
	v10 =	vld [tilespmem:s20+$0x1210]  }
0xf7: {  	s0 =	sand.u32 $0xFFFFFC00, s23;
	s28 =	sshll.u32 s19, $0x3;
	s14 =	spop (v2sf);
	[tilespmem:$0x1FE30] =	vst v1;
	v1 =	vld [tilespmem:s2+$0x200]  }
0xf8: {  	v47 =	vld [tilespmem:s7+$0x10];
	s29 =	sand.u32 $0x70, s19;
	s11 =	sand.u32 $0xFFFFFC00, s28;
	s7 =	spop (v2sf)  }
0xf9: {  	s23 =	sor.u32 s24, s0;
	s24 =	sor.u32 s29, s11;
	s11 =	sshll.u32 s7, $0x3  }
0xfa: {  	v57 =	vld [tilespmem:s20+$0x200];
	s15 =	sor.u32 s10, s5;
	s28 =	sand.u32 $0x70, s7;
	s10 =	sand.u32 $0xFFFFFC00, s11  }
0xfb: {  	[tilespmem:$0x1FD60] =	vst v10;
	v10 =	vld [tilespmem:s20+$0x1230];
	s20 =	sor.u32 s28, s10;
	s28 =	sor.u32 $0x1C00, s3  }
0xfc: {  	s25 =	sshll.u32 s17, $0x3;
	[tilespmem:$0x1FEB0] =	vst v1;
	v1 =	vld [tilespmem:s28+$0x200]  }
0xfd: {  	s26 =	sand.u32 $0x70, s17;
	s0 =	sand.u32 $0xFFFFFC00, s25  }
0xfe: {  	s25 =	sor.u32 s26, s0;
	s31 =	sshll.u32 s14, $0x3;
	s16 =	spop (v2sf)  }
0xff: {  	s1 =	sand.u32 $0x70, s14;
	s4 =	sand.u32 $0xFFFFFC00, s31;
	s29 =	sshll.u32 s16, $0x3  }
0x100: {  	s26 =	sor.u32 s1, s4;
	s4 =	sand.u32 $0xFFFFFC00, s29;
	s29 =	sor.u32 $0x1C10, s3  }
0x101: {  	[tilespmem:$0x1FE70] =	vst v1;
	v1 =	vld [tilespmem:s29+$0x200];
	_ =	sdelay $0x1  }
0x102: {  	(v2sf) =	vpush v47, $0x0;
	s0 =	spop (v2sf)  }
0x103: {  	s31 =	sshll.u32 s0, $0x3  }
0x104: {  	s5 =	sand.u32 $0xFFFFFC00, s31;
	s31 =	sor.u32 $0x1C60, s3  }
0x105: {  	(v2sf) =	vpush v47, $0x1;
	[tilespmem:$0x1FE80] =	vst v1;
	v1 =	vld.msk [tilespmem:s31+$0x200], $0xff;
	_ =	sdelay $0x1  }
0x106: {  	(v2sf) =	vpush v47, $0x2;
	_ =	sdelay $0x1  }
0x107: {  	(v2sf) =	vpush v47, $0x3;
	[dreg:$0xf] =	wrdreg s0;
	s28 =	sand.u32 $0x70, s0;
	s0 =	sor.u32 $0x1C30, s3  }
0x108: {  	s1 =	sor.u32 $0x1C40, s3;
	(v2sf) =	vpush v47, $0x4;
	[tilespmem:$0x1FED0] =	vst v1;
	v1 =	vld [tilespmem:s0+$0x200]  }
0x109: {  	[dreg:$0x13] =	wrdreg s16;
	s16 =	sand.u32 $0x70, s16;
	s2 =	spop (v2sf)  }
0x10a: {  	[dreg:$0x12] =	wrdreg s2;
	s28 =	sor.u32 s28, s5;
	s5 =	spop (v2sf)  }
0x10b: {  	s10 =	smov.u32 s30;
	s29 =	sor.u32 s16, s4;
	s16 =	spop (v2sf)  }
0x10c: {  	v28 =	vld [tilespmem:s8+$0x200];
	[dreg:$0x11] =	wrdreg s5;
	s4 =	sshll.u32 s2, $0x3;
	s8 =	spop (v2sf)  }
0x10d: {  	(v2sf) =	vpush v47, $0x5;
	s31 =	sand.u32 $0xFFFFFC00, s4;
	s0 =	sshll.u32 s16, $0x3;
	[tilespmem:$0x1FEA0] =	vst v1;
	v1 =	vld [tilespmem:s1+$0x200];
	s1 =	sand.u32 $0x70, s2  }
0x10e: {  	s2 =	sshll.u32 s5, $0x3;
	s5 =	sand.u32 $0x70, s5;
	s31 =	sor.u32 s1, s31  }
0x10f: {  	v31 =	vld [tilespmem:s6+$0x280];
	s4 =	sand.u32 $0xFFFFFC00, s2;
	s1 =	sand.u32 $0xFFFFFC00, s0;
	s0 =	spop (v2sf)  }
0x110: {  	v34 =	vld [tilespmem:s9+$0x300];
	s3 =	sor.u32 $0x1C50, s3;
	s2 =	sor.u32 s5, s4;
	[dreg:$0x10] =	wrdreg s0  }
0x111: {  	v37 =	vld [tilespmem:s22+$0x380];
	(v2sf) =	vpush v47, $0x6;
	s4 =	sand.u32 $0x70, s16;
	s5 =	sshll.u32 s8, $0x3;
	s11 =	sshll.u32 s0, $0x3  }
0x112: {  	v42 =	vld [tilespmem:s15+$0x400];
	(v2sf) =	vpush v47, $0x7;
	s9 =	spop (v2sf);
	s6 =	sor.u32 s4, s1;
	s1 =	sand.u32 $0xFFFFFC00, s5  }
0x113: {  	v43 =	vld [tilespmem:s23+$0x480];
	(v2sf) =	vpush v47, $0x8;
	s4 =	sand.u32 $0xFFFFFC00, s11;
	s5 =	sand.u32 $0x70, s8;
	s11 =	sand.u32 $0x70, s0  }
0x114: {  	v45 =	vld [tilespmem:s25+$0x500];
	(v2sf) =	vpush v47, $0x9;
	s15 =	sshll.u32 s9, $0x3;
	s23 =	spop (v2sf);
	s22 =	sand.u32 $0x70, s9  }
0x115: {  	v48 =	vld [tilespmem:s26+$0x2200];
	(v2sf) =	vpush v47, $0xA;
	s1 =	sor.u32 s5, s1;
	s30 =	sor.u32 s11, s4;
	s25 =	sshll.u32 s23, $0x3  }
0x116: {  	(v2sf) =	vpush v47, $0xB;
	s26 =	sand.u32 $0x70, s23;
	[tilespmem:$0x1FEE0] =	vst v1;
	v1 =	vld [tilespmem:s3+$0x200];
	s3 =	sand.u32 $0xFFFFFC00, s15;
	s15 =	spop (v2sf)  }
0x117: {  	v46 =	vld [tilespmem:s24+$0x580];
	(v2sf) =	vpush v47, $0xC;
	s24 =	sor.u32 s22, s3;
	s3 =	sand.u32 $0xFFFFFC00, s25;
	s11 =	spop (v2sf)  }
0x118: {  	v49 =	vld [tilespmem:s20+$0x2280];
	(v2sf) =	vpush v47, $0xD;
	s0 =	sshll.u32 s15, $0x3;
	s20 =	sor.u32 s26, s3;
	s5 =	sshll.u32 s11, $0x3  }
0x119: {  	(v2sf) =	vpush v47, $0xE;
	s25 =	sand.u32 $0xFFFFFC00, s0;
	s3 =	sand.u32 $0x70, s11;
	s0 =	sand.u32 $0xFFFFFC00, s5  }
0x11a: {  	(v2sf) =	vpush v47, $0xF;
	v47 =	vld [tilespmem:s2+$0x2480];
	s2 =	sor.u32 s3, s0  }
0x11b: {  	[tilespmem:$0x1FF00] =	vst v1;
	v1 =	vld [tilespmem:s2+$0x4400]  }
0x11c: {  	s4 =	sand.u32 $0x70, s15;
	s22 =	spop (v2sf)  }
0x11d: {  	s25 =	sor.u32 s4, s25;
	s4 =	sshll.u32 s22, $0x3  }
0x11e: {  	s3 =	sand.u32 $0xFFFFFC00, s4;
	s4 =	sand.u32 $0x70, s22  }
0x11f: {  	v56 =	vld [tilespmem:s1+$0x2580];
	s1 =	sor.u32 s4, s3  }
0x120: {  	[tilespmem:$0x1FDB0] =	vst v1;
	v1 =	vld [tilespmem:s1+$0x4480]  }
0x121: {  	v50 =	vld [tilespmem:s29+$0x2300];
	s29 =	spop (v2sf)  }
0x122: {  	s5 =	sshll.u32 s29, $0x3  }
0x123: {  	s0 =	sand.u32 $0xFFFFFC00, s5;
	s5 =	sand.u32 $0x70, s29  }
0x124: {  	s3 =	sor.u32 s5, s0  }
0x125: {  	[tilespmem:$0x1FDD0] =	vst v1;
	v1 =	vld [tilespmem:s3+$0x4500]  }
0x126: {  	v55 =	vld [tilespmem:s6+$0x2500];
	s6 =	spop (v2sf)  }
0x127: {  	v51 =	vld [tilespmem:s28+$0x2380];
	s28 =	sshll.u32 s6, $0x3  }
0x128: {  	v58 =	vld [tilespmem:s30+$0x4200];
	s30 =	sand.u32 $0x70, s6;
	s26 =	sand.u32 $0xFFFFFC00, s28  }
0x129: {  	v60 =	vld [tilespmem:s24+$0x4280];
	s24 =	sor.u32 s30, s26  }
0x12a: {  	[tilespmem:$0x1FDF0] =	vst v1;
	v1 =	vld [tilespmem:s24+$0x4580]  }
0x12b: {  	v54 =	vld [tilespmem:s31+$0x2400];
	s31 =	spop (v2sf)  }
0x12c: {  	s0 =	sshll.u32 s31, $0x3  }
0x12d: {  	s5 =	sand.u32 $0x70, s31;
	s4 =	sand.u32 $0xFFFFFC00, s0  }
0x12e: {  	v61 =	vld [tilespmem:s20+$0x4300];
	s20 =	sor.u32 s5, s4  }
0x12f: {  	[tilespmem:$0x1FE10] =	vst v1;
	v1 =	vld [tilespmem:s20+$0x6200]  }
0x130: {  	s26 =	spop (v2sf)  }
0x131: {  	s0 =	sshll.u32 s26, $0x3  }
0x132: {  	s4 =	sand.u32 $0x70, s26;
	s30 =	sand.u32 $0xFFFFFC00, s0  }
0x133: {  	s4 =	sor.u32 s4, s30  }
0x134: {  	[tilespmem:$0x1FE20] =	vst v1;
	v1 =	vld [tilespmem:s4+$0x6280]  }
0x135: {  	s28 =	spop (v2sf)  }
0x136: {  	s5 =	sshll.u32 s28, $0x3  }
0x137: {  	s2 =	sand.u32 $0xFFFFFC00, s5;
	s5 =	sand.u32 $0x70, s28  }
0x138: {  	s5 =	sor.u32 s5, s2  }
0x139: {  	[tilespmem:$0x1FE40] =	vst v1;
	v1 =	vld [tilespmem:s5+$0x6300]  }
0x13a: {  	v63 =	vld [tilespmem:s25+$0x4380];
	s25 =	spop (v2sf)  }
0x13b: {  	s30 =	sshll.u32 s25, $0x3  }
0x13c: {  	s3 =	sand.u32 $0xFFFFFC00, s30;
	s20 =	sand.u32 $0x70, s25  }
0x13d: {  	s20 =	sor.u32 s20, s3  }
0x13e: {  	[tilespmem:$0x1FE50] =	vst v1;
	v1 =	vld [tilespmem:s20+$0x6380]  }
0x13f: {  	s0 =	spop (v2sf)  }
0x140: {  	s1 =	sshll.u32 s0, $0x3  }
0x141: {  	s2 =	sand.u32 $0x70, s0;
	s1 =	sand.u32 $0xFFFFFC00, s1  }
0x142: {  	[dreg:$0xe] =	wrdreg s0;
	s0 =	sor.u32 s2, s1  }
0x143: {  	[tilespmem:$0x1FE60] =	vst v1;
	v1 =	vld [tilespmem:s0+$0x6400]  }
0x144: {  	s24 =	spop (v2sf)  }
0x145: {  	s1 =	sshll.u32 s24, $0x3  }
0x146: {  	s4 =	sand.u32 $0xFFFFFC00, s1;
	s5 =	sand.u32 $0x70, s24  }
0x147: {  	s1 =	sor.u32 s5, s4  }
0x148: {  	[tilespmem:$0x1FE90] =	vst v1;
	v1 =	vld [tilespmem:s1+$0x6480]  }
0x149: {  	s30 =	spop (v2sf)  }
0x14a: {  	s20 =	sshll.u32 s30, $0x3  }
0x14b: {  	s4 =	sand.u32 $0x70, s30;
	s3 =	sand.u32 $0xFFFFFC00, s20  }
0x14c: {  	s0 =	sor.u32 s4, s3  }
0x14d: {  	[tilespmem:$0x1FEC0] =	vst v1;
	v1 =	vld [tilespmem:s0+$0x6500]  }
0x14e: {  	s5 =	spop (v2sf)  }
0x14f: {  	s20 =	sshll.u32 s5, $0x3  }
0x150: {  	s2 =	sand.u32 $0xFFFFFC00, s20;
	s3 =	sand.u32 $0x70, s5  }
0x151: {  	s4 =	sor.u32 s3, s2  }
0x152: {  	[tilespmem:$0x1FEF0] =	vst v1;
	v1 =	vld [tilespmem:s4+$0x6580]  }
0x153: {  	p0 =	seq.s32 s10, $0x7  }
0x154: {  	s2 =	simm.s32 @!p0 $0x200;
	s1 =	sshll.u32 s10, $0xD;
	s0 =	rddreg [dreg:$0x6]  }
0x155: {  	[tilespmem:$0x1FD70] =	vst v10;
	[dreg:$0xb] =	wrdreg s1;
	s0 =	sadd.s32 @!p0 s1, s0;
	s1 =	simm.s32 @!p0 $0x0  }
0x156: {  	[tilespmem:s2], [sflag:$0x1] =	stream.linear.gather @!p0 [hbm4b:s0+s1], $0x8000, $0x38;
	[tilespmem:$0x14280] =	vst v63  }
0x157: {  	[dreg:$0xd] =	wrdreg s10;
	s4 =	simm.s32 $0x2;
	[tilespmem:$0x1FF10] =	vst v1  }
0x158: {  	s10 =	rddreg [dreg:$0x14];
	_ =	swait.ge [sflag:s4], $0x8000  }
0x159: {  	v30 =	vld [tilespmem:$0x1FFF0]  }
0x15a: {  	s12 =	sand.u32 $0xF, s12;
	s20 =	simm.s32 $0x0;
	s0 =	sand.u32 $0xF, s10  }
0x15b: {  	s2 =	sand.u32 $0xF, s13;
	s13 =	sand.u32 $0xF, s18;
	s18 =	simm.s32 $0x0;
	v1 =	vmov s0  }
0x15c: {  	v10 =	vmov s12;
	s12 =	sand.u32 $0x380, s20;
	s10 =	sand.u32 $0x6000, s18;
	v27 =	vmov s13;
	vm1 =	veq.s32 v1, v62;
	[sflag:s4] =	ssyncset.done $0x0  }
0x15d: {  	s12 =	sor.u32 s12, s10;
	v1 =	vmov s2;
	v28 =	vnsel vm1, $0x0, v28;
	s18 =	rddreg [dreg:$0x15];
	vm1 =	veq.s32 v10, v62;
	[sflag:s4] =	ssyncadd.s32 $0xFFFF8000  }
0x15e: {  	s0 =	sand.u32 $0xF, s18;
	v31 =	vnsel vm1, $0x0, v31;
	vm1 =	veq.s32 v1, v62;
	v59 =	vld [tilespmem:s12+$0xBA40];
	v28 =	vadd.f32 v28, v30  }
0x15f: {  	v29 =	vmov s0;
	v34 =	vnsel vm1, $0x0, v34;
	vm1 =	veq.s32 v27, v62;
	v27 =	vld [tilespmem:s12+$0xBA50]  }
0x160: {  	v37 =	vnsel vm1, $0x0, v37;
	vm1 =	veq.s32 v29, v62;
	v29 =	vld [tilespmem:s12+$0xB660];
	v28 =	vadd.f32 v28, v31;
	_ =	sdelay $0x1  }
0x161: {  	v28 =	vadd.f32 v28, v34  }
0x162: {  	v57 =	vadd.f32 v57, v38;
	v32 =	vld [tilespmem:s12+$0xBA60];
	[tilespmem:$0x1FF70] =	vst v59  }
0x163: {  	s1 =	sand.u32 $0xF, s21;
	v1 =	vld [tilespmem:s12+$0xBA20];
	[tilespmem:$0x1FF80] =	vst v27;
	v28 =	vadd.f32 v28, v37  }
0x164: {  	v10 =	vmov s1;
	v27 =	vld [tilespmem:$0x1FC60];
	v59 =	vnsel vm1, $0x0, v42;
	[tilespmem:$0x1FF30] =	vst v29;
	v29 =	vadd.f32 v53, v57  }
0x165: {  	v35 =	vadd.f32 v52, v35;
	s2 =	sand.u32 $0xF, s17;
	vm1 =	veq.s32 v10, v62;
	v10 =	vld [tilespmem:s12+$0xBA10];
	v28 =	vadd.f32 v28, v59  }
0x166: {  	s3 =	sand.u32 $0xF, s19;
	v30 =	vmov s2;
	v57 =	vld [tilespmem:$0x1FC80];
	v29 =	vadd.f32 v44, v29;
	v44 =	vnsel vm1, $0x0, v43  }
0x167: {  	s10 =	sand.u32 $0xF, s7;
	s4 =	sand.u32 $0xF, s14;
	[tilespmem:$0x1FFA0] =	vst v32;
	v32 =	vmov s3;
	vm1 =	veq.s32 v30, v62;
	v28 =	vadd.f32 v28, v44  }
0x168: {  	[tilespmem:$0x1FF60] =	vst v1;
	v1 =	vmov s4;
	v31 =	vmov s10;
	v59 =	vnsel vm1, $0x0, v45  }
0x169: {  	v27 =	vadd.f32 v27, v39;
	vm1 =	veq.s32 v32, v62;
	v28 =	vadd.f32 v28, v59  }
0x16a: {  	v39 =	vld [tilespmem:$0x1FC70];
	[tilespmem:$0x1FF50] =	vst v10;
	v10 =	vadd.f32 v41, v35;
	v29 =	vadd.f32 v36, v29;
	v38 =	vnsel vm1, $0x0, v46  }
0x16b: {  	s13 =	rddreg [dreg:$0x13];
	v27 =	vadd.f32 v57, v27;
	v57 =	vld [tilespmem:$0x1FCA0];
	vm1 =	veq.s32 v1, v62;
	v28 =	vadd.f32 v28, v38  }
0x16c: {  	s14 =	rddreg [dreg:$0xf];
	s0 =	sand.u32 $0xF, s13;
	v42 =	vld [tilespmem:$0x1FC90];
	v10 =	vadd.f32 v33, v10;
	v1 =	vadd.f32 v26, v29;
	v29 =	vnsel vm1, $0x0, v48  }
0x16d: {  	v36 =	vld [tilespmem:$0x1FCC0];
	vm1 =	veq.s32 v31, v62;
	v31 =	vmov s0;
	s0 =	sand.u32 $0xF, s14;
	v28 =	vadd.f32 v28, v29  }
0x16e: {  	s17 =	rddreg [dreg:$0x12];
	v30 =	vld [tilespmem:$0x1FCB0];
	v10 =	vadd.f32 v25, v10;
	v45 =	vmov s0;
	v29 =	vnsel vm1, $0x0, v49  }
0x16f: {  	v25 =	vld [tilespmem:$0x1FCE0];
	s0 =	sand.u32 $0xF, s17;
	v34 =	vadd.f32 v39, v40;
	vm1 =	veq.s32 v31, v62;
	v28 =	vadd.f32 v28, v29  }
0x170: {  	v48 =	vmov s0;
	v27 =	vadd.f32 v57, v27;
	v31 =	vnsel vm1, $0x0, v50  }
0x171: {  	v10 =	vadd.f32 v23, v10;
	v23 =	vld [tilespmem:$0x1FD00];
	vm1 =	veq.s32 v45, v62;
	v28 =	vadd.f32 v28, v31  }
0x172: {  	v37 =	vld [tilespmem:$0x1FCD0];
	v34 =	vadd.f32 v42, v34;
	v27 =	vadd.f32 v36, v27;
	v31 =	vnsel vm1, $0x0, v51  }
0x173: {  	v10 =	vadd.f32 v21, v10;
	v21 =	vld [tilespmem:$0x1FD20];
	vm1 =	veq.s32 v48, v62;
	v28 =	vadd.f32 v28, v31  }
0x174: {  	v30 =	vadd.f32 v30, v34;
	v27 =	vadd.f32 v25, v27;
	v25 =	vld [tilespmem:$0x1FCF0];
	v31 =	vnsel vm1, $0x0, v54  }
0x175: {  	v28 =	vadd.f32 v28, v31;
	v31 =	vadd.f32 v19, v10;
	v10 =	vld [tilespmem:$0x1FD40]  }
0x176: {  	v27 =	vadd.f32 v23, v27;
	v23 =	vld [tilespmem:$0x1FD10]  }
0x177: {  	v30 =	vadd.f32 v37, v30  }
0x178: {  	v27 =	vadd.f32 v21, v27;
	v21 =	vld [tilespmem:$0x1FD30]  }
0x179: {  	v30 =	vadd.f32 v25, v30  }
0x17a: {  	v51 =	vadd.f32 v10, v27;
	v10 =	vld [tilespmem:$0x1FD50]  }
0x17b: {  	v46 =	vadd.f32 v23, v30;
	_ =	sdelay $0x1  }
0x17c: {  	v1 =	vadd.f32 v24, v1;
	v34 =	vadd.f32 v21, v46  }
0x17d: {  	v23 =	vld [tilespmem:$0x1FD70]  }
0x17e: {  	v1 =	vadd.f32 v22, v1;
	v34 =	vadd.f32 v10, v34;
	v10 =	vld [tilespmem:$0x1FD60];
	_ =	sdelay $0x1  }
0x17f: {  	v1 =	vadd.f32 v20, v1  }
0x180: {  	s18 =	rddreg [dreg:$0x11]  }
0x181: {  	s0 =	sand.u32 $0xF, s18;
	v1 =	vadd.f32 v18, v1  }
0x182: {  	s19 =	sand.u32 $0xF, s16;
	v49 =	vmov s0;
	v48 =	vadd.f32 v10, v51;
	v51 =	vadd.f32 v23, v34;
	v23 =	vld [tilespmem:$0x1FD90]  }
0x183: {  	s21 =	sand.u32 $0xF, s8;
	s1 =	rddreg [dreg:$0x10];
	v50 =	vmov s19;
	vm1 =	veq.s32 v49, v62  }
0x184: {  	s0 =	sand.u32 $0xF, s1;
	v1 =	vadd.f32 v16, v1;
	v54 =	vmov s21;
	v19 =	vnsel vm1, $0x0, v47  }
0x185: {  	v16 =	vld [tilespmem:$0x1FD80];
	vm1 =	veq.s32 v50, v62;
	v47 =	vmov s0;
	v20 =	vadd.f32 v28, v19  }
0x186: {  	v28 =	vnsel vm1, $0x0, v55;
	vm1 =	veq.s32 v54, v62;
	v55 =	vadd.f32 v17, v31  }
0x187: {  	s2 =	sand.u32 $0xF, s9;
	s4 =	sand.u32 $0xF, s15;
	v31 =	vnsel vm1, $0x0, v56;
	vm1 =	veq.s32 v47, v62;
	v45 =	vadd.f32 v23, v51;
	v23 =	vld [tilespmem:$0x1FDA0]  }
0x188: {  	s3 =	sand.u32 $0xF, s23;
	v50 =	vmov s2;
	v56 =	vmov s4;
	v49 =	vnsel vm1, $0x0, v58  }
0x189: {  	vm1 =	veq.s32 v50, v62;
	v54 =	vadd.f32 v15, v55;
	v55 =	vmov s3  }
0x18a: {  	v15 =	vnsel vm1, $0x0, v60;
	vm1 =	veq.s32 v55, v62;
	v42 =	vadd.f32 v16, v48  }
0x18b: {  	v37 =	vnsel vm1, $0x0, v61;
	vm1 =	veq.s32 v56, v62  }
0x18c: {  	v60 =	vnsel vm1, $0x0, v63;
	v63 =	vadd.f32 v23, v42;
	v23 =	vld [tilespmem:$0x1FDB0];
	_ =	sdelay $0x1  }
0x18d: {  	s7 =	sand.u32 $0xF, s11  }
0x18e: {  	v61 =	vmov s7  }
0x18f: {  	vm1 =	veq.s32 v61, v62  }
0x190: {  	v33 =	vnsel vm1, $0x0, v23;
	v23 =	vld [tilespmem:$0x1FDC0];
	_ =	sdelay $0x2  }
0x191: {  	v20 =	vadd.f32 v20, v28;
	_ =	sdelay $0x1  }
0x192: {  	v20 =	vadd.f32 v20, v31;
	v55 =	vadd.f32 v23, v45;
	v23 =	vld [tilespmem:$0x1FDE0]  }
0x193: {  	v52 =	vld [tilespmem:s12+$0xB620]  }
0x194: {  	v53 =	vld [tilespmem:s12+$0xB260];
	v58 =	vadd.f32 v13, v54;
	v20 =	vadd.f32 v49, v20  }
0x195: {  	v43 =	vld [tilespmem:s12+$0xAA10]  }
0x196: {  	v56 =	vadd.f32 v11, v58;
	v11 =	vld [tilespmem:$0x1FDD0];
	v20 =	vadd.f32 v20, v15  }
0x197: {  	v47 =	vadd.f32 v23, v63;
	v23 =	vld [tilespmem:$0x1FDF0]  }
0x198: {  	s8 =	sand.u32 $0xF, s22;
	v41 =	vld [tilespmem:s12+$0xB600];
	v20 =	vadd.f32 v20, v37  }
0x199: {  	s9 =	sand.u32 $0xF, s29;
	v35 =	vld [tilespmem:s12+$0xAE20];
	v54 =	vmov s8  }
0x19a: {  	v32 =	vld [tilespmem:s12+$0xA210];
	v20 =	vadd.f32 v20, v60;
	v60 =	vmov s9;
	vm1 =	veq.s32 v54, v62  }
0x19b: {  	v26 =	vld [tilespmem:s12+$0xAE40];
	v58 =	vnsel vm1, $0x0, v11;
	vm1 =	veq.s32 v60, v62  }
0x19c: {  	v46 =	vnsel vm1, $0x0, v23;
	v23 =	vld [tilespmem:$0x1FE00]  }
0x19d: {  	v44 =	vld [tilespmem:s12+$0xB640]  }
0x19e: {  	v24 =	vld [tilespmem:s12+$0xAA20]  }
0x19f: {  	v40 =	vld [tilespmem:s12+$0xBA70]  }
0x1a0: {  	v39 =	vld [tilespmem:s12+$0xB240]  }
0x1a1: {  	v20 =	vadd.f32 v20, v33;
	v49 =	vadd.f32 v23, v55;
	v23 =	vld [tilespmem:$0x1FE10]  }
0x1a2: {  	v59 =	vld [tilespmem:s12+$0xAA00];
	v1 =	vadd.f32 v14, v1  }
0x1a3: {  	s10 =	sand.u32 $0xF, s6;
	v22 =	vld [tilespmem:s12+$0xAA40];
	v20 =	vadd.f32 v20, v58  }
0x1a4: {  	v38 =	vld [tilespmem:s12+$0xAE60];
	v1 =	vadd.f32 v12, v1;
	v61 =	vmov s10  }
0x1a5: {  	v57 =	vld [tilespmem:s12+$0xA660];
	vm1 =	veq.s32 v61, v62;
	v20 =	vadd.f32 v20, v46  }
0x1a6: {  	v36 =	vld [tilespmem:s12+$0xB200];
	v1 =	vadd.f32 v9, v1;
	v63 =	vnsel vm1, $0x0, v23  }
0x1a7: {  	v8 =	vadd.f32 v8, v56;
	v9 =	vadd.f32 v20, v63;
	v20 =	vld [tilespmem:$0x1FE20]  }
0x1a8: {  	[tilespmem:$0x1FF90] =	vst v40;
	v40 =	vld [tilespmem:s12+$0xBA00]  }
0x1a9: {  	s11 =	sand.u32 $0xF, s31;
	v3 =	vadd.f32 v3, v8;
	v8 =	vld [tilespmem:$0x1FE40];
	v7 =	vadd.f32 v7, v47  }
0x1aa: {  	v18 =	vld [tilespmem:s12+$0xA240];
	v33 =	vmov s11  }
0x1ab: {  	s13 =	sand.u32 $0xF, s26;
	v4 =	vadd.f32 v4, v7;
	v7 =	vld [tilespmem:$0x1FE50];
	vm1 =	veq.s32 v33, v62  }
0x1ac: {  	v29 =	vld [tilespmem:s12+$0xAA60];
	v54 =	vmov s13;
	v20 =	vnsel vm1, $0x0, v20  }
0x1ad: {  	s14 =	sand.u32 $0xF, s28;
	v2 =	vadd.f32 v2, v3;
	v3 =	vld [tilespmem:$0x1FE60];
	vm1 =	veq.s32 v54, v62;
	v9 =	vadd.f32 v9, v20  }
0x1ae: {  	s17 =	sand.u32 $0x7, s20;
	v14 =	vld [tilespmem:s12+$0xA650];
	v8 =	vnsel vm1, $0x0, v8;
	v20 =	vmov s14  }
0x1af: {  	s15 =	sand.u32 $0xF, s25;
	s1 =	sshll.u32 s17, $0x7;
	[tilespmem:$0x1FF40] =	vst v40;
	v40 =	vld [tilespmem:s12+$0xB220];
	v1 =	vadd.f32 v5, v1;
	vm1 =	veq.s32 v20, v62;
	v5 =	vadd.f32 v9, v8  }
0x1b0: {  	s1 =	sadd.s32 $0x0, s1;
	v25 =	vld [tilespmem:s12+$0xAE00];
	v7 =	vnsel vm1, $0x0, v7;
	v8 =	vmov s15  }
0x1b1: {  	s18 =	sand.u32 $0xF, s24;
	s24 =	sor.u32 $0x1C10, s1;
	v12 =	vld [tilespmem:s12+$0xAA50];
	vm1 =	veq.s32 v8, v62;
	v5 =	vadd.f32 v5, v7  }
0x1b2: {  	v30 =	vld [tilespmem:s24+$0xA200];
	v3 =	vnsel vm1, $0x0, v3  }
0x1b3: {  	v3 =	vadd.f32 v5, v3;
	v5 =	vld [tilespmem:$0x1FE80]  }
0x1b4: {  	v19 =	vld [tilespmem:s12+$0xA640]  }
0x1b5: {  	v17 =	vld [tilespmem:s12+$0xA220]  }
0x1b6: {  	v21 =	vld [tilespmem:s12+$0xA620]  }
0x1b7: {  	v28 =	vld [tilespmem:s12+$0xA600]  }
0x1b8: {  	v4 =	vadd.f32 v5, v4;
	v5 =	vld [tilespmem:$0x1FE90]  }
0x1b9: {  	s16 =	rddreg [dreg:$0xe];
	v50 =	vld [tilespmem:s12+$0xAE70]  }
0x1ba: {  	s0 =	sand.u32 $0xF, s16;
	v27 =	vld [tilespmem:s12+$0xA260]  }
0x1bb: {  	s22 =	sor.u32 $0x1C00, s1;
	v13 =	vld [tilespmem:s12+$0xA630];
	v7 =	vmov s0  }
0x1bc: {  	v31 =	vld [tilespmem:s22+$0xA200];
	vm1 =	veq.s32 v7, v62  }
0x1bd: {  	v15 =	vld [tilespmem:s12+$0xA250];
	v5 =	vnsel vm1, $0x0, v5  }
0x1be: {  	v3 =	vadd.f32 v3, v5;
	v5 =	vld [tilespmem:$0x1FEB0]  }
0x1bf: {  	v56 =	vld [tilespmem:s12+$0xB270]  }
0x1c0: {  	v37 =	vld [tilespmem:s12+$0xA610]  }
0x1c1: {  	v10 =	vld [tilespmem:s12+$0xA200]  }
0x1c2: {  	v34 =	vld [tilespmem:s12+$0xA230]  }
0x1c3: {  	v2 =	vadd.f32 v5, v2;
	v5 =	vld [tilespmem:$0x1FEC0]  }
0x1c4: {  	v16 =	vld [tilespmem:s12+$0xA270]  }
0x1c5: {  	v48 =	vld [tilespmem:s12+$0xAE50]  }
0x1c6: {  	s19 =	sand.u32 $0xF, s30;
	v8 =	vld [tilespmem:$0x1FE70];
	v7 =	vmov s18  }
0x1c7: {  	v51 =	vld [tilespmem:s12+$0xAE30];
	vm1 =	veq.s32 v7, v62;
	v7 =	vmov s19  }
0x1c8: {  	v5 =	vnsel vm1, $0x0, v5;
	vm1 =	veq.s32 v7, v62;
	v7 =	vld [tilespmem:$0x1FEE0]  }
0x1c9: {  	v42 =	vld [tilespmem:s12+$0xA670]  }
0x1ca: {  	v11 =	vld [tilespmem:s12+$0xAA30]  }
0x1cb: {  	v60 =	vld [tilespmem:s12+$0xB650];
	v1 =	vadd.f32 v8, v1  }
0x1cc: {  	v3 =	vadd.f32 v3, v5;
	v5 =	vld [tilespmem:$0x1FED0]  }
0x1cd: {  	v7 =	vadd.f32 v7, v1;
	v1 =	vld [tilespmem:$0x1FEF0]  }
0x1ce: {  	v23 =	vld [tilespmem:$0x1FE30]  }
0x1cf: {  	v58 =	vld [tilespmem:s12+$0xB630]  }
0x1d0: {  	v45 =	vld [tilespmem:s12+$0xAA70]  }
0x1d1: {  	v47 =	vld [tilespmem:s12+$0xB210];
	v5 =	vperm.xlane v5, v0  }
0x1d2: {  	v8 =	vld [tilespmem:$0x1FEA0];
	v1 =	vnsel vm1, $0x0, v1  }
0x1d3: {  	v49 =	vadd.f32 v23, v49;
	v1 =	vadd.f32 v3, v1;
	v3 =	vsel vm0, $0x0, v5;
	v5 =	vld [tilespmem:$0x1FF00]  }
0x1d4: {  	v61 =	vld [tilespmem:s12+$0xB670]  }
0x1d5: {  	v46 =	vld [tilespmem:s12+$0xAE10];
	v6 =	vadd.f32 v6, v49  }
0x1d6: {  	s21 =	sor.u32 $0x1C20, s1;
	v55 =	vld [tilespmem:s12+$0xB250]  }
0x1d7: {  	v33 =	vld [tilespmem:s21+$0xA200];
	v6 =	vadd.f32 v8, v6  }
0x1d8: {  	v4 =	vadd.f32 v5, v4;
	v5 =	vld [tilespmem:$0x1FF10]  }
0x1d9: {  	s25 =	sor.u32 $0x1C60, s1;
	v63 =	vld [tilespmem:s12+$0xBA30];
	v3 =	vadd.f32 v3, v6  }
0x1da: {  	s23 =	sand.u32 $0xF, s5;
	v23 =	vld.msk [tilespmem:s25+$0xA200], $0xff;
	v4 =	vadd.f32 v32, v4  }
0x1db: {  	s29 =	simm.s32 $0x400;
	s28 =	simm.s32 $0x80;
	v54 =	vld [tilespmem:s12+$0xB230];
	v8 =	vmov s23;
	v3 =	vadd.f32 v34, v3  }
0x1dc: {  	s31 =	sand.u32 $0x6000, s29;
	s26 =	sor.u32 $0x1C30, s1;
	s2 =	sand.u32 $0x380, s28;
	v49 =	vld [tilespmem:s12+$0xB610];
	vm1 =	veq.s32 v8, v62;
	v4 =	vadd.f32 v15, v4  }
0x1dd: {  	s21 =	sor.u32 s2, s31;
	v20 =	vld [tilespmem:s26+$0xA200];
	v8 =	vadd.f32 v16, v3;
	v5 =	vnsel vm1, $0x0, v5  }
0x1de: {  	s30 =	sor.u32 $0x1C40, s1;
	s1 =	sor.u32 $0x1C50, s1;
	v6 =	vld [tilespmem:s21+$0xBA20];
	v1 =	vadd.f32 v1, v5;
	v9 =	vadd.f32 v37, v4  }
0x1df: {  	v34 =	vld [tilespmem:s1+$0xA200];
	v5 =	vadd.f32 v10, v7;
	v7 =	vadd.f32 v17, v2  }
0x1e0: {  	v3 =	vld [tilespmem:s21+$0xBA40];
	v8 =	vadd.f32 v13, v8;
	v13 =	vadd.f32 v14, v9  }
0x1e1: {  	v2 =	vld [tilespmem:s21+$0xBA60];
	v7 =	vadd.f32 v27, v7  }
0x1e2: {  	v4 =	vld [tilespmem:s21+$0xBA50];
	v13 =	vadd.f32 v43, v13  }
0x1e3: {  	[tilespmem:$0x1FF20] =	vst v1;
	v1 =	vld [tilespmem:s30+$0xA200];
	v5 =	vadd.f32 v18, v5;
	v7 =	vadd.f32 v21, v7  }
0x1e4: {  	v14 =	vadd.f32 v42, v8;
	v9 =	vld [tilespmem:s21+$0xB660];
	v12 =	vadd.f32 v12, v13  }
0x1e5: {  	v8 =	vld [tilespmem:s21+$0xBA00];
	v5 =	vadd.f32 v28, v5;
	v15 =	vadd.f32 v57, v7  }
0x1e6: {  	v14 =	vadd.f32 v11, v14;
	v11 =	vld [tilespmem:s21+$0xB620];
	v17 =	vadd.f32 v46, v12  }
0x1e7: {  	v10 =	vadd.f32 v19, v5;
	v5 =	vld [tilespmem:s21+$0xBA70];
	v15 =	vadd.f32 v24, v15  }
0x1e8: {  	v7 =	vld [tilespmem:s21+$0xBA10];
	v19 =	vadd.f32 v48, v17  }
0x1e9: {  	v14 =	vadd.f32 v45, v14;
	v13 =	vld [tilespmem:s21+$0xB260];
	v15 =	vadd.f32 v29, v15  }
0x1ea: {  	v57 =	vld [tilespmem:$0x1FF60];
	v10 =	vadd.f32 v59, v10;
	v24 =	vadd.f32 v47, v19  }
0x1eb: {  	v14 =	vadd.f32 v51, v14;
	v12 =	vld [tilespmem:s21+$0xB600];
	v18 =	vadd.f32 v35, v15  }
0x1ec: {  	v59 =	vld [tilespmem:$0x1FF90];
	v16 =	vadd.f32 v22, v10;
	v24 =	vadd.f32 v55, v24  }
0x1ed: {  	v10 =	vld [tilespmem:s21+$0xB640];
	v21 =	vadd.f32 v50, v14;
	v18 =	vadd.f32 v38, v18  }
0x1ee: {  	v14 =	vld [tilespmem:s21+$0xB240];
	v16 =	vadd.f32 v25, v16;
	v27 =	vadd.f32 v49, v24  }
0x1ef: {  	v17 =	vld [tilespmem:s21+$0xAE60];
	v25 =	vadd.f32 v40, v18  }
0x1f0: {  	v16 =	vadd.f32 v26, v16;
	v55 =	vadd.f32 v60, v27;
	v27 =	vld [tilespmem:$0x1FF30]  }
0x1f1: {  	v15 =	vld [tilespmem:s21+$0xB220];
	v25 =	vadd.f32 v53, v25  }
0x1f2: {  	v21 =	vadd.f32 v54, v21;
	v19 =	vld [tilespmem:s21+$0xAE20];
	v22 =	vadd.f32 v36, v16  }
0x1f3: {  	v16 =	vld [tilespmem:s21+$0xB200];
	v29 =	vadd.f32 v52, v25  }
0x1f4: {  	v21 =	vadd.f32 v56, v21;
	v18 =	vld [tilespmem:s21+$0xAE40];
	v22 =	vadd.f32 v39, v22  }
0x1f5: {  	v29 =	vadd.f32 v27, v29;
	v27 =	vld [tilespmem:$0x1FF40]  }
0x1f6: {  	v28 =	vadd.f32 v58, v21;
	v21 =	vld [tilespmem:s21+$0xAE00];
	v26 =	vadd.f32 v41, v22  }
0x1f7: {  	v24 =	vld [tilespmem:s21+$0xAA20]  }
0x1f8: {  	v58 =	vld [tilespmem:$0x1FF80];
	v26 =	vadd.f32 v44, v26  }
0x1f9: {  	v36 =	vadd.f32 v57, v29;
	v29 =	vld [tilespmem:$0x1FF70]  }
0x1fa: {  	v28 =	vadd.f32 v61, v28;
	v56 =	vadd.f32 v27, v26;
	v26 =	vld [tilespmem:$0x1FF50]  }
0x1fb: {  	v61 =	vld [tilespmem:$0x1FFA0]  }
0x1fc: {  	v22 =	vld [tilespmem:s21+$0xAA60];
	v28 =	vadd.f32 v63, v28  }
0x1fd: {  	v25 =	vld [tilespmem:s21+$0xAA40]  }
0x1fe: {  	v60 =	vadd.f32 v59, v28;
	v28 =	vld [tilespmem:s21+$0xA640]  }
0x1ff: {  	v27 =	vld [tilespmem:s21+$0xA660];
	v35 =	vadd.f32 v29, v56;
	v32 =	vadd.f32 v26, v55  }
0x200: {  	v29 =	vld [tilespmem:s21+$0xA620]  }
0x201: {  	v35 =	vadd.f32 v31, v35;
	v31 =	vld [tilespmem:s21+$0xA600];
	v37 =	vadd.f32 v58, v32  }
0x202: {  	v63 =	vperm.xlane v23, v0;
	v20 =	vadd.f32 v20, v60;
	v36 =	vadd.f32 v61, v36;
	v26 =	vld [tilespmem:s21+$0xAA00]  }
0x203: {  	v23 =	vadd.f32 v1, v35;
	v35 =	vld [tilespmem:s21+$0xA240];
	v37 =	vadd.f32 v30, v37  }
0x204: {  	v1 =	vsel vm0, $0x0, v63;
	v32 =	vld [tilespmem:s21+$0xA260];
	v30 =	vadd.f32 v33, v36  }
0x205: {  	s22 =	simm.s32 $0x0;
	s0 =	simm.s32 $0xFFFF8400;
	s1 =	simm.s32 $0x100;
	v36 =	vld [tilespmem:s21+$0xA220];
	v33 =	vadd.f32 v1, v20;
	v34 =	vadd.f32 v34, v37  }
.LBB2_5:
0x206: {  	p1 =	sne.s32 s1, $0xF80;
	v1 =	vld [tilespmem:s21+$0xA200]  }
0x207: {  	v20 =	vld [tilespmem:s21+$0xA210]  }
0x208: {  	v37 =	vld [tilespmem:s21+$0xA230]  }
0x209: {  	v38 =	vld [tilespmem:s21+$0xA250]  }
0x20a: {  	v39 =	vld [tilespmem:s21+$0xA270]  }
0x20b: {  	v40 =	vld [tilespmem:s21+$0xA610]  }
0x20c: {  	v1 =	vadd.f32 v1, v23;
	v23 =	vld [tilespmem:s21+$0xA630]  }
0x20d: {  	v20 =	vadd.f32 v20, v34;
	v33 =	vadd.f32 v37, v33;
	v34 =	vld [tilespmem:s21+$0xA650]  }
0x20e: {  	v30 =	vadd.f32 v36, v30;
	v1 =	vadd.f32 v35, v1;
	v35 =	vld [tilespmem:s21+$0xA670]  }
0x20f: {  	v20 =	vadd.f32 v38, v20;
	v33 =	vadd.f32 v39, v33;
	v36 =	vld [tilespmem:s21+$0xAA10]  }
0x210: {  	v30 =	vadd.f32 v32, v30;
	v1 =	vadd.f32 v31, v1;
	v31 =	vld [tilespmem:s21+$0xAA30]  }
0x211: {  	v20 =	vadd.f32 v40, v20;
	v23 =	vadd.f32 v23, v33;
	v32 =	vld [tilespmem:s21+$0xAA50]  }
0x212: {  	v29 =	vadd.f32 v29, v30;
	v1 =	vadd.f32 v28, v1;
	v28 =	vld [tilespmem:s21+$0xAA70]  }
0x213: {  	v20 =	vadd.f32 v34, v20;
	v23 =	vadd.f32 v35, v23;
	v30 =	vld [tilespmem:s21+$0xAE10]  }
0x214: {  	v27 =	vadd.f32 v27, v29;
	v1 =	vadd.f32 v26, v1;
	v26 =	vld [tilespmem:s21+$0xAE30]  }
0x215: {  	v20 =	vadd.f32 v36, v20;
	v23 =	vadd.f32 v31, v23;
	v29 =	vld [tilespmem:s21+$0xAE50]  }
0x216: {  	v24 =	vadd.f32 v24, v27;
	v1 =	vadd.f32 v25, v1;
	v25 =	vld [tilespmem:s21+$0xAE70]  }
0x217: {  	v20 =	vadd.f32 v32, v20;
	v23 =	vadd.f32 v28, v23;
	v27 =	vld [tilespmem:s21+$0xB210]  }
0x218: {  	v22 =	vadd.f32 v22, v24;
	v1 =	vadd.f32 v21, v1;
	v21 =	vld [tilespmem:s21+$0xB230]  }
0x219: {  	v20 =	vadd.f32 v30, v20;
	v23 =	vadd.f32 v26, v23;
	v24 =	vld [tilespmem:s21+$0xB250]  }
0x21a: {  	v19 =	vadd.f32 v19, v22;
	v1 =	vadd.f32 v18, v1;
	v18 =	vld [tilespmem:s21+$0xB270]  }
0x21b: {  	s20 =	sadd.s32 $0x1, s20;
	v20 =	vadd.f32 v29, v20;
	v22 =	vadd.f32 v25, v23;
	v23 =	vld [tilespmem:s21+$0xB610]  }
0x21c: {  	s2 =	sand.u32 $0x7, s20;
	v17 =	vadd.f32 v17, v19;
	v1 =	vadd.f32 v16, v1;
	v16 =	vld [tilespmem:s21+$0xB630]  }
0x21d: {  	s22 =	sadd.s32 $0x400, s22;
	s2 =	sshll.u32 s2, $0x7;
	v19 =	vadd.f32 v27, v20;
	v20 =	vadd.f32 v21, v22;
	v21 =	vld [tilespmem:s21+$0xB650]  }
0x21e: {  	s2 =	sadd.s32 s2, s22;
	v15 =	vadd.f32 v15, v17;
	v1 =	vadd.f32 v14, v1;
	v14 =	vld [tilespmem:s21+$0xB670]  }
0x21f: {  	s3 =	sor.u32 $0x1C20, s2;
	v17 =	vadd.f32 v24, v19;
	v18 =	vadd.f32 v18, v20;
	v19 =	vld [tilespmem:s21+$0xBA30]  }
0x220: {  	s4 =	sor.u32 $0x1C00, s2;
	v13 =	vadd.f32 v13, v15;
	v1 =	vadd.f32 v12, v1;
	v12 =	vld [tilespmem:s3+$0xA200]  }
0x221: {  	v15 =	vadd.f32 v23, v17;
	s3 =	sor.u32 $0x1C10, s2;
	v16 =	vadd.f32 v16, v18;
	v17 =	vld [tilespmem:s4+$0xA200]  }
0x222: {  	v11 =	vadd.f32 v11, v13;
	v1 =	vadd.f32 v10, v1;
	v10 =	vld [tilespmem:s3+$0xA200];
	s3 =	sor.u32 $0x1C60, s2  }
0x223: {  	s0 =	sadd.s32 $0x400, s0;
	s4 =	sor.u32 $0x1C30, s2;
	v13 =	vadd.f32 v21, v15;
	v14 =	vadd.f32 v14, v16;
	v15 =	vld.msk [tilespmem:s3+$0xA200], $0xff  }
0x224: {  	v9 =	vadd.f32 v9, v11;
	s3 =	sadd.s32 $0x8000, s0;
	v1 =	vadd.f32 v8, v1;
	v8 =	vld [tilespmem:s4+$0xA200];
	s4 =	sor.u32 $0x1C40, s2  }
0x225: {  	s5 =	sand.u32 $0x380, s1;
	s3 =	sand.u32 $0x6000, s3;
	v7 =	vadd.f32 v7, v13;
	s2 =	sor.u32 $0x1C50, s2;
	v11 =	vadd.f32 v19, v14;
	v13 =	vld [tilespmem:s4+$0xA200]  }
0x226: {  	v9 =	vadd.f32 v6, v9;
	s21 =	sor.u32 s5, s3;
	v1 =	vadd.f32 v3, v1;
	v14 =	vld [tilespmem:s2+$0xA200]  }
0x227: {  	v4 =	vadd.f32 v4, v7;
	v16 =	vld [tilespmem:s21+$0xBA60];
	v5 =	vadd.f32 v5, v11  }
0x228: {  	v2 =	vadd.f32 v2, v9;
	v1 =	vadd.f32 v17, v1;
	v6 =	vld [tilespmem:s21+$0xBA20];
	v7 =	vperm.xlane v15, v0  }
0x229: {  	v9 =	vadd.f32 v10, v4;
	v3 =	vld [tilespmem:s21+$0xBA40];
	v8 =	vadd.f32 v8, v5  }
0x22a: {  	v30 =	vadd.f32 v12, v2;
	v4 =	vld [tilespmem:s21+$0xBA50];
	v23 =	vadd.f32 v13, v1;
	v1 =	vsel vm0, $0x0, v7  }
0x22b: {  	v5 =	vld [tilespmem:s21+$0xBA70];
	v34 =	vadd.f32 v14, v9;
	v33 =	vadd.f32 v1, v8  }
0x22c: {  	v9 =	vld [tilespmem:s21+$0xB660];
	v2 =	vmov v16  }
0x22d: {  	v8 =	vld [tilespmem:s21+$0xBA00]  }
0x22e: {  	v7 =	vld [tilespmem:s21+$0xBA10]  }
0x22f: {  	v11 =	vld [tilespmem:s21+$0xB620]  }
0x230: {  	v10 =	vld [tilespmem:s21+$0xB640]  }
0x231: {  	v13 =	vld [tilespmem:s21+$0xB260]  }
0x232: {  	v12 =	vld [tilespmem:s21+$0xB600]  }
0x233: {  	v15 =	vld [tilespmem:s21+$0xB220]  }
0x234: {  	v14 =	vld [tilespmem:s21+$0xB240]  }
0x235: {  	v17 =	vld [tilespmem:s21+$0xAE60]  }
0x236: {  	v16 =	vld [tilespmem:s21+$0xB200]  }
0x237: {  	v19 =	vld [tilespmem:s21+$0xAE20]  }
0x238: {  	v18 =	vld [tilespmem:s21+$0xAE40]  }
0x239: {  	v22 =	vld [tilespmem:s21+$0xAA60]  }
0x23a: {  	v21 =	vld [tilespmem:s21+$0xAE00]  }
0x23b: {  	v24 =	vld [tilespmem:s21+$0xAA20]  }
0x23c: {  	v25 =	vld [tilespmem:s21+$0xAA40]  }
0x23d: {  	v27 =	vld [tilespmem:s21+$0xA660]  }
0x23e: {  	v26 =	vld [tilespmem:s21+$0xAA00]  }
0x23f: {  	v29 =	vld [tilespmem:s21+$0xA620]  }
.Ltmp3:
0x240: {  	v28 =	vld [tilespmem:s21+$0xA640];
	(pc) =	sbr.rel @p1 .LBB2_5-.Ltmp3, $4  }
0x241: {  	v32 =	vld [tilespmem:s21+$0xA260]  }
0x242: {  	v31 =	vld [tilespmem:s21+$0xA600]  }
0x243: {  	v36 =	vld [tilespmem:s21+$0xA220]  }
0x244: {  	s1 =	sadd.s32 $0x80, s1;
	v35 =	vld [tilespmem:s21+$0xA240]  }
0x245: {  	s4 =	rddreg [dreg:$0xc]  }
0x246: {  	v1 =	vld [tilespmem:s4+$0x20];
	_ =	sdelay $0x4  }
0x247: {  	(v2sf) =	vpush v1, $0x0  }
0x248: {  	(v2sf) =	vpush v1, $0x1;
	_ =	sdelay $0x1  }
0x249: {  	v20 =	vld [tilespmem:s21+$0xA200];
	(v2sf) =	vpush v1, $0x2  }
0x24a: {  	(v2sf) =	vpush v1, $0x3;
	_ =	sdelay $0x1  }
0x24b: {  	(v2sf) =	vpush v1, $0x4;
	_ =	sdelay $0x1  }
0x24c: {  	v20 =	vadd.f32 v20, v23;
	(v2sf) =	vpush v1, $0x5;
	_ =	sdelay $0x1  }
0x24d: {  	v20 =	vadd.f32 v35, v20;
	(v2sf) =	vpush v1, $0x6;
	_ =	sdelay $0x1  }
0x24e: {  	v20 =	vadd.f32 v31, v20;
	(v2sf) =	vpush v1, $0x7;
	_ =	sdelay $0x1  }
0x24f: {  	v37 =	vld [tilespmem:s21+$0xA210];
	v20 =	vadd.f32 v28, v20;
	(v2sf) =	vpush v1, $0x8  }
0x250: {  	v38 =	vld [tilespmem:s21+$0xA230];
	s0 =	spop (v2sf)  }
0x251: {  	v39 =	vld [tilespmem:s21+$0xA250];
	v20 =	vadd.f32 v26, v20;
	(v2sf) =	vpush v1, $0x9;
	s1 =	sshll.u32 s0, $0x3;
	s2 =	spop (v2sf)  }
0x252: {  	v40 =	vld [tilespmem:s21+$0xA270];
	s3 =	sand.u32 $0x70, s0;
	s0 =	sand.u32 $0xF, s0;
	s1 =	sand.u32 $0xFFFFFC00, s1  }
0x253: {  	v58 =	vld [tilespmem:s21+$0xA610];
	v20 =	vadd.f32 v25, v20;
	(v2sf) =	vpush v1, $0xA;
	s6 =	spop (v2sf);
	s12 =	sshll.u32 s2, $0x3;
	s13 =	sand.u32 $0x70, s2  }
0x254: {  	v59 =	vld [tilespmem:s21+$0xA630];
	v34 =	vadd.f32 v37, v34;
	s10 =	sand.u32 $0xF, s2;
	s1 =	sor.u32 s3, s1;
	s7 =	spop (v2sf);
	(v2sf) =	vpush v1, $0xB  }
0x255: {  	v61 =	vld [tilespmem:s21+$0xA650];
	v33 =	vadd.f32 v38, v33;
	v20 =	vadd.f32 v21, v20;
	s3 =	sand.u32 $0xFFFFFC00, s12;
	s14 =	sshll.u32 s6, $0x3;
	s15 =	sand.u32 $0x70, s6  }
0x256: {  	v30 =	vadd.f32 v36, v30;
	v34 =	vadd.f32 v39, v34;
	s6 =	sand.u32 $0xF, s6;
	s8 =	spop (v2sf);
	s9 =	sor.u32 s13, s3  }
0x257: {  	v33 =	vadd.f32 v40, v33;
	v18 =	vadd.f32 v18, v20;
	v60 =	vld [tilespmem:s1+$0xA200];
	s3 =	sand.u32 $0xFFFFFC00, s14;
	s18 =	sshll.u32 s7, $0x3;
	s23 =	sand.u32 $0x70, s7  }
0x258: {  	v44 =	vld [tilespmem:$0x1FF20];
	v40 =	vadd.f32 v58, v34;
	(v2sf) =	vpush v1, $0xC;
	s7 =	sand.u32 $0xF, s7;
	s5 =	spop (v2sf);
	s1 =	sor.u32 s15, s3  }
0x259: {  	v16 =	vadd.f32 v16, v18;
	(v2sf) =	vpush v1, $0xD;
	v63 =	vld [tilespmem:s9+$0xA280];
	s9 =	sand.u32 $0xFFFFFC00, s18;
	s11 =	sshll.u32 s8, $0x3;
	s25 =	sand.u32 $0x70, s8  }
0x25a: {  	v23 =	vld [tilespmem:s4+$0x30];
	v33 =	vadd.f32 v59, v33;
	v31 =	vadd.f32 v61, v40;
	v41 =	vmov s0;
	s8 =	sand.u32 $0xF, s8;
	s16 =	spop (v2sf);
	s24 =	sor.u32 s23, s9  }
0x25b: {  	v14 =	vadd.f32 v14, v16;
	vm1 =	veq.s32 v41, v62;
	(v2sf) =	vpush v1, $0xE;
	v42 =	vld [tilespmem:s1+$0xA300];
	s26 =	sand.u32 $0xFFFFFC00, s11;
	s28 =	sand.u32 $0x70, s5;
	s29 =	sshll.u32 s5, $0x3  }
0x25c: {  	v43 =	vmov s10;
	v46 =	vmov s6;
	s5 =	sand.u32 $0xF, s5;
	s17 =	spop (v2sf);
	s9 =	sor.u32 s25, s26;
	v34 =	vnsel vm1, $0x0, v60  }
0x25d: {  	(v2sf) =	vpush v1, $0xF;
	v45 =	vld [tilespmem:s24+$0xA380];
	s30 =	sand.u32 $0xFFFFFC00, s29;
	s31 =	sshll.u32 s16, $0x3;
	s10 =	sand.u32 $0x70, s16;
	vm1 =	veq.s32 v43, v62;
	v28 =	vadd.f32 v34, v44  }
0x25e: {  	v48 =	vmov s7;
	v1 =	vadd.f32 v32, v30;
	s4 =	sand.u32 $0xF, s16;
	s19 =	spop (v2sf);
	s6 =	sor.u32 s28, s30;
	v30 =	vnsel vm1, $0x0, v63  }
0x25f: {  	(v2sf) =	vpush v23, $0x0;
	v47 =	vld [tilespmem:s9+$0xA400];
	s11 =	sand.u32 $0xFFFFFC00, s31;
	s13 =	sshll.u32 s17, $0x3;
	s14 =	sand.u32 $0x70, s17;
	vm1 =	veq.s32 v46, v62;
	v28 =	vadd.f32 v28, v30  }
0x260: {  	v39 =	vld [tilespmem:s21+$0xA670];
	s3 =	sand.u32 $0xF, s17;
	v1 =	vadd.f32 v29, v1;
	s0 =	spop (v2sf);
	(v2sf) =	vpush v23, $0x1;
	s12 =	sor.u32 s10, s11;
	v29 =	vnsel vm1, $0x0, v42  }
0x261: {  	v50 =	vld [tilespmem:s6+$0xA480];
	s9 =	sand.u32 $0xFFFFFC00, s13;
	s15 =	sshll.u32 s19, $0x3;
	s16 =	sand.u32 $0x70, s19;
	(v2sf) =	vpush v23, $0x2;
	vm1 =	veq.s32 v48, v62;
	v49 =	vadd.f32 v28, v29  }
0x262: {  	v55 =	vld [tilespmem:s21+$0xAA30];
	v53 =	vmov s8;
	s18 =	sand.u32 $0xF, s19;
	s1 =	spop (v2sf);
	s6 =	sor.u32 s14, s9;
	(v2sf) =	vpush v23, $0x3;
	v52 =	vnsel vm1, $0x0, v45  }
0x263: {  	v54 =	vld [tilespmem:s12+$0xA500];
	s8 =	sand.u32 $0xFFFFFC00, s15;
	s30 =	sand.u32 $0x70, s0;
	vm1 =	veq.s32 v53, v62;
	v26 =	vadd.f32 v49, v52;
	s17 =	spop (v2sf);
	(v2sf) =	vpush v23, $0x4  }
0x264: {  	v12 =	vadd.f32 v12, v14;
	v56 =	vmov s5;
	s31 =	sshll.u32 s0, $0x3;
	s0 =	sand.u32 $0xF, s0;
	s7 =	sor.u32 s16, s8;
	v30 =	vnsel vm1, $0x0, v47  }
0x265: {  	v32 =	vadd.f32 v39, v33;
	v57 =	vld [tilespmem:s6+$0xA580];
	s23 =	sand.u32 $0xFFFFFC00, s31;
	s24 =	sshll.u32 s1, $0x3;
	s14 =	sand.u32 $0x70, s1;
	vm1 =	veq.s32 v56, v62;
	v26 =	vadd.f32 v26, v30  }
0x266: {  	v51 =	vld [tilespmem:s21+$0xAA10];
	v58 =	vmov s4;
	v61 =	vmov s3;
	s1 =	sand.u32 $0xF, s1;
	s12 =	sand.u32 $0xFFFFFC00, s24;
	s4 =	sor.u32 s30, s23;
	v28 =	vnsel vm1, $0x0, v50  }
0x267: {  	v38 =	vadd.f32 v55, v32;
	v59 =	vld [tilespmem:s7+$0xC200];
	s7 =	sor.u32 s14, s12;
	vm1 =	veq.s32 v58, v62;
	s19 =	spop (v2sf);
	s26 =	sand.u32 $0x70, s17;
	v26 =	vadd.f32 v26, v28  }
0x268: {  	v37 =	vmov s18;
	v1 =	vadd.f32 v27, v1;
	v27 =	vnsel vm1, $0x0, v54;
	s28 =	sshll.u32 s17, $0x3;
	s9 =	sand.u32 $0xF, s17;
	s5 =	spop (v2sf)  }
0x269: {  	v42 =	vmov s0;
	v39 =	vld [tilespmem:s4+$0xC280];
	vm1 =	veq.s32 v61, v62;
	s29 =	sshll.u32 s19, $0x3;
	s30 =	sand.u32 $0xFFFFFC00, s28;
	s31 =	sand.u32 $0x70, s19;
	v26 =	vadd.f32 v26, v27  }
0x26a: {  	v35 =	vld [tilespmem:s21+$0xBA30];
	v44 =	vmov s1;
	v1 =	vadd.f32 v24, v1;
	v30 =	vnsel vm1, $0x0, v57;
	s10 =	sand.u32 $0xF, s19;
	s25 =	spop (v2sf);
	s12 =	sand.u32 $0xFFFFFC00, s29  }
0x26b: {  	v40 =	vld [tilespmem:s7+$0xC300];
	vm1 =	veq.s32 v37, v62;
	(v2sf) =	vpush v23, $0x5;
	s8 =	sor.u32 s26, s30;
	s17 =	sand.u32 $0x70, s5;
	s6 =	sand.u32 $0xF, s5;
	v26 =	vadd.f32 v26, v30  }
0x26c: {  	v60 =	vld [tilespmem:s21+$0xAA50];
	v29 =	vadd.f32 v51, v31;
	v41 =	vnsel vm1, $0x0, v59;
	(v2sf) =	vpush v23, $0x6;
	s15 =	spop (v2sf);
	s11 =	sor.u32 s31, s12;
	s12 =	sshll.u32 s5, $0x3  }
0x26d: {  	vm1 =	veq.s32 v42, v62;
	(v2sf) =	vpush v23, $0x7;
	v43 =	vld [tilespmem:s8+$0xC380];
	s19 =	sshll.u32 s25, $0x3;
	s23 =	sand.u32 $0x70, s25;
	s25 =	sand.u32 $0xF, s25;
	v24 =	vadd.f32 v26, v41  }
0x26e: {  	v63 =	vld [tilespmem:s21+$0xAA70];
	v45 =	vmov s9;
	v32 =	vnsel vm1, $0x0, v39;
	s16 =	spop (v2sf);
	(v2sf) =	vpush v23, $0x8;
	s18 =	sand.u32 $0xFFFFFC00, s12;
	s9 =	sand.u32 $0xFFFFFC00, s19  }
0x26f: {  	vm1 =	veq.s32 v44, v62;
	v46 =	vld [tilespmem:s11+$0xC400];
	s24 =	sshll.u32 s15, $0x3;
	s26 =	sand.u32 $0x70, s15;
	s4 =	spop (v2sf);
	(v2sf) =	vpush v23, $0x9;
	v48 =	vadd.f32 v24, v32  }
0x270: {  	v55 =	vld [tilespmem:s21+$0xAE50];
	v1 =	vadd.f32 v22, v1;
	v25 =	vnsel vm1, $0x0, v40;
	s2 =	sand.u32 $0xF, s15;
	s1 =	sor.u32 s17, s18;
	s13 =	spop (v2sf);
	(v2sf) =	vpush v23, $0xA  }
0x271: {  	vm1 =	veq.s32 v45, v62;
	s12 =	sadd.s32 $0x400, s22;
	s7 =	sor.u32 s23, s9;
	v52 =	vld [tilespmem:s1+$0xC480];
	s29 =	spop (v2sf);
	(v2sf) =	vpush v23, $0xB;
	v22 =	vadd.f32 v48, v25  }
0x272: {  	v47 =	vld [tilespmem:s21+$0xAE10];
	v50 =	vmov s10;
	s9 =	sand.u32 $0xFFFFFC00, s24;
	s28 =	sshll.u32 s16, $0x3;
	v51 =	vnsel vm1, $0x0, v43;
	s1 =	spop (v2sf);
	(v2sf) =	vpush v23, $0xC  }
0x273: {  	s30 =	sand.u32 $0x70, s16;
	s14 =	sand.u32 $0xF, s16;
	s9 =	sor.u32 s26, s9;
	v54 =	vld [tilespmem:s7+$0xC500];
	vm1 =	veq.s32 v50, v62;
	v22 =	vadd.f32 v22, v51;
	(v2sf) =	vpush v23, $0xD  }
0x274: {  	v31 =	vadd.f32 v63, v38;
	v63 =	vld [tilespmem:s21+$0xAE70];
	v53 =	vmov s6;
	s31 =	sand.u32 $0xFFFFFC00, s28;
	s15 =	sshll.u32 s4, $0x3;
	s17 =	sand.u32 $0x70, s4;
	v56 =	vnsel vm1, $0x0, v46  }
0x275: {  	v29 =	vadd.f32 v60, v29;
	s6 =	sor.u32 s30, s31;
	v58 =	vld [tilespmem:s9+$0xC580];
	s8 =	sand.u32 $0xFFFFFC00, s15;
	s18 =	sshll.u32 s13, $0x3;
	vm1 =	veq.s32 v53, v62;
	v22 =	vadd.f32 v22, v56  }
0x276: {  	v49 =	vld [tilespmem:s21+$0xAE30];
	v1 =	vadd.f32 v19, v1;
	v57 =	vmov s25;
	s19 =	sand.u32 $0x70, s13;
	s0 =	sand.u32 $0xF, s13;
	s30 =	sadd.s32 $0x1, s20;
	v26 =	vnsel vm1, $0x0, v52  }
0x277: {  	v37 =	vadd.f32 v47, v29;
	v60 =	vld [tilespmem:s6+$0xE200];
	s8 =	sor.u32 s17, s8;
	s9 =	sand.u32 $0xFFFFFC00, s18;
	s23 =	sshll.u32 s29, $0x3;
	vm1 =	veq.s32 v57, v62;
	v22 =	vadd.f32 v22, v26  }
0x278: {  	v1 =	vadd.f32 v17, v1;
	v59 =	vmov s2;
	s24 =	sand.u32 $0x70, s29;
	v38 =	vld [tilespmem:s8+$0xE280];
	s8 =	sor.u32 s19, s9;
	s9 =	sand.u32 $0xFFFFFC00, s23;
	v40 =	vnsel vm1, $0x0, v54  }
0x279: {  	v29 =	vld [tilespmem:s21+$0xB650];
	s4 =	sand.u32 $0xF, s4;
	v43 =	vmov s0;
	s0 =	sor.u32 s24, s9;
	s9 =	sand.u32 $0x7, s30;
	vm1 =	veq.s32 v59, v62;
	v19 =	vadd.f32 v22, v40  }
0x27a: {  	v10 =	vadd.f32 v10, v12;
	v42 =	vld [tilespmem:s21+$0xB230];
	v61 =	vmov s14;
	s25 =	sand.u32 $0xF, s29;
	s9 =	sshll.u32 s9, $0x7;
	v46 =	vnsel vm1, $0x0, v58;
	s7 =	spop (v2sf)  }
0x27b: {  	v1 =	vadd.f32 v15, v1;
	v44 =	vld [tilespmem:s8+$0xE300];
	vm1 =	veq.s32 v61, v62;
	s26 =	sshll.u32 s1, $0x3;
	s28 =	sand.u32 $0x70, s1;
	s16 =	spop (v2sf);
	v19 =	vadd.f32 v19, v46  }
0x27c: {  	v8 =	vadd.f32 v8, v10;
	v39 =	vld [tilespmem:s21+$0xB210];
	v41 =	vmov s4;
	v50 =	vnsel vm1, $0x0, v60;
	s1 =	sand.u32 $0xF, s1;
	s29 =	sand.u32 $0xFFFFFC00, s26;
	s3 =	spop (v2sf)  }
0x27d: {  	v1 =	vadd.f32 v13, v1;
	v47 =	vld [tilespmem:s0+$0xE380];
	vm1 =	veq.s32 v41, v62;
	s0 =	sor.u32 s28, s29;
	s31 =	sshll.u32 s7, $0x3;
	s2 =	spop (v2sf);
	v17 =	vadd.f32 v50, v19  }
0x27e: {  	v45 =	vadd.f32 v55, v37;
	v24 =	vadd.f32 v49, v31;
	v49 =	vld [tilespmem:s21+$0xB250];
	v53 =	vnsel vm1, $0x0, v38;
	s10 =	sand.u32 $0x70, s7;
	s8 =	sand.u32 $0xFFFFFC00, s31;
	s4 =	spop (v2sf)  }
0x27f: {  	v1 =	vadd.f32 v11, v1;
	vm1 =	veq.s32 v43, v62;
	v51 =	vld [tilespmem:s0+$0xE400];
	s11 =	sshll.u32 s16, $0x3;
	s13 =	sand.u32 $0x70, s16;
	s5 =	spop (v2sf);
	v54 =	vadd.f32 v17, v53  }
0x280: {  	v31 =	vld [tilespmem:s21+$0xB670];
	v48 =	vmov s25;
	v57 =	vnsel vm1, $0x0, v44;
	(v2sf) =	vpush v23, $0xE;
	s0 =	sor.u32 s10, s8;
	s8 =	sand.u32 $0xFFFFFC00, s11;
	s14 =	spop (v2sf)  }
0x281: {  	vm1 =	veq.s32 v48, v62;
	v60 =	vmov s1;
	s6 =	sand.u32 $0xF, s7;
	v55 =	vld [tilespmem:s0+$0xE480];
	s15 =	sor.u32 s13, s8;
	v15 =	vadd.f32 v54, v57;
	s8 =	spop (v2sf)  }
0x282: {  	v52 =	vld [tilespmem:s21+$0xB270];
	v59 =	vnsel vm1, $0x0, v47;
	v61 =	vmov s6;
	s7 =	sand.u32 $0xF, s16;
	s16 =	sshll.u32 s3, $0x3;
	s6 =	spop (v2sf);
	(v2sf) =	vpush v23, $0xF  }
0x283: {  	v24 =	vadd.f32 v63, v24;
	vm1 =	veq.s32 v60, v62;
	s17 =	sand.u32 $0x70, s3;
	s3 =	sand.u32 $0xF, s3;
	s10 =	sand.u32 $0xFFFFFC00, s16;
	v63 =	vld [tilespmem:s15+$0xE500];
	v15 =	vadd.f32 v15, v59  }
0x284: {  	v3 =	vadd.f32 v3, v8;
	v56 =	vld [tilespmem:s21+$0xB610];
	v30 =	vmov s7;
	s0 =	sadd.s32 s9, s12;
	s18 =	sshll.u32 s2, $0x3;
	s7 =	sor.u32 s17, s10;
	v32 =	vnsel vm1, $0x0, v51  }
0x285: {  	v1 =	vadd.f32 v9, v1;
	s20 =	sand.u32 $0x70, s2;
	s2 =	sand.u32 $0xF, s2;
	s10 =	sand.u32 $0xFFFFFC00, s18;
	v33 =	vld [tilespmem:s7+$0xE580];
	vm1 =	veq.s32 v61, v62;
	v13 =	vadd.f32 v15, v32  }
0x286: {  	v20 =	vadd.f32 v39, v45;
	v58 =	vld [tilespmem:s21+$0xB630];
	v34 =	vmov s3;
	s19 =	sor.u32 $0x1C20, s0;
	s22 =	sshll.u32 s4, $0x3;
	s3 =	sor.u32 s20, s10;
	v17 =	vnsel vm1, $0x0, v55  }
0x287: {  	v1 =	vadd.f32 v6, v1;
	s23 =	sor.u32 $0x1C00, s0;
	s24 =	sand.u32 $0x70, s4;
	s10 =	sand.u32 $0xFFFFFC00, s22;
	v37 =	vld [tilespmem:s3+$0x10200];
	vm1 =	veq.s32 v30, v62;
	v13 =	vadd.f32 v13, v17  }
0x288: {  	v20 =	vadd.f32 v49, v20;
	v38 =	vmov s2;
	s4 =	sand.u32 $0xF, s4;
	v39 =	vld [tilespmem:s19+$0xA200];
	s25 =	sshll.u32 s5, $0x3;
	s2 =	sor.u32 s24, s10;
	v40 =	vnsel vm1, $0x0, v63  }
0x289: {  	v1 =	vadd.f32 v2, v1;
	s26 =	sor.u32 $0x1C10, s0;
	s28 =	sand.u32 $0x70, s5;
	s7 =	sand.u32 $0xFFFFFC00, s25;
	v41 =	vld [tilespmem:s2+$0x10280];
	vm1 =	veq.s32 v34, v62;
	v11 =	vadd.f32 v13, v40  }
0x28a: {  	v24 =	vadd.f32 v42, v24;
	v36 =	vadd.f32 v56, v20;
	v43 =	vld [tilespmem:s23+$0xA200];
	s30 =	sand.u32 $0xF, s5;
	s31 =	sshll.u32 s14, $0x3;
	s29 =	sor.u32 s28, s7;
	v45 =	vnsel vm1, $0x0, v33  }
0x28b: {  	v42 =	vmov s4;
	s19 =	sor.u32 $0x1C40, s0;
	s10 =	sand.u32 $0x70, s14;
	s5 =	sand.u32 $0xFFFFFC00, s31;
	v46 =	vld [tilespmem:s29+$0x10300];
	vm1 =	veq.s32 v38, v62;
	v11 =	vadd.f32 v11, v45  }
0x28c: {  	v44 =	vadd.f32 v29, v36;
	v48 =	vld [tilespmem:s26+$0xA200];
	v19 =	vadd.f32 v52, v24;
	s12 =	sand.u32 $0xF, s14;
	s11 =	sor.u32 s10, s5;
	v49 =	vnsel vm1, $0x0, v37;
	s13 =	sshll.u32 s8, $0x3  }
0x28d: {  	v47 =	vmov s30;
	s14 =	sor.u32 $0x1C30, s0;
	v50 =	vld [tilespmem:s11+$0x10380];
	vm1 =	veq.s32 v42, v62;
	s15 =	sand.u32 $0x70, s8;
	s5 =	sand.u32 $0xFFFFFC00, s13;
	v9 =	vadd.f32 v11, v49  }
0x28e: {  	s7 =	sor.u32 $0x1C60, s0;
	v7 =	vadd.f32 v7, v44;
	v56 =	vld [tilespmem:s14+$0xA200];
	v19 =	vadd.f32 v58, v19;
	v53 =	vnsel vm1, $0x0, v41;
	s18 =	sshll.u32 s6, $0x3;
	s16 =	sor.u32 s15, s5  }
0x28f: {  	v51 =	vmov s12;
	vm1 =	veq.s32 v47, v62;
	s20 =	sand.u32 $0x70, s6;
	s1 =	spop (v2sf);
	s5 =	sand.u32 $0xFFFFFC00, s18;
	v54 =	vld [tilespmem:s16+$0x10400];
	v9 =	vadd.f32 v9, v53  }
0x290: {  	v52 =	vld.msk [tilespmem:s7+$0xA200], $0xff;
	v4 =	vadd.f32 v4, v7;
	v19 =	vadd.f32 v31, v19;
	s17 =	sand.u32 $0xF, s8;
	v6 =	vnsel vm1, $0x0, v46;
	s21 =	sor.u32 s20, s5;
	s23 =	sshll.u32 s1, $0x3  }
0x291: {  	v3 =	vadd.f32 v43, v3;
	vm1 =	veq.s32 v51, v62;
	s24 =	sand.u32 $0x70, s1;
	v57 =	vld [tilespmem:s21+$0x10480];
	s25 =	sand.u32 $0xFFFFFC00, s23;
	v6 =	vadd.f32 v9, v6;
	s26 =	spop (v2sf)  }
0x292: {  	s0 =	sor.u32 $0x1C50, s0;
	v19 =	vadd.f32 v35, v19;
	v59 =	vld [tilespmem:s19+$0xA200];
	v55 =	vmov s17;
	v7 =	vnsel vm1, $0x0, v50;
	s2 =	sor.u32 s24, s25;
	s28 =	sshll.u32 s26, $0x3  }
0x293: {  	v4 =	vadd.f32 v48, v4;
	s22 =	sand.u32 $0xF, s6;
	vm1 =	veq.s32 v55, v62;
	v6 =	vadd.f32 v6, v7;
	v7 =	vld [tilespmem:s2+$0x10500];
	s29 =	sand.u32 $0x70, s26;
	s3 =	sand.u32 $0xFFFFFC00, s28  }
0x294: {  	v8 =	vld [tilespmem:s0+$0xA200];
	v5 =	vadd.f32 v5, v19;
	v58 =	vmov s22;
	v2 =	vnsel vm1, $0x0, v54;
	s30 =	sor.u32 s29, s3  }
0x295: {  	v60 =	vperm.xlane v52, v0;
	s1 =	sand.u32 $0xF, s1;
	vm1 =	veq.s32 v58, v62;
	v2 =	vadd.f32 v6, v2;
	v6 =	vld [tilespmem:s30+$0x10580]  }
0x296: {  	v63 =	vadd.f32 v56, v5;
	v61 =	vmov s1;
	v9 =	vnsel vm1, $0x0, v57  }
.Ltmp4:
0x297: {  	v5 =	vadd.f32 v59, v3;
	vm1 =	veq.s32 v61, v62;
	s31 =	sand.u32 $0xF, s26;
	v9 =	vadd.f32 v2, v9;
	(pc) =	sbr.rel @p0 .LBB2_8-.Ltmp4, $4  }
0x298: {  	v2 =	vadd.f32 v39, v1;
	v1 =	vnsel vm1, $0x0, v7;
	v7 =	vmov s31  }
0x299: {  	v3 =	vsel vm0, $0x0, v60;
	v1 =	vadd.f32 v9, v1;
	vm1 =	veq.s32 v7, v62  }
0x29a: {  	v4 =	vadd.f32 v8, v4;
	v3 =	vadd.f32 v3, v63;
	v6 =	vnsel vm1, $0x0, v6  }
0x29b: {  	v6 =	vadd.f32 v1, v6  }
0x29c: {  	s0 =	rddreg [dreg:$0x7]  }
.Ltmp5:
0x29d: {  	s1 =	rddreg [dreg:$0xb];
	s30 =	simm.s32 $0x0;
	(pc) =	sbr.rel .LBB2_2-.Ltmp5, $4  }
0x29e: {  	s2 =	simm.s32 $0xA200;
	s31 =	rddreg [dreg:$0xd];
	s0 =	sadd.s32 s1, s0  }
0x29f: {  	[tilespmem:s2], [sflag:$0x2] =	stream.linear.gather [hbm4b:s0+s30], $0x8000, $0x38;
	[tilespmem:$0x14280] =	vst v63  }
0x2a0: {  	s0 =	sadd.s32 $0x1, s31  }
0x2a1: {  	[tilespmem:$0x1FFF0] =	vst v6;
	[dreg:$0xd] =	wrdreg s0  }
.LBB2_9:
0x2a2: {  	_ =	sfence.sel $0x180000  }
0x2a3: {  	[bflag:$0x0] =	sbarrier.arrive $0xFFFF  }
0x2a4: {  	_ =	strace $0x90000047  }
0x2a5: {  	s0 =	stileid.u32;
	[bflag:$0x2] =	sbarrier.arrive $0xFFFF  }
0x2a6: {  	p0 =	sne.s32 s0, $0x0;
	s0 =	rddreg [dreg:$0x2]  }
0x2a7: {  	s0 =	sadd.s32 @!p0 $0x100000, s0  }
0x2a8: {  	[sflag:s0] =	ssyncadd.tile.s32 @!p0 $0x1;
	_ =	shalt  }
.Lfunc_end2:
_tile_overlayer_lowered:
.L_overlay_start_2:
0x2a9: {  	(tag) =	ssettag $0x2  }
0x2aa: {  	s0 =	rddreg [dreg:$0x0];
	s2 =	stileid.u32  }
0x2ab: {  	s1 =	rddreg [dreg:$0x1];
	p0 =	sne.s32 s2, $0x0  }
0x2ac: {  	s3 =	rddreg [dreg:$0x2];
	[bflag:$0x3] =	sbarrier.arrive $0xFFFF;
	s2 =	simm.s32 @!p0 $0x1C03  }
0x2ad: {  	[timem:s3], [sflag:s2] =	dma.local @!p0 [hbm:s0], s1  }
0x2ae: {  	s0 =	simm.s32 @!p0 $0x3  }
0x2af: {  	_ =	swait.ge @!p0 [sflag:s0], s1  }
0x2b0: {  	s1 =	ssub.s32 @!p0 $0x0, s1;
	[sflag:s0] =	ssyncset.done @!p0 $0x0  }
0x2b1: {  	[sflag:s0] =	ssyncadd.s32 @!p0 s1  }
0x2b2: {  	[bflag:$0x3] =	sbarrier.arrive $0xFFFF  }
0x2b3: {  	_ =	shalt  }

</sc_bundles>
